<compile_context>
chip_gen: v7x
topology: tpu7x:2x2x1
jax: 0.10.2.dev20260603
libtpu: 0.0.44.dev20260713+nightly
codegen_flags: <defaults>
</compile_context>

<pallas_src>
import dataclasses
import functools

import jax
import jax.numpy as jnp
from jax import lax
from jax.experimental import pallas as pl
from jax.experimental.pallas import tpu as pltpu
from jax.experimental.pallas import tpu_sc as plsc

_NC = 2
_NS = 16
_NW = _NC * _NS
_W = 160
_K = 128
_VTXT = 100000


def _gather_sc(base_w, new_w, idx, n, d):
    b_per_w = n // _NW
    n_chunks = b_per_w // _W
    n_rounds = (b_per_w + _K - 1) // _K + 1
    assert n_chunks % 2 == 0 and n_chunks >= 4
    mesh = plsc.VectorSubcoreMesh(core_axis_name="c", subcore_axis_name="s")

    cparams = pltpu.CompilerParams()
    if "needs_layout_passes" in pltpu.CompilerParams.__dataclass_fields__:
        cparams = dataclasses.replace(cparams, needs_layout_passes=False)

    @functools.partial(
        pl.kernel,
        out_type=jax.ShapeDtypeStruct((n, d), jnp.float32),
        mesh=mesh,
        compiler_params=cparams,
        scratch_types=[
            pltpu.VMEM((b_per_w,), jnp.int32),
            pltpu.VMEM((_W,), jnp.int32),
            pltpu.VMEM((_W,), jnp.int32),
            pltpu.VMEM((_W, d), jnp.float32),
            pltpu.VMEM((_W, d), jnp.float32),
            pltpu.VMEM((n_rounds, _K), jnp.int32),
            pltpu.VMEM((n_rounds, _K), jnp.int32),
            pltpu.SMEM((2,), jnp.int32),
            pltpu.SemaphoreType.DMA,
            pltpu.SemaphoreType.DMA,
            pltpu.SemaphoreType.DMA,
            pltpu.SemaphoreType.DMA,
        ],
    )
    def gather_kernel(base_hbm, new_hbm, idx_hbm, out_hbm, idx_v,
                      midx0, midx1, rows0, rows1, fpos, fid, tot,
                      gsem0, gsem1, osem0, osem1):
        wid = lax.axis_index("s") * _NC + lax.axis_index("c")
        wbase = wid * b_per_w
        pltpu.sync_copy(idx_hbm.at[pl.ds(wbase, b_per_w)], idx_v)

        midx = (midx0, midx1)
        rows = (rows0, rows1)
        gsem = (gsem0, gsem1)
        osem = (osem0, osem1)

        iota = lax.iota(jnp.int32, 16)
        tot[0] = jnp.int32(0)

        def compute(c, p):
            cnt = tot[0]
            for v in range(_W // 16):
                ids = idx_v[pl.ds(c * _W + v * 16, 16)]
                m = ids >= _VTXT
                m32 = m.astype(jnp.int32)
                midx[p][pl.ds(v * 16, 16)] = ids - m32 * _VTXT
                pos = plsc.cumsum(m32) - 1 + cnt
                row = lax.shift_right_logical(pos, 7)
                col = lax.bitwise_and(pos, 127)
                gp = wbase + c * _W + v * 16 + iota
                plsc.store_scatter(fpos, [row, col], gp, mask=m)
                plsc.store_scatter(fid, [row, col], ids - _VTXT, mask=m)
                cnt = cnt + jnp.sum(m32)
            tot[0] = cnt

        def gstart(p):
            pltpu.async_copy(base_hbm.at[midx[p]], rows[p], gsem[p])

        def gwait(p):
            pltpu.make_async_copy(base_hbm.at[midx[p]], rows[p],
                                  gsem[p]).wait()

        def ostart(c, p):
            pltpu.async_copy(rows[p], out_hbm.at[pl.ds(wbase + c * _W, _W)],
                             osem[p])

        def owait(p):
            pltpu.make_async_copy(rows[p], out_hbm.at[pl.ds(wbase, _W)],
                                  osem[p]).wait()

        compute(0, 0)
        gstart(0)
        compute(1, 1)
        gstart(1)
        gwait(0)
        ostart(0, 0)

        @pl.loop(1, n_chunks - 1, step=2)
        def _(c):
            owait(0)
            compute(c + 1, 0)
            gstart(0)
            gwait(1)
            ostart(c, 1)
            owait(1)
            compute(c + 2, 1)
            gstart(1)
            gwait(0)
            ostart(c + 1, 0)

        gwait(1)
        ostart(n_chunks - 1, 1)
        owait(0)
        owait(1)

        cnt = tot[0]

        @pl.when(cnt > 0)
        def _():
            zeros = jnp.zeros((16,), jnp.int32)
            e0p = plsc.load_gather(fpos, [zeros, zeros])
            e0i = plsc.load_gather(fid, [zeros, zeros])
            for v in range(_K // 16):
                flat = cnt + v * 16 + iota
                row = lax.shift_right_logical(flat, 7)
                col = lax.bitwise_and(flat, 127)
                plsc.store_scatter(fpos, [row, col], e0p)
                plsc.store_scatter(fid, [row, col], e0i)

            nr = lax.shift_right_logical(cnt + (_K - 1), 7)

            def g2start(r, p):
                pltpu.async_copy(new_hbm.at[fid.at[r]],
                                 rows[p].at[pl.ds(0, _K)], gsem[p])

            def g2wait(p):
                pltpu.make_async_copy(new_hbm.at[pl.ds(0, _K)],
                                      rows[p].at[pl.ds(0, _K)],
                                      gsem[p]).wait()

            def s2start(r, p):
                pltpu.async_copy(rows[p].at[pl.ds(0, _K)],
                                 out_hbm.at[fpos.at[r]], osem[p])

            def s2wait(p):
                pltpu.make_async_copy(rows[p].at[pl.ds(0, _K)],
                                      out_hbm.at[pl.ds(wbase, _K)],
                                      osem[p]).wait()

            g2start(0, 0)

            def pair(i, carry):
                r0 = 2 * i
                r1 = r0 + 1
                g2wait(0)
                s2start(r0, 0)

                @pl.when(i > 0)
                def _():
                    s2wait(1)

                @pl.when(r1 < nr)
                def _():
                    g2start(r1, 1)
                    g2wait(1)
                    s2wait(0)

                    @pl.when(r1 + 1 < nr)
                    def _():
                        g2start(r1 + 1, 0)

                    s2start(r1, 1)

                return carry

            lax.fori_loop(0, lax.shift_right_logical(nr + 1, 1), pair,
                          jnp.int32(0))

            @pl.when(lax.bitwise_and(nr, 1) == 1)
            def _():
                s2wait(0)

            @pl.when(lax.bitwise_and(nr, 1) == 0)
            def _():
                s2wait(1)

    return gather_kernel(base_w, new_w, idx)


def kernel(input_ids, base_weight, new_weight):
    b, h = input_ids.shape
    d = base_weight.shape[1]
    idx = input_ids.reshape(-1).astype(jnp.int32)
    out = _gather_sc(base_weight, new_weight, idx, idx.shape[0], d)
    return out.reshape(b, h, d)

# --- scband reference (transcript-rebuilt; emitter-appended) ---
"""Pipeline reference for scband-overlay-embedding-74113955660429 (READ-ONLY COPY).

The authoritative reference and input builder live on the scoring server;
editing this copy changes nothing except your own understanding.
"""

import jax, jax.numpy as jnp
import numpy as np

VTXT = 100000
NUM_NEW = 4096
DIM = 128
BATCH = 4096
HIST = 200


def setup_inputs(seed: int = 0) -> dict:
    key = jax.random.key(seed)
    k1, k2, k3 = jax.random.split(key, 3)
    input_ids = jax.random.randint(k1, (BATCH, HIST), 0, VTXT + NUM_NEW, dtype=jnp.int64) if jax.config.jax_enable_x64 else jax.random.randint(k1, (BATCH, HIST), 0, VTXT + NUM_NEW, dtype=jnp.int32)
    base_weight = jax.random.normal(k2, (VTXT, DIM), dtype=jnp.float32)
    # overlay init: first init_mean_rows = mean of base, rest zero (matches torch __init__)
    mean = base_weight.mean(axis=0)
    new_weight = jnp.zeros((NUM_NEW, DIM), dtype=jnp.float32)
    new_weight = new_weight.at[:2].set(jnp.broadcast_to(mean[None, :], (2, DIM)))
    # add a bit of noise so gradients/outputs are non-degenerate for new rows
    new_weight = new_weight + 0.02 * jax.random.normal(k3, (NUM_NEW, DIM), dtype=jnp.float32)
    return {"input_ids": input_ids, "base_weight": base_weight, "new_weight": new_weight}


def reference(input_ids, base_weight, new_weight):
    # base_ids = input_ids.clamp_max(vtxt - 1)
    base_ids = jnp.minimum(input_ids, VTXT - 1)
    out = jnp.take(base_weight, base_ids, axis=0)
    mask = input_ids >= VTXT
    new_ids = jnp.where(mask, input_ids - VTXT, 0)
    new_vals = jnp.take(new_weight, new_ids, axis=0)
    out = jnp.where(mask[..., None], new_vals, out)
    return out

if __name__ == "__main__":
    import jax
    _d = setup_inputs()
    print(jax.jit(kernel)(*tuple(_d.values())))

</pallas_src>

<mosaic_0001>
#map = affine_map<(d0, d1) -> (0, 0)>
#map1 = affine_map<(d0, d1) -> (0)>
module attributes {stable_mosaic.version = 14 : i64} {
  func.func @gather_kernel(%arg0: i32, %arg1: i32, %arg2: memref<100000x128xf32, #tpu.memory_space<hbm>>, %arg3: memref<4096x128xf32, #tpu.memory_space<hbm>>, %arg4: memref<819200xi32, #tpu.memory_space<hbm>>, %arg5: memref<819200x128xf32, #tpu.memory_space<hbm>>, %arg6: memref<25600xi32, #tpu.memory_space<vmem>>, %arg7: memref<160xi32, #tpu.memory_space<vmem>>, %arg8: memref<160xi32, #tpu.memory_space<vmem>>, %arg9: memref<160x128xf32, #tpu.memory_space<vmem>>, %arg10: memref<160x128xf32, #tpu.memory_space<vmem>>, %arg11: memref<201x128xi32, #tpu.memory_space<vmem>>, %arg12: memref<201x128xi32, #tpu.memory_space<vmem>>, %arg13: memref<2xi32, #tpu.memory_space<smem>>, %arg14: memref<!tpu.dma_semaphore, #tpu.memory_space<semaphore_mem>>, %arg15: memref<!tpu.dma_semaphore, #tpu.memory_space<semaphore_mem>>, %arg16: memref<!tpu.dma_semaphore, #tpu.memory_space<semaphore_mem>>, %arg17: memref<!tpu.dma_semaphore, #tpu.memory_space<semaphore_mem>>) attributes {dimension_semantics = [#tpu.dimension_semantics<core_parallel>, #tpu.dimension_semantics<subcore_parallel>], iteration_bounds = array<i64: 2, 16>, scalar_prefetch = 0 : i64, scratch_operands = 12 : i64, tpu.core_type = #tpu.core_type<sc_vector_subcore>, window_params = [{transform_indices = #map}, {transform_indices = #map}, {transform_indices = #map1}, {transform_indices = #map}]} {
    %mul3A = arith.constant 2 : i32
    %mul3A_0 = arith.muli %arg1, %mul3A : i32
    %add3A = arith.addi %mul3A_0, %arg0 : i32
    %mul3A_1 = arith.constant 25600 : i32
    %mul3A_2 = arith.muli %add3A, %mul3A_1 : i32
    "tpu.region"() ({
      %run_scoped3A = tpu.sem_alloc : memref<!tpu.dma_semaphore, #tpu.memory_space<semaphore_mem>>
      %dma_start3A_849 = tpu.memref_slice %arg4[%mul3A_2] : memref<819200xi32, #tpu.memory_space<hbm>> -> memref<25600xi32, #tpu.memory_space<hbm>>
      %dma_start3A_850 = tpu.memref_slice %arg4[%mul3A_2] : memref<819200xi32, #tpu.memory_space<hbm>> -> memref<25600xi32, #tpu.memory_space<hbm>>
      tpu.enqueue_dma source(%dma_start3A_850 : memref<25600xi32, #tpu.memory_space<hbm>>) target(%arg6 : memref<25600xi32, #tpu.memory_space<vmem>>) target_semaphore(%run_scoped3A : memref<!tpu.dma_semaphore, #tpu.memory_space<semaphore_mem>>)
      %dma_wait3A_851 = tpu.memref_slice %arg4[%mul3A_2] : memref<819200xi32, #tpu.memory_space<hbm>> -> memref<25600xi32, #tpu.memory_space<hbm>>
      %dma_wait3A_852 = tpu.memref_slice %arg4[%mul3A_2] : memref<819200xi32, #tpu.memory_space<hbm>> -> memref<25600xi32, #tpu.memory_space<hbm>>
      tpu.wait_dma2 semaphore(%run_scoped3A : memref<!tpu.dma_semaphore, #tpu.memory_space<semaphore_mem>>) src(%dma_wait3A_852 : memref<25600xi32, #tpu.memory_space<hbm>>) dst(%arg6 : memref<25600xi32, #tpu.memory_space<vmem>>)
      tpu.yield
    }) : () -> ()
    %iota3A = tpu.iota {dimensions = array<i32: 0>} : vector<16xi32>
    %swap3A = arith.constant 0 : i32
    %swap3A_3 = arith.constant 0 : i32
    %swap3A_4 = arith.index_cast %swap3A_3 : i32 to index
    %swap3A_5 = memref.load %arg13[%swap3A_4] : memref<2xi32, #tpu.memory_space<smem>>
    memref.store %swap3A, %arg13[%swap3A_4] : memref<2xi32, #tpu.memory_space<smem>>
    %get3A = arith.constant 0 : i32
    %get3A_6 = arith.index_cast %get3A : i32 to index
    %get3A_7 = memref.load %arg13[%get3A_6] : memref<2xi32, #tpu.memory_space<smem>>
    %get3A_8 = arith.constant 0 : index
    %get3A_9 = tpu.vector_load %arg6[%get3A_8] {strides = array<i32>} : memref<25600xi32, #tpu.memory_space<vmem>>, vector<16xi32>,
    %ge3A = arith.constant 100000 : i32
    %ge3A_10 = vector.broadcast %ge3A : i32 to vector<16xi32>
    %ge3A_11 = arith.cmpi sge, %get3A_9, %ge3A_10 : vector<16xi32>
    %convert_element_type3A = arith.extui %ge3A_11 : vector<16xi1> to vector<16xi32>
    %mul3A_12 = arith.constant 100000 : i32
    %mul3A_13 = vector.broadcast %mul3A_12 : i32 to vector<16xi32>
    %mul3A_14 = arith.muli %convert_element_type3A, %mul3A_13 : vector<16xi32>
    %sub3A = arith.subi %get3A_9, %mul3A_14 : vector<16xi32>
    %swap3A_15 = arith.constant 0 : index
    %swap3A_16 = tpu.vector_load %arg7[%swap3A_15] {strides = array<i32>} : memref<160xi32, #tpu.memory_space<vmem>>, vector<16xi32>,
    tpu.vector_store %arg7[%swap3A_15], %sub3A {strides = array<i32>} : memref<160xi32, #tpu.memory_space<vmem>>, vector<16xi32>,
    %broadcast_in_dim3A = arith.constant true
    %broadcast_in_dim3A_17 = vector.broadcast %broadcast_in_dim3A : i1 to vector<16xi1>
    %masked_cumsum3A = tpu.scan <sum>, %convert_element_type3A masked %broadcast_in_dim3A_17 : vector<16xi32>, vector<16xi1> -> vector<16xi32>
    %sub3A_18 = arith.constant 1 : i32
    %sub3A_19 = vector.broadcast %sub3A_18 : i32 to vector<16xi32>
    %sub3A_20 = arith.subi %masked_cumsum3A, %sub3A_19 : vector<16xi32>
    %add3A_21 = vector.broadcast %get3A_7 : i32 to vector<16xi32>
    %add3A_22 = arith.addi %sub3A_20, %add3A_21 : vector<16xi32>
    %shift_right_logical3A = arith.constant 7 : i32
    %shift_right_logical3A_23 = vector.broadcast %shift_right_logical3A : i32 to vector<16xi32>
    %shift_right_logical3A_24 = arith.shrui %add3A_22, %shift_right_logical3A_23 : vector<16xi32>
    %and3A = arith.constant 127 : i32
    %and3A_25 = vector.broadcast %and3A : i32 to vector<16xi32>
    %and3A_26 = arith.andi %add3A_22, %and3A_25 : vector<16xi32>
    %add3A_27 = arith.constant 0 : i32
    %add3A_28 = arith.addi %mul3A_2, %add3A_27 : i32
    %add3A_29 = arith.constant 0 : i32
    %add3A_30 = arith.addi %add3A_28, %add3A_29 : i32
    %add3A_31 = vector.broadcast %add3A_30 : i32 to vector<16xi32>
    %add3A_32 = arith.addi %add3A_31, %iota3A : vector<16xi32>
    tpu.vector_store_idx %arg11[%shift_right_logical3A_24, %and3A_26], %add3A_32 masked %ge3A_11 : memref<201x128xi32, #tpu.memory_space<vmem>>[vector<16xi32>, vector<16xi32>], vector<16xi32>, vector<16xi1>
    %sub3A_33 = arith.constant 100000 : i32
    %sub3A_34 = vector.broadcast %sub3A_33 : i32 to vector<16xi32>
    %sub3A_35 = arith.subi %get3A_9, %sub3A_34 : vector<16xi32>
    tpu.vector_store_idx %arg12[%shift_right_logical3A_24, %and3A_26], %sub3A_35 masked %ge3A_11 : memref<201x128xi32, #tpu.memory_space<vmem>>[vector<16xi32>, vector<16xi32>], vector<16xi32>, vector<16xi1>
    %reduce_sum3A = arith.constant true
    %reduce_sum3A_36 = vector.broadcast %reduce_sum3A : i1 to vector<16xi1>
    %reduce_sum3A_37 = tpu.scan <sum>, %convert_element_type3A masked %reduce_sum3A_36 : vector<16xi32>, vector<16xi1> -> vector<16xi32>
    %reduce_sum3A_38 = vector.extract %reduce_sum3A_37[15] : i32 from vector<16xi32>
    %add3A_39 = arith.addi %get3A_7, %reduce_sum3A_38 : i32
    %get3A_40 = arith.constant 16 : index
    %get3A_41 = tpu.vector_load %arg6[%get3A_40] {strides = array<i32>} : memref<25600xi32, #tpu.memory_space<vmem>>, vector<16xi32>,
    %ge3A_42 = arith.constant 100000 : i32
    %ge3A_43 = vector.broadcast %ge3A_42 : i32 to vector<16xi32>
    %ge3A_44 = arith.cmpi sge, %get3A_41, %ge3A_43 : vector<16xi32>
    %convert_element_type3A_45 = arith.extui %ge3A_44 : vector<16xi1> to vector<16xi32>
    %mul3A_46 = arith.constant 100000 : i32
    %mul3A_47 = vector.broadcast %mul3A_46 : i32 to vector<16xi32>
    %mul3A_48 = arith.muli %convert_element_type3A_45, %mul3A_47 : vector<16xi32>
    %sub3A_49 = arith.subi %get3A_41, %mul3A_48 : vector<16xi32>
    %swap3A_50 = arith.constant 16 : index
    %swap3A_51 = tpu.vector_load %arg7[%swap3A_50] {strides = array<i32>} : memref<160xi32, #tpu.memory_space<vmem>>, vector<16xi32>,
    tpu.vector_store %arg7[%swap3A_50], %sub3A_49 {strides = array<i32>} : memref<160xi32, #tpu.memory_space<vmem>>, vector<16xi32>,
    %broadcast_in_dim3A_52 = arith.constant true
    %broadcast_in_dim3A_53 = vector.broadcast %broadcast_in_dim3A_52 : i1 to vector<16xi1>
    %masked_cumsum3A_54 = tpu.scan <sum>, %convert_element_type3A_45 masked %broadcast_in_dim3A_53 : vector<16xi32>, vector<16xi1> -> vector<16xi32>
    %sub3A_55 = arith.constant 1 : i32
    %sub3A_56 = vector.broadcast %sub3A_55 : i32 to vector<16xi32>
    %sub3A_57 = arith.subi %masked_cumsum3A_54, %sub3A_56 : vector<16xi32>
    %add3A_58 = vector.broadcast %add3A_39 : i32 to vector<16xi32>
    %add3A_59 = arith.addi %sub3A_57, %add3A_58 : vector<16xi32>
    %shift_right_logical3A_60 = arith.constant 7 : i32
    %shift_right_logical3A_61 = vector.broadcast %shift_right_logical3A_60 : i32 to vector<16xi32>
    %shift_right_logical3A_62 = arith.shrui %add3A_59, %shift_right_logical3A_61 : vector<16xi32>
    %and3A_63 = arith.constant 127 : i32
    %and3A_64 = vector.broadcast %and3A_63 : i32 to vector<16xi32>
    %and3A_65 = arith.andi %add3A_59, %and3A_64 : vector<16xi32>
    %add3A_66 = arith.constant 0 : i32
    %add3A_67 = arith.addi %mul3A_2, %add3A_66 : i32
    %add3A_68 = arith.constant 16 : i32
    %add3A_69 = arith.addi %add3A_67, %add3A_68 : i32
    %add3A_70 = vector.broadcast %add3A_69 : i32 to vector<16xi32>
    %add3A_71 = arith.addi %add3A_70, %iota3A : vector<16xi32>
    tpu.vector_store_idx %arg11[%shift_right_logical3A_62, %and3A_65], %add3A_71 masked %ge3A_44 : memref<201x128xi32, #tpu.memory_space<vmem>>[vector<16xi32>, vector<16xi32>], vector<16xi32>, vector<16xi1>
    %sub3A_72 = arith.constant 100000 : i32
    %sub3A_73 = vector.broadcast %sub3A_72 : i32 to vector<16xi32>
    %sub3A_74 = arith.subi %get3A_41, %sub3A_73 : vector<16xi32>
    tpu.vector_store_idx %arg12[%shift_right_logical3A_62, %and3A_65], %sub3A_74 masked %ge3A_44 : memref<201x128xi32, #tpu.memory_space<vmem>>[vector<16xi32>, vector<16xi32>], vector<16xi32>, vector<16xi1>
    %reduce_sum3A_75 = arith.constant true
    %reduce_sum3A_76 = vector.broadcast %reduce_sum3A_75 : i1 to vector<16xi1>
    %reduce_sum3A_77 = tpu.scan <sum>, %convert_element_type3A_45 masked %reduce_sum3A_76 : vector<16xi32>, vector<16xi1> -> vector<16xi32>
    %reduce_sum3A_78 = vector.extract %reduce_sum3A_77[15] : i32 from vector<16xi32>
    %add3A_79 = arith.addi %add3A_39, %reduce_sum3A_78 : i32
    %get3A_80 = arith.constant 32 : index
    %get3A_81 = tpu.vector_load %arg6[%get3A_80] {strides = array<i32>} : memref<25600xi32, #tpu.memory_space<vmem>>, vector<16xi32>,
    %ge3A_82 = arith.constant 100000 : i32
    %ge3A_83 = vector.broadcast %ge3A_82 : i32 to vector<16xi32>
    %ge3A_84 = arith.cmpi sge, %get3A_81, %ge3A_83 : vector<16xi32>
    %convert_element_type3A_85 = arith.extui %ge3A_84 : vector<16xi1> to vector<16xi32>
    %mul3A_86 = arith.constant 100000 : i32
    %mul3A_87 = vector.broadcast %mul3A_86 : i32 to vector<16xi32>
    %mul3A_88 = arith.muli %convert_element_type3A_85, %mul3A_87 : vector<16xi32>
    %sub3A_89 = arith.subi %get3A_81, %mul3A_88 : vector<16xi32>
    %swap3A_90 = arith.constant 32 : index
    %swap3A_91 = tpu.vector_load %arg7[%swap3A_90] {strides = array<i32>} : memref<160xi32, #tpu.memory_space<vmem>>, vector<16xi32>,
    tpu.vector_store %arg7[%swap3A_90], %sub3A_89 {strides = array<i32>} : memref<160xi32, #tpu.memory_space<vmem>>, vector<16xi32>,
    %broadcast_in_dim3A_92 = arith.constant true
    %broadcast_in_dim3A_93 = vector.broadcast %broadcast_in_dim3A_92 : i1 to vector<16xi1>
    %masked_cumsum3A_94 = tpu.scan <sum>, %convert_element_type3A_85 masked %broadcast_in_dim3A_93 : vector<16xi32>, vector<16xi1> -> vector<16xi32>
    %sub3A_95 = arith.constant 1 : i32
    %sub3A_96 = vector.broadcast %sub3A_95 : i32 to vector<16xi32>
    %sub3A_97 = arith.subi %masked_cumsum3A_94, %sub3A_96 : vector<16xi32>
    %add3A_98 = vector.broadcast %add3A_79 : i32 to vector<16xi32>
    %add3A_99 = arith.addi %sub3A_97, %add3A_98 : vector<16xi32>
    %shift_right_logical3A_100 = arith.constant 7 : i32
    %shift_right_logical3A_101 = vector.broadcast %shift_right_logical3A_100 : i32 to vector<16xi32>
    %shift_right_logical3A_102 = arith.shrui %add3A_99, %shift_right_logical3A_101 : vector<16xi32>
    %and3A_103 = arith.constant 127 : i32
    %and3A_104 = vector.broadcast %and3A_103 : i32 to vector<16xi32>
    %and3A_105 = arith.andi %add3A_99, %and3A_104 : vector<16xi32>
    %add3A_106 = arith.constant 0 : i32
    %add3A_107 = arith.addi %mul3A_2, %add3A_106 : i32
    %add3A_108 = arith.constant 32 : i32
    %add3A_109 = arith.addi %add3A_107, %add3A_108 : i32
    %add3A_110 = vector.broadcast %add3A_109 : i32 to vector<16xi32>
    %add3A_111 = arith.addi %add3A_110, %iota3A : vector<16xi32>
    tpu.vector_store_idx %arg11[%shift_right_logical3A_102, %and3A_105], %add3A_111 masked %ge3A_84 : memref<201x128xi32, #tpu.memory_space<vmem>>[vector<16xi32>, vector<16xi32>], vector<16xi32>, vector<16xi1>
    %sub3A_112 = arith.constant 100000 : i32
    %sub3A_113 = vector.broadcast %sub3A_112 : i32 to vector<16xi32>
    %sub3A_114 = arith.subi %get3A_81, %sub3A_113 : vector<16xi32>
    tpu.vector_store_idx %arg12[%shift_right_logical3A_102, %and3A_105], %sub3A_114 masked %ge3A_84 : memref<201x128xi32, #tpu.memory_space<vmem>>[vector<16xi32>, vector<16xi32>], vector<16xi32>, vector<16xi1>
    %reduce_sum3A_115 = arith.constant true
    %reduce_sum3A_116 = vector.broadcast %reduce_sum3A_115 : i1 to vector<16xi1>
    %reduce_sum3A_117 = tpu.scan <sum>, %convert_element_type3A_85 masked %reduce_sum3A_116 : vector<16xi32>, vector<16xi1> -> vector<16xi32>
    %reduce_sum3A_118 = vector.extract %reduce_sum3A_117[15] : i32 from vector<16xi32>
    %add3A_119 = arith.addi %add3A_79, %reduce_sum3A_118 : i32
    %get3A_120 = arith.constant 48 : index
    %get3A_121 = tpu.vector_load %arg6[%get3A_120] {strides = array<i32>} : memref<25600xi32, #tpu.memory_space<vmem>>, vector<16xi32>,
    %ge3A_122 = arith.constant 100000 : i32
    %ge3A_123 = vector.broadcast %ge3A_122 : i32 to vector<16xi32>
    %ge3A_124 = arith.cmpi sge, %get3A_121, %ge3A_123 : vector<16xi32>
    %convert_element_type3A_125 = arith.extui %ge3A_124 : vector<16xi1> to vector<16xi32>
    %mul3A_126 = arith.constant 100000 : i32
    %mul3A_127 = vector.broadcast %mul3A_126 : i32 to vector<16xi32>
    %mul3A_128 = arith.muli %convert_element_type3A_125, %mul3A_127 : vector<16xi32>
    %sub3A_129 = arith.subi %get3A_121, %mul3A_128 : vector<16xi32>
    %swap3A_130 = arith.constant 48 : index
    %swap3A_131 = tpu.vector_load %arg7[%swap3A_130] {strides = array<i32>} : memref<160xi32, #tpu.memory_space<vmem>>, vector<16xi32>,
    tpu.vector_store %arg7[%swap3A_130], %sub3A_129 {strides = array<i32>} : memref<160xi32, #tpu.memory_space<vmem>>, vector<16xi32>,
    %broadcast_in_dim3A_132 = arith.constant true
    %broadcast_in_dim3A_133 = vector.broadcast %broadcast_in_dim3A_132 : i1 to vector<16xi1>
    %masked_cumsum3A_134 = tpu.scan <sum>, %convert_element_type3A_125 masked %broadcast_in_dim3A_133 : vector<16xi32>, vector<16xi1> -> vector<16xi32>
    %sub3A_135 = arith.constant 1 : i32
    %sub3A_136 = vector.broadcast %sub3A_135 : i32 to vector<16xi32>
    %sub3A_137 = arith.subi %masked_cumsum3A_134, %sub3A_136 : vector<16xi32>
    %add3A_138 = vector.broadcast %add3A_119 : i32 to vector<16xi32>
    %add3A_139 = arith.addi %sub3A_137, %add3A_138 : vector<16xi32>
    %shift_right_logical3A_140 = arith.constant 7 : i32
    %shift_right_logical3A_141 = vector.broadcast %shift_right_logical3A_140 : i32 to vector<16xi32>
    %shift_right_logical3A_142 = arith.shrui %add3A_139, %shift_right_logical3A_141 : vector<16xi32>
    %and3A_143 = arith.constant 127 : i32
    %and3A_144 = vector.broadcast %and3A_143 : i32 to vector<16xi32>
    %and3A_145 = arith.andi %add3A_139, %and3A_144 : vector<16xi32>
    %add3A_146 = arith.constant 0 : i32
    %add3A_147 = arith.addi %mul3A_2, %add3A_146 : i32
    %add3A_148 = arith.constant 48 : i32
    %add3A_149 = arith.addi %add3A_147, %add3A_148 : i32
    %add3A_150 = vector.broadcast %add3A_149 : i32 to vector<16xi32>
    %add3A_151 = arith.addi %add3A_150, %iota3A : vector<16xi32>
    tpu.vector_store_idx %arg11[%shift_right_logical3A_142, %and3A_145], %add3A_151 masked %ge3A_124 : memref<201x128xi32, #tpu.memory_space<vmem>>[vector<16xi32>, vector<16xi32>], vector<16xi32>, vector<16xi1>
    %sub3A_152 = arith.constant 100000 : i32
    %sub3A_153 = vector.broadcast %sub3A_152 : i32 to vector<16xi32>
    %sub3A_154 = arith.subi %get3A_121, %sub3A_153 : vector<16xi32>
    tpu.vector_store_idx %arg12[%shift_right_logical3A_142, %and3A_145], %sub3A_154 masked %ge3A_124 : memref<201x128xi32, #tpu.memory_space<vmem>>[vector<16xi32>, vector<16xi32>], vector<16xi32>, vector<16xi1>
    %reduce_sum3A_155 = arith.constant true
    %reduce_sum3A_156 = vector.broadcast %reduce_sum3A_155 : i1 to vector<16xi1>
    %reduce_sum3A_157 = tpu.scan <sum>, %convert_element_type3A_125 masked %reduce_sum3A_156 : vector<16xi32>, vector<16xi1> -> vector<16xi32>
    %reduce_sum3A_158 = vector.extract %reduce_sum3A_157[15] : i32 from vector<16xi32>
    %add3A_159 = arith.addi %add3A_119, %reduce_sum3A_158 : i32
    %get3A_160 = arith.constant 64 : index
    %get3A_161 = tpu.vector_load %arg6[%get3A_160] {strides = array<i32>} : memref<25600xi32, #tpu.memory_space<vmem>>, vector<16xi32>,
    %ge3A_162 = arith.constant 100000 : i32
    %ge3A_163 = vector.broadcast %ge3A_162 : i32 to vector<16xi32>
    %ge3A_164 = arith.cmpi sge, %get3A_161, %ge3A_163 : vector<16xi32>
    %convert_element_type3A_165 = arith.extui %ge3A_164 : vector<16xi1> to vector<16xi32>
    %mul3A_166 = arith.constant 100000 : i32
    %mul3A_167 = vector.broadcast %mul3A_166 : i32 to vector<16xi32>
    %mul3A_168 = arith.muli %convert_element_type3A_165, %mul3A_167 : vector<16xi32>
    %sub3A_169 = arith.subi %get3A_161, %mul3A_168 : vector<16xi32>
    %swap3A_170 = arith.constant 64 : index
    %swap3A_171 = tpu.vector_load %arg7[%swap3A_170] {strides = array<i32>} : memref<160xi32, #tpu.memory_space<vmem>>, vector<16xi32>,
    tpu.vector_store %arg7[%swap3A_170], %sub3A_169 {strides = array<i32>} : memref<160xi32, #tpu.memory_space<vmem>>, vector<16xi32>,
    %broadcast_in_dim3A_172 = arith.constant true
    %broadcast_in_dim3A_173 = vector.broadcast %broadcast_in_dim3A_172 : i1 to vector<16xi1>
    %masked_cumsum3A_174 = tpu.scan <sum>, %convert_element_type3A_165 masked %broadcast_in_dim3A_173 : vector<16xi32>, vector<16xi1> -> vector<16xi32>
    %sub3A_175 = arith.constant 1 : i32
    %sub3A_176 = vector.broadcast %sub3A_175 : i32 to vector<16xi32>
    %sub3A_177 = arith.subi %masked_cumsum3A_174, %sub3A_176 : vector<16xi32>
    %add3A_178 = vector.broadcast %add3A_159 : i32 to vector<16xi32>
    %add3A_179 = arith.addi %sub3A_177, %add3A_178 : vector<16xi32>
    %shift_right_logical3A_180 = arith.constant 7 : i32
    %shift_right_logical3A_181 = vector.broadcast %shift_right_logical3A_180 : i32 to vector<16xi32>
    %shift_right_logical3A_182 = arith.shrui %add3A_179, %shift_right_logical3A_181 : vector<16xi32>
    %and3A_183 = arith.constant 127 : i32
    %and3A_184 = vector.broadcast %and3A_183 : i32 to vector<16xi32>
    %and3A_185 = arith.andi %add3A_179, %and3A_184 : vector<16xi32>
    %add3A_186 = arith.constant 0 : i32
    %add3A_187 = arith.addi %mul3A_2, %add3A_186 : i32
    %add3A_188 = arith.constant 64 : i32
    %add3A_189 = arith.addi %add3A_187, %add3A_188 : i32
    %add3A_190 = vector.broadcast %add3A_189 : i32 to vector<16xi32>
    %add3A_191 = arith.addi %add3A_190, %iota3A : vector<16xi32>
    tpu.vector_store_idx %arg11[%shift_right_logical3A_182, %and3A_185], %add3A_191 masked %ge3A_164 : memref<201x128xi32, #tpu.memory_space<vmem>>[vector<16xi32>, vector<16xi32>], vector<16xi32>, vector<16xi1>
    %sub3A_192 = arith.constant 100000 : i32
    %sub3A_193 = vector.broadcast %sub3A_192 : i32 to vector<16xi32>
    %sub3A_194 = arith.subi %get3A_161, %sub3A_193 : vector<16xi32>
    tpu.vector_store_idx %arg12[%shift_right_logical3A_182, %and3A_185], %sub3A_194 masked %ge3A_164 : memref<201x128xi32, #tpu.memory_space<vmem>>[vector<16xi32>, vector<16xi32>], vector<16xi32>, vector<16xi1>
    %reduce_sum3A_195 = arith.constant true
    %reduce_sum3A_196 = vector.broadcast %reduce_sum3A_195 : i1 to vector<16xi1>
    %reduce_sum3A_197 = tpu.scan <sum>, %convert_element_type3A_165 masked %reduce_sum3A_196 : vector<16xi32>, vector<16xi1> -> vector<16xi32>
    %reduce_sum3A_198 = vector.extract %reduce_sum3A_197[15] : i32 from vector<16xi32>
    %add3A_199 = arith.addi %add3A_159, %reduce_sum3A_198 : i32
    %get3A_200 = arith.constant 80 : index
    %get3A_201 = tpu.vector_load %arg6[%get3A_200] {strides = array<i32>} : memref<25600xi32, #tpu.memory_space<vmem>>, vector<16xi32>,
    %ge3A_202 = arith.constant 100000 : i32
    %ge3A_203 = vector.broadcast %ge3A_202 : i32 to vector<16xi32>
    %ge3A_204 = arith.cmpi sge, %get3A_201, %ge3A_203 : vector<16xi32>
    %convert_element_type3A_205 = arith.extui %ge3A_204 : vector<16xi1> to vector<16xi32>
    %mul3A_206 = arith.constant 100000 : i32
    %mul3A_207 = vector.broadcast %mul3A_206 : i32 to vector<16xi32>
    %mul3A_208 = arith.muli %convert_element_type3A_205, %mul3A_207 : vector<16xi32>
    %sub3A_209 = arith.subi %get3A_201, %mul3A_208 : vector<16xi32>
    %swap3A_210 = arith.constant 80 : index
    %swap3A_211 = tpu.vector_load %arg7[%swap3A_210] {strides = array<i32>} : memref<160xi32, #tpu.memory_space<vmem>>, vector<16xi32>,
    tpu.vector_store %arg7[%swap3A_210], %sub3A_209 {strides = array<i32>} : memref<160xi32, #tpu.memory_space<vmem>>, vector<16xi32>,
    %broadcast_in_dim3A_212 = arith.constant true
    %broadcast_in_dim3A_213 = vector.broadcast %broadcast_in_dim3A_212 : i1 to vector<16xi1>
    %masked_cumsum3A_214 = tpu.scan <sum>, %convert_element_type3A_205 masked %broadcast_in_dim3A_213 : vector<16xi32>, vector<16xi1> -> vector<16xi32>
    %sub3A_215 = arith.constant 1 : i32
    %sub3A_216 = vector.broadcast %sub3A_215 : i32 to vector<16xi32>
    %sub3A_217 = arith.subi %masked_cumsum3A_214, %sub3A_216 : vector<16xi32>
    %add3A_218 = vector.broadcast %add3A_199 : i32 to vector<16xi32>
    %add3A_219 = arith.addi %sub3A_217, %add3A_218 : vector<16xi32>
    %shift_right_logical3A_220 = arith.constant 7 : i32
    %shift_right_logical3A_221 = vector.broadcast %shift_right_logical3A_220 : i32 to vector<16xi32>
    %shift_right_logical3A_222 = arith.shrui %add3A_219, %shift_right_logical3A_221 : vector<16xi32>
    %and3A_223 = arith.constant 127 : i32
    %and3A_224 = vector.broadcast %and3A_223 : i32 to vector<16xi32>
    %and3A_225 = arith.andi %add3A_219, %and3A_224 : vector<16xi32>
    %add3A_226 = arith.constant 0 : i32
    %add3A_227 = arith.addi %mul3A_2, %add3A_226 : i32
    %add3A_228 = arith.constant 80 : i32
    %add3A_229 = arith.addi %add3A_227, %add3A_228 : i32
    %add3A_230 = vector.broadcast %add3A_229 : i32 to vector<16xi32>
    %add3A_231 = arith.addi %add3A_230, %iota3A : vector<16xi32>
    tpu.vector_store_idx %arg11[%shift_right_logical3A_222, %and3A_225], %add3A_231 masked %ge3A_204 : memref<201x128xi32, #tpu.memory_space<vmem>>[vector<16xi32>, vector<16xi32>], vector<16xi32>, vector<16xi1>
    %sub3A_232 = arith.constant 100000 : i32
    %sub3A_233 = vector.broadcast %sub3A_232 : i32 to vector<16xi32>
    %sub3A_234 = arith.subi %get3A_201, %sub3A_233 : vector<16xi32>
    tpu.vector_store_idx %arg12[%shift_right_logical3A_222, %and3A_225], %sub3A_234 masked %ge3A_204 : memref<201x128xi32, #tpu.memory_space<vmem>>[vector<16xi32>, vector<16xi32>], vector<16xi32>, vector<16xi1>
    %reduce_sum3A_235 = arith.constant true
    %reduce_sum3A_236 = vector.broadcast %reduce_sum3A_235 : i1 to vector<16xi1>
    %reduce_sum3A_237 = tpu.scan <sum>, %convert_element_type3A_205 masked %reduce_sum3A_236 : vector<16xi32>, vector<16xi1> -> vector<16xi32>
    %reduce_sum3A_238 = vector.extract %reduce_sum3A_237[15] : i32 from vector<16xi32>
    %add3A_239 = arith.addi %add3A_199, %reduce_sum3A_238 : i32
    %get3A_240 = arith.constant 96 : index
    %get3A_241 = tpu.vector_load %arg6[%get3A_240] {strides = array<i32>} : memref<25600xi32, #tpu.memory_space<vmem>>, vector<16xi32>,
    %ge3A_242 = arith.constant 100000 : i32
    %ge3A_243 = vector.broadcast %ge3A_242 : i32 to vector<16xi32>
    %ge3A_244 = arith.cmpi sge, %get3A_241, %ge3A_243 : vector<16xi32>
    %convert_element_type3A_245 = arith.extui %ge3A_244 : vector<16xi1> to vector<16xi32>
    %mul3A_246 = arith.constant 100000 : i32
    %mul3A_247 = vector.broadcast %mul3A_246 : i32 to vector<16xi32>
    %mul3A_248 = arith.muli %convert_element_type3A_245, %mul3A_247 : vector<16xi32>
    %sub3A_249 = arith.subi %get3A_241, %mul3A_248 : vector<16xi32>
    %swap3A_250 = arith.constant 96 : index
    %swap3A_251 = tpu.vector_load %arg7[%swap3A_250] {strides = array<i32>} : memref<160xi32, #tpu.memory_space<vmem>>, vector<16xi32>,
    tpu.vector_store %arg7[%swap3A_250], %sub3A_249 {strides = array<i32>} : memref<160xi32, #tpu.memory_space<vmem>>, vector<16xi32>,
    %broadcast_in_dim3A_252 = arith.constant true
    %broadcast_in_dim3A_253 = vector.broadcast %broadcast_in_dim3A_252 : i1 to vector<16xi1>
    %masked_cumsum3A_254 = tpu.scan <sum>, %convert_element_type3A_245 masked %broadcast_in_dim3A_253 : vector<16xi32>, vector<16xi1> -> vector<16xi32>
    %sub3A_255 = arith.constant 1 : i32
    %sub3A_256 = vector.broadcast %sub3A_255 : i32 to vector<16xi32>
    %sub3A_257 = arith.subi %masked_cumsum3A_254, %sub3A_256 : vector<16xi32>
    %add3A_258 = vector.broadcast %add3A_239 : i32 to vector<16xi32>
    %add3A_259 = arith.addi %sub3A_257, %add3A_258 : vector<16xi32>
    %shift_right_logical3A_260 = arith.constant 7 : i32
    %shift_right_logical3A_261 = vector.broadcast %shift_right_logical3A_260 : i32 to vector<16xi32>
    %shift_right_logical3A_262 = arith.shrui %add3A_259, %shift_right_logical3A_261 : vector<16xi32>
    %and3A_263 = arith.constant 127 : i32
    %and3A_264 = vector.broadcast %and3A_263 : i32 to vector<16xi32>
    %and3A_265 = arith.andi %add3A_259, %and3A_264 : vector<16xi32>
    %add3A_266 = arith.constant 0 : i32
    %add3A_267 = arith.addi %mul3A_2, %add3A_266 : i32
    %add3A_268 = arith.constant 96 : i32
    %add3A_269 = arith.addi %add3A_267, %add3A_268 : i32
    %add3A_270 = vector.broadcast %add3A_269 : i32 to vector<16xi32>
    %add3A_271 = arith.addi %add3A_270, %iota3A : vector<16xi32>
    tpu.vector_store_idx %arg11[%shift_right_logical3A_262, %and3A_265], %add3A_271 masked %ge3A_244 : memref<201x128xi32, #tpu.memory_space<vmem>>[vector<16xi32>, vector<16xi32>], vector<16xi32>, vector<16xi1>
    %sub3A_272 = arith.constant 100000 : i32
    %sub3A_273 = vector.broadcast %sub3A_272 : i32 to vector<16xi32>
    %sub3A_274 = arith.subi %get3A_241, %sub3A_273 : vector<16xi32>
    tpu.vector_store_idx %arg12[%shift_right_logical3A_262, %and3A_265], %sub3A_274 masked %ge3A_244 : memref<201x128xi32, #tpu.memory_space<vmem>>[vector<16xi32>, vector<16xi32>], vector<16xi32>, vector<16xi1>
    %reduce_sum3A_275 = arith.constant true
    %reduce_sum3A_276 = vector.broadcast %reduce_sum3A_275 : i1 to vector<16xi1>
    %reduce_sum3A_277 = tpu.scan <sum>, %convert_element_type3A_245 masked %reduce_sum3A_276 : vector<16xi32>, vector<16xi1> -> vector<16xi32>
    %reduce_sum3A_278 = vector.extract %reduce_sum3A_277[15] : i32 from vector<16xi32>
    %add3A_279 = arith.addi %add3A_239, %reduce_sum3A_278 : i32
    %get3A_280 = arith.constant 112 : index
    %get3A_281 = tpu.vector_load %arg6[%get3A_280] {strides = array<i32>} : memref<25600xi32, #tpu.memory_space<vmem>>, vector<16xi32>,
    %ge3A_282 = arith.constant 100000 : i32
    %ge3A_283 = vector.broadcast %ge3A_282 : i32 to vector<16xi32>
    %ge3A_284 = arith.cmpi sge, %get3A_281, %ge3A_283 : vector<16xi32>
    %convert_element_type3A_285 = arith.extui %ge3A_284 : vector<16xi1> to vector<16xi32>
    %mul3A_286 = arith.constant 100000 : i32
    %mul3A_287 = vector.broadcast %mul3A_286 : i32 to vector<16xi32>
    %mul3A_288 = arith.muli %convert_element_type3A_285, %mul3A_287 : vector<16xi32>
    %sub3A_289 = arith.subi %get3A_281, %mul3A_288 : vector<16xi32>
    %swap3A_290 = arith.constant 112 : index
    %swap3A_291 = tpu.vector_load %arg7[%swap3A_290] {strides = array<i32>} : memref<160xi32, #tpu.memory_space<vmem>>, vector<16xi32>,
    tpu.vector_store %arg7[%swap3A_290], %sub3A_289 {strides = array<i32>} : memref<160xi32, #tpu.memory_space<vmem>>, vector<16xi32>,
    %broadcast_in_dim3A_292 = arith.constant true
    %broadcast_in_dim3A_293 = vector.broadcast %broadcast_in_dim3A_292 : i1 to vector<16xi1>
    %masked_cumsum3A_294 = tpu.scan <sum>, %convert_element_type3A_285 masked %broadcast_in_dim3A_293 : vector<16xi32>, vector<16xi1> -> vector<16xi32>
    %sub3A_295 = arith.constant 1 : i32
    %sub3A_296 = vector.broadcast %sub3A_295 : i32 to vector<16xi32>
    %sub3A_297 = arith.subi %masked_cumsum3A_294, %sub3A_296 : vector<16xi32>
    %add3A_298 = vector.broadcast %add3A_279 : i32 to vector<16xi32>
    %add3A_299 = arith.addi %sub3A_297, %add3A_298 : vector<16xi32>
    %shift_right_logical3A_300 = arith.constant 7 : i32
    %shift_right_logical3A_301 = vector.broadcast %shift_right_logical3A_300 : i32 to vector<16xi32>
    %shift_right_logical3A_302 = arith.shrui %add3A_299, %shift_right_logical3A_301 : vector<16xi32>
    %and3A_303 = arith.constant 127 : i32
    %and3A_304 = vector.broadcast %and3A_303 : i32 to vector<16xi32>
    %and3A_305 = arith.andi %add3A_299, %and3A_304 : vector<16xi32>
    %add3A_306 = arith.constant 0 : i32
    %add3A_307 = arith.addi %mul3A_2, %add3A_306 : i32
    %add3A_308 = arith.constant 112 : i32
    %add3A_309 = arith.addi %add3A_307, %add3A_308 : i32
    %add3A_310 = vector.broadcast %add3A_309 : i32 to vector<16xi32>
    %add3A_311 = arith.addi %add3A_310, %iota3A : vector<16xi32>
    tpu.vector_store_idx %arg11[%shift_right_logical3A_302, %and3A_305], %add3A_311 masked %ge3A_284 : memref<201x128xi32, #tpu.memory_space<vmem>>[vector<16xi32>, vector<16xi32>], vector<16xi32>, vector<16xi1>
    %sub3A_312 = arith.constant 100000 : i32
    %sub3A_313 = vector.broadcast %sub3A_312 : i32 to vector<16xi32>
    %sub3A_314 = arith.subi %get3A_281, %sub3A_313 : vector<16xi32>
    tpu.vector_store_idx %arg12[%shift_right_logical3A_302, %and3A_305], %sub3A_314 masked %ge3A_284 : memref<201x128xi32, #tpu.memory_space<vmem>>[vector<16xi32>, vector<16xi32>], vector<16xi32>, vector<16xi1>
    %reduce_sum3A_315 = arith.constant true
    %reduce_sum3A_316 = vector.broadcast %reduce_sum3A_315 : i1 to vector<16xi1>
    %reduce_sum3A_317 = tpu.scan <sum>, %convert_element_type3A_285 masked %reduce_sum3A_316 : vector<16xi32>, vector<16xi1> -> vector<16xi32>
    %reduce_sum3A_318 = vector.extract %reduce_sum3A_317[15] : i32 from vector<16xi32>
    %add3A_319 = arith.addi %add3A_279, %reduce_sum3A_318 : i32
    %get3A_320 = arith.constant 128 : index
    %get3A_321 = tpu.vector_load %arg6[%get3A_320] {strides = array<i32>} : memref<25600xi32, #tpu.memory_space<vmem>>, vector<16xi32>,
    %ge3A_322 = arith.constant 100000 : i32
    %ge3A_323 = vector.broadcast %ge3A_322 : i32 to vector<16xi32>
    %ge3A_324 = arith.cmpi sge, %get3A_321, %ge3A_323 : vector<16xi32>
    %convert_element_type3A_325 = arith.extui %ge3A_324 : vector<16xi1> to vector<16xi32>
    %mul3A_326 = arith.constant 100000 : i32
    %mul3A_327 = vector.broadcast %mul3A_326 : i32 to vector<16xi32>
    %mul3A_328 = arith.muli %convert_element_type3A_325, %mul3A_327 : vector<16xi32>
    %sub3A_329 = arith.subi %get3A_321, %mul3A_328 : vector<16xi32>
    %swap3A_330 = arith.constant 128 : index
    %swap3A_331 = tpu.vector_load %arg7[%swap3A_330] {strides = array<i32>} : memref<160xi32, #tpu.memory_space<vmem>>, vector<16xi32>,
    tpu.vector_store %arg7[%swap3A_330], %sub3A_329 {strides = array<i32>} : memref<160xi32, #tpu.memory_space<vmem>>, vector<16xi32>,
    %broadcast_in_dim3A_332 = arith.constant true
    %broadcast_in_dim3A_333 = vector.broadcast %broadcast_in_dim3A_332 : i1 to vector<16xi1>
    %masked_cumsum3A_334 = tpu.scan <sum>, %convert_element_type3A_325 masked %broadcast_in_dim3A_333 : vector<16xi32>, vector<16xi1> -> vector<16xi32>
    %sub3A_335 = arith.constant 1 : i32
    %sub3A_336 = vector.broadcast %sub3A_335 : i32 to vector<16xi32>
    %sub3A_337 = arith.subi %masked_cumsum3A_334, %sub3A_336 : vector<16xi32>
    %add3A_338 = vector.broadcast %add3A_319 : i32 to vector<16xi32>
    %add3A_339 = arith.addi %sub3A_337, %add3A_338 : vector<16xi32>
    %shift_right_logical3A_340 = arith.constant 7 : i32
    %shift_right_logical3A_341 = vector.broadcast %shift_right_logical3A_340 : i32 to vector<16xi32>
    %shift_right_logical3A_342 = arith.shrui %add3A_339, %shift_right_logical3A_341 : vector<16xi32>
    %and3A_343 = arith.constant 127 : i32
    %and3A_344 = vector.broadcast %and3A_343 : i32 to vector<16xi32>
    %and3A_345 = arith.andi %add3A_339, %and3A_344 : vector<16xi32>
    %add3A_346 = arith.constant 0 : i32
    %add3A_347 = arith.addi %mul3A_2, %add3A_346 : i32
    %add3A_348 = arith.constant 128 : i32
    %add3A_349 = arith.addi %add3A_347, %add3A_348 : i32
    %add3A_350 = vector.broadcast %add3A_349 : i32 to vector<16xi32>
    %add3A_351 = arith.addi %add3A_350, %iota3A : vector<16xi32>
    tpu.vector_store_idx %arg11[%shift_right_logical3A_342, %and3A_345], %add3A_351 masked %ge3A_324 : memref<201x128xi32, #tpu.memory_space<vmem>>[vector<16xi32>, vector<16xi32>], vector<16xi32>, vector<16xi1>
    %sub3A_352 = arith.constant 100000 : i32
    %sub3A_353 = vector.broadcast %sub3A_352 : i32 to vector<16xi32>
    %sub3A_354 = arith.subi %get3A_321, %sub3A_353 : vector<16xi32>
    tpu.vector_store_idx %arg12[%shift_right_logical3A_342, %and3A_345], %sub3A_354 masked %ge3A_324 : memref<201x128xi32, #tpu.memory_space<vmem>>[vector<16xi32>, vector<16xi32>], vector<16xi32>, vector<16xi1>
    %reduce_sum3A_355 = arith.constant true
    %reduce_sum3A_356 = vector.broadcast %reduce_sum3A_355 : i1 to vector<16xi1>
    %reduce_sum3A_357 = tpu.scan <sum>, %convert_element_type3A_325 masked %reduce_sum3A_356 : vector<16xi32>, vector<16xi1> -> vector<16xi32>
    %reduce_sum3A_358 = vector.extract %reduce_sum3A_357[15] : i32 from vector<16xi32>
    %add3A_359 = arith.addi %add3A_319, %reduce_sum3A_358 : i32
    %get3A_360 = arith.constant 144 : index
    %get3A_361 = tpu.vector_load %arg6[%get3A_360] {strides = array<i32>} : memref<25600xi32, #tpu.memory_space<vmem>>, vector<16xi32>,
    %ge3A_362 = arith.constant 100000 : i32
    %ge3A_363 = vector.broadcast %ge3A_362 : i32 to vector<16xi32>
    %ge3A_364 = arith.cmpi sge, %get3A_361, %ge3A_363 : vector<16xi32>
    %convert_element_type3A_365 = arith.extui %ge3A_364 : vector<16xi1> to vector<16xi32>
    %mul3A_366 = arith.constant 100000 : i32
    %mul3A_367 = vector.broadcast %mul3A_366 : i32 to vector<16xi32>
    %mul3A_368 = arith.muli %convert_element_type3A_365, %mul3A_367 : vector<16xi32>
    %sub3A_369 = arith.subi %get3A_361, %mul3A_368 : vector<16xi32>
    %swap3A_370 = arith.constant 144 : index
    %swap3A_371 = tpu.vector_load %arg7[%swap3A_370] {strides = array<i32>} : memref<160xi32, #tpu.memory_space<vmem>>, vector<16xi32>,
    tpu.vector_store %arg7[%swap3A_370], %sub3A_369 {strides = array<i32>} : memref<160xi32, #tpu.memory_space<vmem>>, vector<16xi32>,
    %broadcast_in_dim3A_372 = arith.constant true
    %broadcast_in_dim3A_373 = vector.broadcast %broadcast_in_dim3A_372 : i1 to vector<16xi1>
    %masked_cumsum3A_374 = tpu.scan <sum>, %convert_element_type3A_365 masked %broadcast_in_dim3A_373 : vector<16xi32>, vector<16xi1> -> vector<16xi32>
    %sub3A_375 = arith.constant 1 : i32
    %sub3A_376 = vector.broadcast %sub3A_375 : i32 to vector<16xi32>
    %sub3A_377 = arith.subi %masked_cumsum3A_374, %sub3A_376 : vector<16xi32>
    %add3A_378 = vector.broadcast %add3A_359 : i32 to vector<16xi32>
    %add3A_379 = arith.addi %sub3A_377, %add3A_378 : vector<16xi32>
    %shift_right_logical3A_380 = arith.constant 7 : i32
    %shift_right_logical3A_381 = vector.broadcast %shift_right_logical3A_380 : i32 to vector<16xi32>
    %shift_right_logical3A_382 = arith.shrui %add3A_379, %shift_right_logical3A_381 : vector<16xi32>
    %and3A_383 = arith.constant 127 : i32
    %and3A_384 = vector.broadcast %and3A_383 : i32 to vector<16xi32>
    %and3A_385 = arith.andi %add3A_379, %and3A_384 : vector<16xi32>
    %add3A_386 = arith.constant 0 : i32
    %add3A_387 = arith.addi %mul3A_2, %add3A_386 : i32
    %add3A_388 = arith.constant 144 : i32
    %add3A_389 = arith.addi %add3A_387, %add3A_388 : i32
    %add3A_390 = vector.broadcast %add3A_389 : i32 to vector<16xi32>
    %add3A_391 = arith.addi %add3A_390, %iota3A : vector<16xi32>
    tpu.vector_store_idx %arg11[%shift_right_logical3A_382, %and3A_385], %add3A_391 masked %ge3A_364 : memref<201x128xi32, #tpu.memory_space<vmem>>[vector<16xi32>, vector<16xi32>], vector<16xi32>, vector<16xi1>
    %sub3A_392 = arith.constant 100000 : i32
    %sub3A_393 = vector.broadcast %sub3A_392 : i32 to vector<16xi32>
    %sub3A_394 = arith.subi %get3A_361, %sub3A_393 : vector<16xi32>
    tpu.vector_store_idx %arg12[%shift_right_logical3A_382, %and3A_385], %sub3A_394 masked %ge3A_364 : memref<201x128xi32, #tpu.memory_space<vmem>>[vector<16xi32>, vector<16xi32>], vector<16xi32>, vector<16xi1>
    %reduce_sum3A_395 = arith.constant true
    %reduce_sum3A_396 = vector.broadcast %reduce_sum3A_395 : i1 to vector<16xi1>
    %reduce_sum3A_397 = tpu.scan <sum>, %convert_element_type3A_365 masked %reduce_sum3A_396 : vector<16xi32>, vector<16xi1> -> vector<16xi32>
    %reduce_sum3A_398 = vector.extract %reduce_sum3A_397[15] : i32 from vector<16xi32>
    %add3A_399 = arith.addi %add3A_359, %reduce_sum3A_398 : i32
    %swap3A_400 = arith.constant 0 : i32
    %swap3A_401 = arith.index_cast %swap3A_400 : i32 to index
    %swap3A_402 = memref.load %arg13[%swap3A_401] : memref<2xi32, #tpu.memory_space<smem>>
    memref.store %add3A_399, %arg13[%swap3A_401] : memref<2xi32, #tpu.memory_space<smem>>
    %dma_start3A = arith.constant 0 : i32
    %dma_start3A_403 = arith.constant 0 : i32
    %dma_start3A_404 = tpu.memref_slice %arg2[%dma_start3A, %dma_start3A_403] : memref<100000x128xf32, #tpu.memory_space<hbm>> -> memref<100000x128xf32, #tpu.memory_space<hbm>>
    tpu.enqueue_indirect_dma source(%dma_start3A_404 : memref<100000x128xf32, #tpu.memory_space<hbm>>) target(%arg9 : memref<160x128xf32, #tpu.memory_space<vmem>>) offsets(%arg7 : memref<160xi32, #tpu.memory_space<vmem>>) semaphore(%arg14 : memref<!tpu.dma_semaphore, #tpu.memory_space<semaphore_mem>>)
    %get3A_405 = arith.constant 0 : i32
    %get3A_406 = arith.index_cast %get3A_405 : i32 to index
    %get3A_407 = memref.load %arg13[%get3A_406] : memref<2xi32, #tpu.memory_space<smem>>
    %get3A_408 = arith.constant 160 : index
    %get3A_409 = tpu.vector_load %arg6[%get3A_408] {strides = array<i32>} : memref<25600xi32, #tpu.memory_space<vmem>>, vector<16xi32>,
    %ge3A_410 = arith.constant 100000 : i32
    %ge3A_411 = vector.broadcast %ge3A_410 : i32 to vector<16xi32>
    %ge3A_412 = arith.cmpi sge, %get3A_409, %ge3A_411 : vector<16xi32>
    %convert_element_type3A_413 = arith.extui %ge3A_412 : vector<16xi1> to vector<16xi32>
    %mul3A_414 = arith.constant 100000 : i32
    %mul3A_415 = vector.broadcast %mul3A_414 : i32 to vector<16xi32>
    %mul3A_416 = arith.muli %convert_element_type3A_413, %mul3A_415 : vector<16xi32>
    %sub3A_417 = arith.subi %get3A_409, %mul3A_416 : vector<16xi32>
    %swap3A_418 = arith.constant 0 : index
    %swap3A_419 = tpu.vector_load %arg8[%swap3A_418] {strides = array<i32>} : memref<160xi32, #tpu.memory_space<vmem>>, vector<16xi32>,
    tpu.vector_store %arg8[%swap3A_418], %sub3A_417 {strides = array<i32>} : memref<160xi32, #tpu.memory_space<vmem>>, vector<16xi32>,
    %broadcast_in_dim3A_420 = arith.constant true
    %broadcast_in_dim3A_421 = vector.broadcast %broadcast_in_dim3A_420 : i1 to vector<16xi1>
    %masked_cumsum3A_422 = tpu.scan <sum>, %convert_element_type3A_413 masked %broadcast_in_dim3A_421 : vector<16xi32>, vector<16xi1> -> vector<16xi32>
    %sub3A_423 = arith.constant 1 : i32
    %sub3A_424 = vector.broadcast %sub3A_423 : i32 to vector<16xi32>
    %sub3A_425 = arith.subi %masked_cumsum3A_422, %sub3A_424 : vector<16xi32>
    %add3A_426 = vector.broadcast %get3A_407 : i32 to vector<16xi32>
    %add3A_427 = arith.addi %sub3A_425, %add3A_426 : vector<16xi32>
    %shift_right_logical3A_428 = arith.constant 7 : i32
    %shift_right_logical3A_429 = vector.broadcast %shift_right_logical3A_428 : i32 to vector<16xi32>
    %shift_right_logical3A_430 = arith.shrui %add3A_427, %shift_right_logical3A_429 : vector<16xi32>
    %and3A_431 = arith.constant 127 : i32
    %and3A_432 = vector.broadcast %and3A_431 : i32 to vector<16xi32>
    %and3A_433 = arith.andi %add3A_427, %and3A_432 : vector<16xi32>
    %add3A_434 = arith.constant 160 : i32
    %add3A_435 = arith.addi %mul3A_2, %add3A_434 : i32
    %add3A_436 = arith.constant 0 : i32
    %add3A_437 = arith.addi %add3A_435, %add3A_436 : i32
    %add3A_438 = vector.broadcast %add3A_437 : i32 to vector<16xi32>
    %add3A_439 = arith.addi %add3A_438, %iota3A : vector<16xi32>
    tpu.vector_store_idx %arg11[%shift_right_logical3A_430, %and3A_433], %add3A_439 masked %ge3A_412 : memref<201x128xi32, #tpu.memory_space<vmem>>[vector<16xi32>, vector<16xi32>], vector<16xi32>, vector<16xi1>
    %sub3A_440 = arith.constant 100000 : i32
    %sub3A_441 = vector.broadcast %sub3A_440 : i32 to vector<16xi32>
    %sub3A_442 = arith.subi %get3A_409, %sub3A_441 : vector<16xi32>
    tpu.vector_store_idx %arg12[%shift_right_logical3A_430, %and3A_433], %sub3A_442 masked %ge3A_412 : memref<201x128xi32, #tpu.memory_space<vmem>>[vector<16xi32>, vector<16xi32>], vector<16xi32>, vector<16xi1>
    %reduce_sum3A_443 = arith.constant true
    %reduce_sum3A_444 = vector.broadcast %reduce_sum3A_443 : i1 to vector<16xi1>
    %reduce_sum3A_445 = tpu.scan <sum>, %convert_element_type3A_413 masked %reduce_sum3A_444 : vector<16xi32>, vector<16xi1> -> vector<16xi32>
    %reduce_sum3A_446 = vector.extract %reduce_sum3A_445[15] : i32 from vector<16xi32>
    %add3A_447 = arith.addi %get3A_407, %reduce_sum3A_446 : i32
    %get3A_448 = arith.constant 176 : index
    %get3A_449 = tpu.vector_load %arg6[%get3A_448] {strides = array<i32>} : memref<25600xi32, #tpu.memory_space<vmem>>, vector<16xi32>,
    %ge3A_450 = arith.constant 100000 : i32
    %ge3A_451 = vector.broadcast %ge3A_450 : i32 to vector<16xi32>
    %ge3A_452 = arith.cmpi sge, %get3A_449, %ge3A_451 : vector<16xi32>
    %convert_element_type3A_453 = arith.extui %ge3A_452 : vector<16xi1> to vector<16xi32>
    %mul3A_454 = arith.constant 100000 : i32
    %mul3A_455 = vector.broadcast %mul3A_454 : i32 to vector<16xi32>
    %mul3A_456 = arith.muli %convert_element_type3A_453, %mul3A_455 : vector<16xi32>
    %sub3A_457 = arith.subi %get3A_449, %mul3A_456 : vector<16xi32>
    %swap3A_458 = arith.constant 16 : index
    %swap3A_459 = tpu.vector_load %arg8[%swap3A_458] {strides = array<i32>} : memref<160xi32, #tpu.memory_space<vmem>>, vector<16xi32>,
    tpu.vector_store %arg8[%swap3A_458], %sub3A_457 {strides = array<i32>} : memref<160xi32, #tpu.memory_space<vmem>>, vector<16xi32>,
    %broadcast_in_dim3A_460 = arith.constant true
    %broadcast_in_dim3A_461 = vector.broadcast %broadcast_in_dim3A_460 : i1 to vector<16xi1>
    %masked_cumsum3A_462 = tpu.scan <sum>, %convert_element_type3A_453 masked %broadcast_in_dim3A_461 : vector<16xi32>, vector<16xi1> -> vector<16xi32>
    %sub3A_463 = arith.constant 1 : i32
    %sub3A_464 = vector.broadcast %sub3A_463 : i32 to vector<16xi32>
    %sub3A_465 = arith.subi %masked_cumsum3A_462, %sub3A_464 : vector<16xi32>
    %add3A_466 = vector.broadcast %add3A_447 : i32 to vector<16xi32>
    %add3A_467 = arith.addi %sub3A_465, %add3A_466 : vector<16xi32>
    %shift_right_logical3A_468 = arith.constant 7 : i32
    %shift_right_logical3A_469 = vector.broadcast %shift_right_logical3A_468 : i32 to vector<16xi32>
    %shift_right_logical3A_470 = arith.shrui %add3A_467, %shift_right_logical3A_469 : vector<16xi32>
    %and3A_471 = arith.constant 127 : i32
    %and3A_472 = vector.broadcast %and3A_471 : i32 to vector<16xi32>
    %and3A_473 = arith.andi %add3A_467, %and3A_472 : vector<16xi32>
    %add3A_474 = arith.constant 160 : i32
    %add3A_475 = arith.addi %mul3A_2, %add3A_474 : i32
    %add3A_476 = arith.constant 16 : i32
    %add3A_477 = arith.addi %add3A_475, %add3A_476 : i32
    %add3A_478 = vector.broadcast %add3A_477 : i32 to vector<16xi32>
    %add3A_479 = arith.addi %add3A_478, %iota3A : vector<16xi32>
    tpu.vector_store_idx %arg11[%shift_right_logical3A_470, %and3A_473], %add3A_479 masked %ge3A_452 : memref<201x128xi32, #tpu.memory_space<vmem>>[vector<16xi32>, vector<16xi32>], vector<16xi32>, vector<16xi1>
    %sub3A_480 = arith.constant 100000 : i32
    %sub3A_481 = vector.broadcast %sub3A_480 : i32 to vector<16xi32>
    %sub3A_482 = arith.subi %get3A_449, %sub3A_481 : vector<16xi32>
    tpu.vector_store_idx %arg12[%shift_right_logical3A_470, %and3A_473], %sub3A_482 masked %ge3A_452 : memref<201x128xi32, #tpu.memory_space<vmem>>[vector<16xi32>, vector<16xi32>], vector<16xi32>, vector<16xi1>
    %reduce_sum3A_483 = arith.constant true
    %reduce_sum3A_484 = vector.broadcast %reduce_sum3A_483 : i1 to vector<16xi1>
    %reduce_sum3A_485 = tpu.scan <sum>, %convert_element_type3A_453 masked %reduce_sum3A_484 : vector<16xi32>, vector<16xi1> -> vector<16xi32>
    %reduce_sum3A_486 = vector.extract %reduce_sum3A_485[15] : i32 from vector<16xi32>
    %add3A_487 = arith.addi %add3A_447, %reduce_sum3A_486 : i32
    %get3A_488 = arith.constant 192 : index
    %get3A_489 = tpu.vector_load %arg6[%get3A_488] {strides = array<i32>} : memref<25600xi32, #tpu.memory_space<vmem>>, vector<16xi32>,
    %ge3A_490 = arith.constant 100000 : i32
    %ge3A_491 = vector.broadcast %ge3A_490 : i32 to vector<16xi32>
    %ge3A_492 = arith.cmpi sge, %get3A_489, %ge3A_491 : vector<16xi32>
    %convert_element_type3A_493 = arith.extui %ge3A_492 : vector<16xi1> to vector<16xi32>
    %mul3A_494 = arith.constant 100000 : i32
    %mul3A_495 = vector.broadcast %mul3A_494 : i32 to vector<16xi32>
    %mul3A_496 = arith.muli %convert_element_type3A_493, %mul3A_495 : vector<16xi32>
    %sub3A_497 = arith.subi %get3A_489, %mul3A_496 : vector<16xi32>
    %swap3A_498 = arith.constant 32 : index
    %swap3A_499 = tpu.vector_load %arg8[%swap3A_498] {strides = array<i32>} : memref<160xi32, #tpu.memory_space<vmem>>, vector<16xi32>,
    tpu.vector_store %arg8[%swap3A_498], %sub3A_497 {strides = array<i32>} : memref<160xi32, #tpu.memory_space<vmem>>, vector<16xi32>,
    %broadcast_in_dim3A_500 = arith.constant true
    %broadcast_in_dim3A_501 = vector.broadcast %broadcast_in_dim3A_500 : i1 to vector<16xi1>
    %masked_cumsum3A_502 = tpu.scan <sum>, %convert_element_type3A_493 masked %broadcast_in_dim3A_501 : vector<16xi32>, vector<16xi1> -> vector<16xi32>
    %sub3A_503 = arith.constant 1 : i32
    %sub3A_504 = vector.broadcast %sub3A_503 : i32 to vector<16xi32>
    %sub3A_505 = arith.subi %masked_cumsum3A_502, %sub3A_504 : vector<16xi32>
    %add3A_506 = vector.broadcast %add3A_487 : i32 to vector<16xi32>
    %add3A_507 = arith.addi %sub3A_505, %add3A_506 : vector<16xi32>
    %shift_right_logical3A_508 = arith.constant 7 : i32
    %shift_right_logical3A_509 = vector.broadcast %shift_right_logical3A_508 : i32 to vector<16xi32>
    %shift_right_logical3A_510 = arith.shrui %add3A_507, %shift_right_logical3A_509 : vector<16xi32>
    %and3A_511 = arith.constant 127 : i32
    %and3A_512 = vector.broadcast %and3A_511 : i32 to vector<16xi32>
    %and3A_513 = arith.andi %add3A_507, %and3A_512 : vector<16xi32>
    %add3A_514 = arith.constant 160 : i32
    %add3A_515 = arith.addi %mul3A_2, %add3A_514 : i32
    %add3A_516 = arith.constant 32 : i32
    %add3A_517 = arith.addi %add3A_515, %add3A_516 : i32
    %add3A_518 = vector.broadcast %add3A_517 : i32 to vector<16xi32>
    %add3A_519 = arith.addi %add3A_518, %iota3A : vector<16xi32>
    tpu.vector_store_idx %arg11[%shift_right_logical3A_510, %and3A_513], %add3A_519 masked %ge3A_492 : memref<201x128xi32, #tpu.memory_space<vmem>>[vector<16xi32>, vector<16xi32>], vector<16xi32>, vector<16xi1>
    %sub3A_520 = arith.constant 100000 : i32
    %sub3A_521 = vector.broadcast %sub3A_520 : i32 to vector<16xi32>
    %sub3A_522 = arith.subi %get3A_489, %sub3A_521 : vector<16xi32>
    tpu.vector_store_idx %arg12[%shift_right_logical3A_510, %and3A_513], %sub3A_522 masked %ge3A_492 : memref<201x128xi32, #tpu.memory_space<vmem>>[vector<16xi32>, vector<16xi32>], vector<16xi32>, vector<16xi1>
    %reduce_sum3A_523 = arith.constant true
    %reduce_sum3A_524 = vector.broadcast %reduce_sum3A_523 : i1 to vector<16xi1>
    %reduce_sum3A_525 = tpu.scan <sum>, %convert_element_type3A_493 masked %reduce_sum3A_524 : vector<16xi32>, vector<16xi1> -> vector<16xi32>
    %reduce_sum3A_526 = vector.extract %reduce_sum3A_525[15] : i32 from vector<16xi32>
    %add3A_527 = arith.addi %add3A_487, %reduce_sum3A_526 : i32
    %get3A_528 = arith.constant 208 : index
    %get3A_529 = tpu.vector_load %arg6[%get3A_528] {strides = array<i32>} : memref<25600xi32, #tpu.memory_space<vmem>>, vector<16xi32>,
    %ge3A_530 = arith.constant 100000 : i32
    %ge3A_531 = vector.broadcast %ge3A_530 : i32 to vector<16xi32>
    %ge3A_532 = arith.cmpi sge, %get3A_529, %ge3A_531 : vector<16xi32>
    %convert_element_type3A_533 = arith.extui %ge3A_532 : vector<16xi1> to vector<16xi32>
    %mul3A_534 = arith.constant 100000 : i32
    %mul3A_535 = vector.broadcast %mul3A_534 : i32 to vector<16xi32>
    %mul3A_536 = arith.muli %convert_element_type3A_533, %mul3A_535 : vector<16xi32>
    %sub3A_537 = arith.subi %get3A_529, %mul3A_536 : vector<16xi32>
    %swap3A_538 = arith.constant 48 : index
    %swap3A_539 = tpu.vector_load %arg8[%swap3A_538] {strides = array<i32>} : memref<160xi32, #tpu.memory_space<vmem>>, vector<16xi32>,
    tpu.vector_store %arg8[%swap3A_538], %sub3A_537 {strides = array<i32>} : memref<160xi32, #tpu.memory_space<vmem>>, vector<16xi32>,
    %broadcast_in_dim3A_540 = arith.constant true
    %broadcast_in_dim3A_541 = vector.broadcast %broadcast_in_dim3A_540 : i1 to vector<16xi1>
    %masked_cumsum3A_542 = tpu.scan <sum>, %convert_element_type3A_533 masked %broadcast_in_dim3A_541 : vector<16xi32>, vector<16xi1> -> vector<16xi32>
    %sub3A_543 = arith.constant 1 : i32
    %sub3A_544 = vector.broadcast %sub3A_543 : i32 to vector<16xi32>
    %sub3A_545 = arith.subi %masked_cumsum3A_542, %sub3A_544 : vector<16xi32>
    %add3A_546 = vector.broadcast %add3A_527 : i32 to vector<16xi32>
    %add3A_547 = arith.addi %sub3A_545, %add3A_546 : vector<16xi32>
    %shift_right_logical3A_548 = arith.constant 7 : i32
    %shift_right_logical3A_549 = vector.broadcast %shift_right_logical3A_548 : i32 to vector<16xi32>
    %shift_right_logical3A_550 = arith.shrui %add3A_547, %shift_right_logical3A_549 : vector<16xi32>
    %and3A_551 = arith.constant 127 : i32
    %and3A_552 = vector.broadcast %and3A_551 : i32 to vector<16xi32>
    %and3A_553 = arith.andi %add3A_547, %and3A_552 : vector<16xi32>
    %add3A_554 = arith.constant 160 : i32
    %add3A_555 = arith.addi %mul3A_2, %add3A_554 : i32
    %add3A_556 = arith.constant 48 : i32
    %add3A_557 = arith.addi %add3A_555, %add3A_556 : i32
    %add3A_558 = vector.broadcast %add3A_557 : i32 to vector<16xi32>
    %add3A_559 = arith.addi %add3A_558, %iota3A : vector<16xi32>
    tpu.vector_store_idx %arg11[%shift_right_logical3A_550, %and3A_553], %add3A_559 masked %ge3A_532 : memref<201x128xi32, #tpu.memory_space<vmem>>[vector<16xi32>, vector<16xi32>], vector<16xi32>, vector<16xi1>
    %sub3A_560 = arith.constant 100000 : i32
    %sub3A_561 = vector.broadcast %sub3A_560 : i32 to vector<16xi32>
    %sub3A_562 = arith.subi %get3A_529, %sub3A_561 : vector<16xi32>
    tpu.vector_store_idx %arg12[%shift_right_logical3A_550, %and3A_553], %sub3A_562 masked %ge3A_532 : memref<201x128xi32, #tpu.memory_space<vmem>>[vector<16xi32>, vector<16xi32>], vector<16xi32>, vector<16xi1>
    %reduce_sum3A_563 = arith.constant true
    %reduce_sum3A_564 = vector.broadcast %reduce_sum3A_563 : i1 to vector<16xi1>
    %reduce_sum3A_565 = tpu.scan <sum>, %convert_element_type3A_533 masked %reduce_sum3A_564 : vector<16xi32>, vector<16xi1> -> vector<16xi32>
    %reduce_sum3A_566 = vector.extract %reduce_sum3A_565[15] : i32 from vector<16xi32>
    %add3A_567 = arith.addi %add3A_527, %reduce_sum3A_566 : i32
    %get3A_568 = arith.constant 224 : index
    %get3A_569 = tpu.vector_load %arg6[%get3A_568] {strides = array<i32>} : memref<25600xi32, #tpu.memory_space<vmem>>, vector<16xi32>,
    %ge3A_570 = arith.constant 100000 : i32
    %ge3A_571 = vector.broadcast %ge3A_570 : i32 to vector<16xi32>
    %ge3A_572 = arith.cmpi sge, %get3A_569, %ge3A_571 : vector<16xi32>
    %convert_element_type3A_573 = arith.extui %ge3A_572 : vector<16xi1> to vector<16xi32>
    %mul3A_574 = arith.constant 100000 : i32
    %mul3A_575 = vector.broadcast %mul3A_574 : i32 to vector<16xi32>
    %mul3A_576 = arith.muli %convert_element_type3A_573, %mul3A_575 : vector<16xi32>
    %sub3A_577 = arith.subi %get3A_569, %mul3A_576 : vector<16xi32>
    %swap3A_578 = arith.constant 64 : index
    %swap3A_579 = tpu.vector_load %arg8[%swap3A_578] {strides = array<i32>} : memref<160xi32, #tpu.memory_space<vmem>>, vector<16xi32>,
    tpu.vector_store %arg8[%swap3A_578], %sub3A_577 {strides = array<i32>} : memref<160xi32, #tpu.memory_space<vmem>>, vector<16xi32>,
    %broadcast_in_dim3A_580 = arith.constant true
    %broadcast_in_dim3A_581 = vector.broadcast %broadcast_in_dim3A_580 : i1 to vector<16xi1>
    %masked_cumsum3A_582 = tpu.scan <sum>, %convert_element_type3A_573 masked %broadcast_in_dim3A_581 : vector<16xi32>, vector<16xi1> -> vector<16xi32>
    %sub3A_583 = arith.constant 1 : i32
    %sub3A_584 = vector.broadcast %sub3A_583 : i32 to vector<16xi32>
    %sub3A_585 = arith.subi %masked_cumsum3A_582, %sub3A_584 : vector<16xi32>
    %add3A_586 = vector.broadcast %add3A_567 : i32 to vector<16xi32>
    %add3A_587 = arith.addi %sub3A_585, %add3A_586 : vector<16xi32>
    %shift_right_logical3A_588 = arith.constant 7 : i32
    %shift_right_logical3A_589 = vector.broadcast %shift_right_logical3A_588 : i32 to vector<16xi32>
    %shift_right_logical3A_590 = arith.shrui %add3A_587, %shift_right_logical3A_589 : vector<16xi32>
    %and3A_591 = arith.constant 127 : i32
    %and3A_592 = vector.broadcast %and3A_591 : i32 to vector<16xi32>
    %and3A_593 = arith.andi %add3A_587, %and3A_592 : vector<16xi32>
    %add3A_594 = arith.constant 160 : i32
    %add3A_595 = arith.addi %mul3A_2, %add3A_594 : i32
    %add3A_596 = arith.constant 64 : i32
    %add3A_597 = arith.addi %add3A_595, %add3A_596 : i32
    %add3A_598 = vector.broadcast %add3A_597 : i32 to vector<16xi32>
    %add3A_599 = arith.addi %add3A_598, %iota3A : vector<16xi32>
    tpu.vector_store_idx %arg11[%shift_right_logical3A_590, %and3A_593], %add3A_599 masked %ge3A_572 : memref<201x128xi32, #tpu.memory_space<vmem>>[vector<16xi32>, vector<16xi32>], vector<16xi32>, vector<16xi1>
    %sub3A_600 = arith.constant 100000 : i32
    %sub3A_601 = vector.broadcast %sub3A_600 : i32 to vector<16xi32>
    %sub3A_602 = arith.subi %get3A_569, %sub3A_601 : vector<16xi32>
    tpu.vector_store_idx %arg12[%shift_right_logical3A_590, %and3A_593], %sub3A_602 masked %ge3A_572 : memref<201x128xi32, #tpu.memory_space<vmem>>[vector<16xi32>, vector<16xi32>], vector<16xi32>, vector<16xi1>
    %reduce_sum3A_603 = arith.constant true
    %reduce_sum3A_604 = vector.broadcast %reduce_sum3A_603 : i1 to vector<16xi1>
    %reduce_sum3A_605 = tpu.scan <sum>, %convert_element_type3A_573 masked %reduce_sum3A_604 : vector<16xi32>, vector<16xi1> -> vector<16xi32>
    %reduce_sum3A_606 = vector.extract %reduce_sum3A_605[15] : i32 from vector<16xi32>
    %add3A_607 = arith.addi %add3A_567, %reduce_sum3A_606 : i32
    %get3A_608 = arith.constant 240 : index
    %get3A_609 = tpu.vector_load %arg6[%get3A_608] {strides = array<i32>} : memref<25600xi32, #tpu.memory_space<vmem>>, vector<16xi32>,
    %ge3A_610 = arith.constant 100000 : i32
    %ge3A_611 = vector.broadcast %ge3A_610 : i32 to vector<16xi32>
    %ge3A_612 = arith.cmpi sge, %get3A_609, %ge3A_611 : vector<16xi32>
    %convert_element_type3A_613 = arith.extui %ge3A_612 : vector<16xi1> to vector<16xi32>
    %mul3A_614 = arith.constant 100000 : i32
    %mul3A_615 = vector.broadcast %mul3A_614 : i32 to vector<16xi32>
    %mul3A_616 = arith.muli %convert_element_type3A_613, %mul3A_615 : vector<16xi32>
    %sub3A_617 = arith.subi %get3A_609, %mul3A_616 : vector<16xi32>
    %swap3A_618 = arith.constant 80 : index
    %swap3A_619 = tpu.vector_load %arg8[%swap3A_618] {strides = array<i32>} : memref<160xi32, #tpu.memory_space<vmem>>, vector<16xi32>,
    tpu.vector_store %arg8[%swap3A_618], %sub3A_617 {strides = array<i32>} : memref<160xi32, #tpu.memory_space<vmem>>, vector<16xi32>,
    %broadcast_in_dim3A_620 = arith.constant true
    %broadcast_in_dim3A_621 = vector.broadcast %broadcast_in_dim3A_620 : i1 to vector<16xi1>
    %masked_cumsum3A_622 = tpu.scan <sum>, %convert_element_type3A_613 masked %broadcast_in_dim3A_621 : vector<16xi32>, vector<16xi1> -> vector<16xi32>
    %sub3A_623 = arith.constant 1 : i32
    %sub3A_624 = vector.broadcast %sub3A_623 : i32 to vector<16xi32>
    %sub3A_625 = arith.subi %masked_cumsum3A_622, %sub3A_624 : vector<16xi32>
    %add3A_626 = vector.broadcast %add3A_607 : i32 to vector<16xi32>
    %add3A_627 = arith.addi %sub3A_625, %add3A_626 : vector<16xi32>
    %shift_right_logical3A_628 = arith.constant 7 : i32
    %shift_right_logical3A_629 = vector.broadcast %shift_right_logical3A_628 : i32 to vector<16xi32>
    %shift_right_logical3A_630 = arith.shrui %add3A_627, %shift_right_logical3A_629 : vector<16xi32>
    %and3A_631 = arith.constant 127 : i32
    %and3A_632 = vector.broadcast %and3A_631 : i32 to vector<16xi32>
    %and3A_633 = arith.andi %add3A_627, %and3A_632 : vector<16xi32>
    %add3A_634 = arith.constant 160 : i32
    %add3A_635 = arith.addi %mul3A_2, %add3A_634 : i32
    %add3A_636 = arith.constant 80 : i32
    %add3A_637 = arith.addi %add3A_635, %add3A_636 : i32
    %add3A_638 = vector.broadcast %add3A_637 : i32 to vector<16xi32>
    %add3A_639 = arith.addi %add3A_638, %iota3A : vector<16xi32>
    tpu.vector_store_idx %arg11[%shift_right_logical3A_630, %and3A_633], %add3A_639 masked %ge3A_612 : memref<201x128xi32, #tpu.memory_space<vmem>>[vector<16xi32>, vector<16xi32>], vector<16xi32>, vector<16xi1>
    %sub3A_640 = arith.constant 100000 : i32
    %sub3A_641 = vector.broadcast %sub3A_640 : i32 to vector<16xi32>
    %sub3A_642 = arith.subi %get3A_609, %sub3A_641 : vector<16xi32>
    tpu.vector_store_idx %arg12[%shift_right_logical3A_630, %and3A_633], %sub3A_642 masked %ge3A_612 : memref<201x128xi32, #tpu.memory_space<vmem>>[vector<16xi32>, vector<16xi32>], vector<16xi32>, vector<16xi1>
    %reduce_sum3A_643 = arith.constant true
    %reduce_sum3A_644 = vector.broadcast %reduce_sum3A_643 : i1 to vector<16xi1>
    %reduce_sum3A_645 = tpu.scan <sum>, %convert_element_type3A_613 masked %reduce_sum3A_644 : vector<16xi32>, vector<16xi1> -> vector<16xi32>
    %reduce_sum3A_646 = vector.extract %reduce_sum3A_645[15] : i32 from vector<16xi32>
    %add3A_647 = arith.addi %add3A_607, %reduce_sum3A_646 : i32
    %get3A_648 = arith.constant 256 : index
    %get3A_649 = tpu.vector_load %arg6[%get3A_648] {strides = array<i32>} : memref<25600xi32, #tpu.memory_space<vmem>>, vector<16xi32>,
    %ge3A_650 = arith.constant 100000 : i32
    %ge3A_651 = vector.broadcast %ge3A_650 : i32 to vector<16xi32>
    %ge3A_652 = arith.cmpi sge, %get3A_649, %ge3A_651 : vector<16xi32>
    %convert_element_type3A_653 = arith.extui %ge3A_652 : vector<16xi1> to vector<16xi32>
    %mul3A_654 = arith.constant 100000 : i32
    %mul3A_655 = vector.broadcast %mul3A_654 : i32 to vector<16xi32>
    %mul3A_656 = arith.muli %convert_element_type3A_653, %mul3A_655 : vector<16xi32>
    %sub3A_657 = arith.subi %get3A_649, %mul3A_656 : vector<16xi32>
    %swap3A_658 = arith.constant 96 : index
    %swap3A_659 = tpu.vector_load %arg8[%swap3A_658] {strides = array<i32>} : memref<160xi32, #tpu.memory_space<vmem>>, vector<16xi32>,
    tpu.vector_store %arg8[%swap3A_658], %sub3A_657 {strides = array<i32>} : memref<160xi32, #tpu.memory_space<vmem>>, vector<16xi32>,
    %broadcast_in_dim3A_660 = arith.constant true
    %broadcast_in_dim3A_661 = vector.broadcast %broadcast_in_dim3A_660 : i1 to vector<16xi1>
    %masked_cumsum3A_662 = tpu.scan <sum>, %convert_element_type3A_653 masked %broadcast_in_dim3A_661 : vector<16xi32>, vector<16xi1> -> vector<16xi32>
    %sub3A_663 = arith.constant 1 : i32
    %sub3A_664 = vector.broadcast %sub3A_663 : i32 to vector<16xi32>
    %sub3A_665 = arith.subi %masked_cumsum3A_662, %sub3A_664 : vector<16xi32>
    %add3A_666 = vector.broadcast %add3A_647 : i32 to vector<16xi32>
    %add3A_667 = arith.addi %sub3A_665, %add3A_666 : vector<16xi32>
    %shift_right_logical3A_668 = arith.constant 7 : i32
    %shift_right_logical3A_669 = vector.broadcast %shift_right_logical3A_668 : i32 to vector<16xi32>
    %shift_right_logical3A_670 = arith.shrui %add3A_667, %shift_right_logical3A_669 : vector<16xi32>
    %and3A_671 = arith.constant 127 : i32
    %and3A_672 = vector.broadcast %and3A_671 : i32 to vector<16xi32>
    %and3A_673 = arith.andi %add3A_667, %and3A_672 : vector<16xi32>
    %add3A_674 = arith.constant 160 : i32
    %add3A_675 = arith.addi %mul3A_2, %add3A_674 : i32
    %add3A_676 = arith.constant 96 : i32
    %add3A_677 = arith.addi %add3A_675, %add3A_676 : i32
    %add3A_678 = vector.broadcast %add3A_677 : i32 to vector<16xi32>
    %add3A_679 = arith.addi %add3A_678, %iota3A : vector<16xi32>
    tpu.vector_store_idx %arg11[%shift_right_logical3A_670, %and3A_673], %add3A_679 masked %ge3A_652 : memref<201x128xi32, #tpu.memory_space<vmem>>[vector<16xi32>, vector<16xi32>], vector<16xi32>, vector<16xi1>
    %sub3A_680 = arith.constant 100000 : i32
    %sub3A_681 = vector.broadcast %sub3A_680 : i32 to vector<16xi32>
    %sub3A_682 = arith.subi %get3A_649, %sub3A_681 : vector<16xi32>
    tpu.vector_store_idx %arg12[%shift_right_logical3A_670, %and3A_673], %sub3A_682 masked %ge3A_652 : memref<201x128xi32, #tpu.memory_space<vmem>>[vector<16xi32>, vector<16xi32>], vector<16xi32>, vector<16xi1>
    %reduce_sum3A_683 = arith.constant true
    %reduce_sum3A_684 = vector.broadcast %reduce_sum3A_683 : i1 to vector<16xi1>
    %reduce_sum3A_685 = tpu.scan <sum>, %convert_element_type3A_653 masked %reduce_sum3A_684 : vector<16xi32>, vector<16xi1> -> vector<16xi32>
    %reduce_sum3A_686 = vector.extract %reduce_sum3A_685[15] : i32 from vector<16xi32>
    %add3A_687 = arith.addi %add3A_647, %reduce_sum3A_686 : i32
    %get3A_688 = arith.constant 272 : index
    %get3A_689 = tpu.vector_load %arg6[%get3A_688] {strides = array<i32>} : memref<25600xi32, #tpu.memory_space<vmem>>, vector<16xi32>,
    %ge3A_690 = arith.constant 100000 : i32
    %ge3A_691 = vector.broadcast %ge3A_690 : i32 to vector<16xi32>
    %ge3A_692 = arith.cmpi sge, %get3A_689, %ge3A_691 : vector<16xi32>
    %convert_element_type3A_693 = arith.extui %ge3A_692 : vector<16xi1> to vector<16xi32>
    %mul3A_694 = arith.constant 100000 : i32
    %mul3A_695 = vector.broadcast %mul3A_694 : i32 to vector<16xi32>
    %mul3A_696 = arith.muli %convert_element_type3A_693, %mul3A_695 : vector<16xi32>
    %sub3A_697 = arith.subi %get3A_689, %mul3A_696 : vector<16xi32>
    %swap3A_698 = arith.constant 112 : index
    %swap3A_699 = tpu.vector_load %arg8[%swap3A_698] {strides = array<i32>} : memref<160xi32, #tpu.memory_space<vmem>>, vector<16xi32>,
    tpu.vector_store %arg8[%swap3A_698], %sub3A_697 {strides = array<i32>} : memref<160xi32, #tpu.memory_space<vmem>>, vector<16xi32>,
    %broadcast_in_dim3A_700 = arith.constant true
    %broadcast_in_dim3A_701 = vector.broadcast %broadcast_in_dim3A_700 : i1 to vector<16xi1>
    %masked_cumsum3A_702 = tpu.scan <sum>, %convert_element_type3A_693 masked %broadcast_in_dim3A_701 : vector<16xi32>, vector<16xi1> -> vector<16xi32>
    %sub3A_703 = arith.constant 1 : i32
    %sub3A_704 = vector.broadcast %sub3A_703 : i32 to vector<16xi32>
    %sub3A_705 = arith.subi %masked_cumsum3A_702, %sub3A_704 : vector<16xi32>
    %add3A_706 = vector.broadcast %add3A_687 : i32 to vector<16xi32>
    %add3A_707 = arith.addi %sub3A_705, %add3A_706 : vector<16xi32>
    %shift_right_logical3A_708 = arith.constant 7 : i32
    %shift_right_logical3A_709 = vector.broadcast %shift_right_logical3A_708 : i32 to vector<16xi32>
    %shift_right_logical3A_710 = arith.shrui %add3A_707, %shift_right_logical3A_709 : vector<16xi32>
    %and3A_711 = arith.constant 127 : i32
    %and3A_712 = vector.broadcast %and3A_711 : i32 to vector<16xi32>
    %and3A_713 = arith.andi %add3A_707, %and3A_712 : vector<16xi32>
    %add3A_714 = arith.constant 160 : i32
    %add3A_715 = arith.addi %mul3A_2, %add3A_714 : i32
    %add3A_716 = arith.constant 112 : i32
    %add3A_717 = arith.addi %add3A_715, %add3A_716 : i32
    %add3A_718 = vector.broadcast %add3A_717 : i32 to vector<16xi32>
    %add3A_719 = arith.addi %add3A_718, %iota3A : vector<16xi32>
    tpu.vector_store_idx %arg11[%shift_right_logical3A_710, %and3A_713], %add3A_719 masked %ge3A_692 : memref<201x128xi32, #tpu.memory_space<vmem>>[vector<16xi32>, vector<16xi32>], vector<16xi32>, vector<16xi1>
    %sub3A_720 = arith.constant 100000 : i32
    %sub3A_721 = vector.broadcast %sub3A_720 : i32 to vector<16xi32>
    %sub3A_722 = arith.subi %get3A_689, %sub3A_721 : vector<16xi32>
    tpu.vector_store_idx %arg12[%shift_right_logical3A_710, %and3A_713], %sub3A_722 masked %ge3A_692 : memref<201x128xi32, #tpu.memory_space<vmem>>[vector<16xi32>, vector<16xi32>], vector<16xi32>, vector<16xi1>
    %reduce_sum3A_723 = arith.constant true
    %reduce_sum3A_724 = vector.broadcast %reduce_sum3A_723 : i1 to vector<16xi1>
    %reduce_sum3A_725 = tpu.scan <sum>, %convert_element_type3A_693 masked %reduce_sum3A_724 : vector<16xi32>, vector<16xi1> -> vector<16xi32>
    %reduce_sum3A_726 = vector.extract %reduce_sum3A_725[15] : i32 from vector<16xi32>
    %add3A_727 = arith.addi %add3A_687, %reduce_sum3A_726 : i32
    %get3A_728 = arith.constant 288 : index
    %get3A_729 = tpu.vector_load %arg6[%get3A_728] {strides = array<i32>} : memref<25600xi32, #tpu.memory_space<vmem>>, vector<16xi32>,
    %ge3A_730 = arith.constant 100000 : i32
    %ge3A_731 = vector.broadcast %ge3A_730 : i32 to vector<16xi32>
    %ge3A_732 = arith.cmpi sge, %get3A_729, %ge3A_731 : vector<16xi32>
    %convert_element_type3A_733 = arith.extui %ge3A_732 : vector<16xi1> to vector<16xi32>
    %mul3A_734 = arith.constant 100000 : i32
    %mul3A_735 = vector.broadcast %mul3A_734 : i32 to vector<16xi32>
    %mul3A_736 = arith.muli %convert_element_type3A_733, %mul3A_735 : vector<16xi32>
    %sub3A_737 = arith.subi %get3A_729, %mul3A_736 : vector<16xi32>
    %swap3A_738 = arith.constant 128 : index
    %swap3A_739 = tpu.vector_load %arg8[%swap3A_738] {strides = array<i32>} : memref<160xi32, #tpu.memory_space<vmem>>, vector<16xi32>,
    tpu.vector_store %arg8[%swap3A_738], %sub3A_737 {strides = array<i32>} : memref<160xi32, #tpu.memory_space<vmem>>, vector<16xi32>,
    %broadcast_in_dim3A_740 = arith.constant true
    %broadcast_in_dim3A_741 = vector.broadcast %broadcast_in_dim3A_740 : i1 to vector<16xi1>
    %masked_cumsum3A_742 = tpu.scan <sum>, %convert_element_type3A_733 masked %broadcast_in_dim3A_741 : vector<16xi32>, vector<16xi1> -> vector<16xi32>
    %sub3A_743 = arith.constant 1 : i32
    %sub3A_744 = vector.broadcast %sub3A_743 : i32 to vector<16xi32>
    %sub3A_745 = arith.subi %masked_cumsum3A_742, %sub3A_744 : vector<16xi32>
    %add3A_746 = vector.broadcast %add3A_727 : i32 to vector<16xi32>
    %add3A_747 = arith.addi %sub3A_745, %add3A_746 : vector<16xi32>
    %shift_right_logical3A_748 = arith.constant 7 : i32
    %shift_right_logical3A_749 = vector.broadcast %shift_right_logical3A_748 : i32 to vector<16xi32>
    %shift_right_logical3A_750 = arith.shrui %add3A_747, %shift_right_logical3A_749 : vector<16xi32>
    %and3A_751 = arith.constant 127 : i32
    %and3A_752 = vector.broadcast %and3A_751 : i32 to vector<16xi32>
    %and3A_753 = arith.andi %add3A_747, %and3A_752 : vector<16xi32>
    %add3A_754 = arith.constant 160 : i32
    %add3A_755 = arith.addi %mul3A_2, %add3A_754 : i32
    %add3A_756 = arith.constant 128 : i32
    %add3A_757 = arith.addi %add3A_755, %add3A_756 : i32
    %add3A_758 = vector.broadcast %add3A_757 : i32 to vector<16xi32>
    %add3A_759 = arith.addi %add3A_758, %iota3A : vector<16xi32>
    tpu.vector_store_idx %arg11[%shift_right_logical3A_750, %and3A_753], %add3A_759 masked %ge3A_732 : memref<201x128xi32, #tpu.memory_space<vmem>>[vector<16xi32>, vector<16xi32>], vector<16xi32>, vector<16xi1>
    %sub3A_760 = arith.constant 100000 : i32
    %sub3A_761 = vector.broadcast %sub3A_760 : i32 to vector<16xi32>
    %sub3A_762 = arith.subi %get3A_729, %sub3A_761 : vector<16xi32>
    tpu.vector_store_idx %arg12[%shift_right_logical3A_750, %and3A_753], %sub3A_762 masked %ge3A_732 : memref<201x128xi32, #tpu.memory_space<vmem>>[vector<16xi32>, vector<16xi32>], vector<16xi32>, vector<16xi1>
    %reduce_sum3A_763 = arith.constant true
    %reduce_sum3A_764 = vector.broadcast %reduce_sum3A_763 : i1 to vector<16xi1>
    %reduce_sum3A_765 = tpu.scan <sum>, %convert_element_type3A_733 masked %reduce_sum3A_764 : vector<16xi32>, vector<16xi1> -> vector<16xi32>
    %reduce_sum3A_766 = vector.extract %reduce_sum3A_765[15] : i32 from vector<16xi32>
    %add3A_767 = arith.addi %add3A_727, %reduce_sum3A_766 : i32
    %get3A_768 = arith.constant 304 : index
    %get3A_769 = tpu.vector_load %arg6[%get3A_768] {strides = array<i32>} : memref<25600xi32, #tpu.memory_space<vmem>>, vector<16xi32>,
    %ge3A_770 = arith.constant 100000 : i32
    %ge3A_771 = vector.broadcast %ge3A_770 : i32 to vector<16xi32>
    %ge3A_772 = arith.cmpi sge, %get3A_769, %ge3A_771 : vector<16xi32>
    %convert_element_type3A_773 = arith.extui %ge3A_772 : vector<16xi1> to vector<16xi32>
    %mul3A_774 = arith.constant 100000 : i32
    %mul3A_775 = vector.broadcast %mul3A_774 : i32 to vector<16xi32>
    %mul3A_776 = arith.muli %convert_element_type3A_773, %mul3A_775 : vector<16xi32>
    %sub3A_777 = arith.subi %get3A_769, %mul3A_776 : vector<16xi32>
    %swap3A_778 = arith.constant 144 : index
    %swap3A_779 = tpu.vector_load %arg8[%swap3A_778] {strides = array<i32>} : memref<160xi32, #tpu.memory_space<vmem>>, vector<16xi32>,
    tpu.vector_store %arg8[%swap3A_778], %sub3A_777 {strides = array<i32>} : memref<160xi32, #tpu.memory_space<vmem>>, vector<16xi32>,
    %broadcast_in_dim3A_780 = arith.constant true
    %broadcast_in_dim3A_781 = vector.broadcast %broadcast_in_dim3A_780 : i1 to vector<16xi1>
    %masked_cumsum3A_782 = tpu.scan <sum>, %convert_element_type3A_773 masked %broadcast_in_dim3A_781 : vector<16xi32>, vector<16xi1> -> vector<16xi32>
    %sub3A_783 = arith.constant 1 : i32
    %sub3A_784 = vector.broadcast %sub3A_783 : i32 to vector<16xi32>
    %sub3A_785 = arith.subi %masked_cumsum3A_782, %sub3A_784 : vector<16xi32>
    %add3A_786 = vector.broadcast %add3A_767 : i32 to vector<16xi32>
    %add3A_787 = arith.addi %sub3A_785, %add3A_786 : vector<16xi32>
    %shift_right_logical3A_788 = arith.constant 7 : i32
    %shift_right_logical3A_789 = vector.broadcast %shift_right_logical3A_788 : i32 to vector<16xi32>
    %shift_right_logical3A_790 = arith.shrui %add3A_787, %shift_right_logical3A_789 : vector<16xi32>
    %and3A_791 = arith.constant 127 : i32
    %and3A_792 = vector.broadcast %and3A_791 : i32 to vector<16xi32>
    %and3A_793 = arith.andi %add3A_787, %and3A_792 : vector<16xi32>
    %add3A_794 = arith.constant 160 : i32
    %add3A_795 = arith.addi %mul3A_2, %add3A_794 : i32
    %add3A_796 = arith.constant 144 : i32
    %add3A_797 = arith.addi %add3A_795, %add3A_796 : i32
    %add3A_798 = vector.broadcast %add3A_797 : i32 to vector<16xi32>
    %add3A_799 = arith.addi %add3A_798, %iota3A : vector<16xi32>
    tpu.vector_store_idx %arg11[%shift_right_logical3A_790, %and3A_793], %add3A_799 masked %ge3A_772 : memref<201x128xi32, #tpu.memory_space<vmem>>[vector<16xi32>, vector<16xi32>], vector<16xi32>, vector<16xi1>
    %sub3A_800 = arith.constant 100000 : i32
    %sub3A_801 = vector.broadcast %sub3A_800 : i32 to vector<16xi32>
    %sub3A_802 = arith.subi %get3A_769, %sub3A_801 : vector<16xi32>
    tpu.vector_store_idx %arg12[%shift_right_logical3A_790, %and3A_793], %sub3A_802 masked %ge3A_772 : memref<201x128xi32, #tpu.memory_space<vmem>>[vector<16xi32>, vector<16xi32>], vector<16xi32>, vector<16xi1>
    %reduce_sum3A_803 = arith.constant true
    %reduce_sum3A_804 = vector.broadcast %reduce_sum3A_803 : i1 to vector<16xi1>
    %reduce_sum3A_805 = tpu.scan <sum>, %convert_element_type3A_773 masked %reduce_sum3A_804 : vector<16xi32>, vector<16xi1> -> vector<16xi32>
    %reduce_sum3A_806 = vector.extract %reduce_sum3A_805[15] : i32 from vector<16xi32>
    %add3A_807 = arith.addi %add3A_767, %reduce_sum3A_806 : i32
    %swap3A_808 = arith.constant 0 : i32
    %swap3A_809 = arith.index_cast %swap3A_808 : i32 to index
    %swap3A_810 = memref.load %arg13[%swap3A_809] : memref<2xi32, #tpu.memory_space<smem>>
    memref.store %add3A_807, %arg13[%swap3A_809] : memref<2xi32, #tpu.memory_space<smem>>
    %dma_start3A_811 = arith.constant 0 : i32
    %dma_start3A_812 = arith.constant 0 : i32
    %dma_start3A_813 = tpu.memref_slice %arg2[%dma_start3A_811, %dma_start3A_812] : memref<100000x128xf32, #tpu.memory_space<hbm>> -> memref<100000x128xf32, #tpu.memory_space<hbm>>
    tpu.enqueue_indirect_dma source(%dma_start3A_813 : memref<100000x128xf32, #tpu.memory_space<hbm>>) target(%arg10 : memref<160x128xf32, #tpu.memory_space<vmem>>) offsets(%arg8 : memref<160xi32, #tpu.memory_space<vmem>>) semaphore(%arg15 : memref<!tpu.dma_semaphore, #tpu.memory_space<semaphore_mem>>)
    %dma_wait3A = arith.constant 0 : i32
    %dma_wait3A_814 = arith.constant 0 : i32
    %dma_wait3A_815 = tpu.memref_slice %arg2[%dma_wait3A, %dma_wait3A_814] : memref<100000x128xf32, #tpu.memory_space<hbm>> -> memref<100000x128xf32, #tpu.memory_space<hbm>>
    tpu.wait_indirect_dma semaphore(%arg14 : memref<!tpu.dma_semaphore, #tpu.memory_space<semaphore_mem>>) src(%dma_wait3A_815 : memref<100000x128xf32, #tpu.memory_space<hbm>>) dst(%arg9 : memref<160x128xf32, #tpu.memory_space<vmem>>)
    %add3A_816 = arith.constant 0 : i32
    %add3A_817 = arith.addi %mul3A_2, %add3A_816 : i32
    %dma_start3A_818 = arith.constant 0 : i32
    %dma_start3A_819 = tpu.memref_slice %arg5[%add3A_817, %dma_start3A_818] : memref<819200x128xf32, #tpu.memory_space<hbm>> -> memref<160x128xf32, #tpu.memory_space<hbm>>
    %dma_start3A_820 = arith.constant 0 : i32
    %dma_start3A_821 = tpu.memref_slice %arg5[%add3A_817, %dma_start3A_820] : memref<819200x128xf32, #tpu.memory_space<hbm>> -> memref<160x128xf32, #tpu.memory_space<hbm>>
    tpu.enqueue_dma source(%arg9 : memref<160x128xf32, #tpu.memory_space<vmem>>) target(%dma_start3A_821 : memref<160x128xf32, #tpu.memory_space<hbm>>) target_semaphore(%arg16 : memref<!tpu.dma_semaphore, #tpu.memory_space<semaphore_mem>>)
    %scan3A = arith.constant 0 : i32
    %scan3A_822 = arith.constant 79 : i32
    %scan3A_823 = arith.addi %scan3A, %scan3A_822 : i32
    %scan3A_824 = arith.constant 1 : i32
    scf.for %scan3A_849 = %scan3A to %scan3A_823 step %scan3A_824  : i32 {
      %mul3A_850 = arith.constant 2 : i32
      %mul3A_851 = arith.muli %scan3A_849, %mul3A_850 : i32
      %add3A_852 = arith.constant 1 : i32
      %add3A_853 = arith.addi %add3A_852, %mul3A_851 : i32
      %dma_wait3A_854 = arith.constant 0 : i32
      %dma_wait3A_855 = tpu.memref_slice %arg5[%mul3A_2, %dma_wait3A_854] : memref<819200x128xf32, #tpu.memory_space<hbm>> -> memref<160x128xf32, #tpu.memory_space<hbm>>
      %dma_wait3A_856 = arith.constant 0 : i32
      %dma_wait3A_857 = tpu.memref_slice %arg5[%mul3A_2, %dma_wait3A_856] : memref<819200x128xf32, #tpu.memory_space<hbm>> -> memref<160x128xf32, #tpu.memory_space<hbm>>
      tpu.wait_dma2 semaphore(%arg16 : memref<!tpu.dma_semaphore, #tpu.memory_space<semaphore_mem>>) src(%arg9 : memref<160x128xf32, #tpu.memory_space<vmem>>) dst(%dma_wait3A_857 : memref<160x128xf32, #tpu.memory_space<hbm>>)
      %add3A_858 = arith.constant 1 : i32
      %add3A_859 = arith.addi %add3A_853, %add3A_858 : i32
      %get3A_860 = arith.constant 0 : i32
      %get3A_861 = arith.index_cast %get3A_860 : i32 to index
      %get3A_862 = memref.load %arg13[%get3A_861] : memref<2xi32, #tpu.memory_space<smem>>
      %mul3A_863 = arith.constant 160 : i32
      %mul3A_864 = arith.muli %add3A_859, %mul3A_863 : i32
      %add3A_865 = arith.constant 0 : i32
      %add3A_866 = arith.addi %mul3A_864, %add3A_865 : i32
      %get3A_867 = arith.index_cast %add3A_866 : i32 to index
      %get3A_868 = tpu.vector_load %arg6[%get3A_867] {strides = array<i32>} : memref<25600xi32, #tpu.memory_space<vmem>>, vector<16xi32>,
      %ge3A_869 = arith.constant 100000 : i32
      %ge3A_870 = vector.broadcast %ge3A_869 : i32 to vector<16xi32>
      %ge3A_871 = arith.cmpi sge, %get3A_868, %ge3A_870 : vector<16xi32>
      %convert_element_type3A_872 = arith.extui %ge3A_871 : vector<16xi1> to vector<16xi32>
      %mul3A_873 = arith.constant 100000 : i32
      %mul3A_874 = vector.broadcast %mul3A_873 : i32 to vector<16xi32>
      %mul3A_875 = arith.muli %convert_element_type3A_872, %mul3A_874 : vector<16xi32>
      %sub3A_876 = arith.subi %get3A_868, %mul3A_875 : vector<16xi32>
      %swap3A_877 = arith.constant 0 : index
      %swap3A_878 = tpu.vector_load %arg7[%swap3A_877] {strides = array<i32>} : memref<160xi32, #tpu.memory_space<vmem>>, vector<16xi32>,
      tpu.vector_store %arg7[%swap3A_877], %sub3A_876 {strides = array<i32>} : memref<160xi32, #tpu.memory_space<vmem>>, vector<16xi32>,
      %broadcast_in_dim3A_879 = arith.constant true
      %broadcast_in_dim3A_880 = vector.broadcast %broadcast_in_dim3A_879 : i1 to vector<16xi1>
      %masked_cumsum3A_881 = tpu.scan <sum>, %convert_element_type3A_872 masked %broadcast_in_dim3A_880 : vector<16xi32>, vector<16xi1> -> vector<16xi32>
      %sub3A_882 = arith.constant 1 : i32
      %sub3A_883 = vector.broadcast %sub3A_882 : i32 to vector<16xi32>
      %sub3A_884 = arith.subi %masked_cumsum3A_881, %sub3A_883 : vector<16xi32>
      %add3A_885 = vector.broadcast %get3A_862 : i32 to vector<16xi32>
      %add3A_886 = arith.addi %sub3A_884, %add3A_885 : vector<16xi32>
      %shift_right_logical3A_887 = arith.constant 7 : i32
      %shift_right_logical3A_888 = vector.broadcast %shift_right_logical3A_887 : i32 to vector<16xi32>
      %shift_right_logical3A_889 = arith.shrui %add3A_886, %shift_right_logical3A_888 : vector<16xi32>
      %and3A_890 = arith.constant 127 : i32
      %and3A_891 = vector.broadcast %and3A_890 : i32 to vector<16xi32>
      %and3A_892 = arith.andi %add3A_886, %and3A_891 : vector<16xi32>
      %mul3A_893 = arith.constant 160 : i32
      %mul3A_894 = arith.muli %add3A_859, %mul3A_893 : i32
      %add3A_895 = arith.addi %mul3A_2, %mul3A_894 : i32
      %add3A_896 = arith.constant 0 : i32
      %add3A_897 = arith.addi %add3A_895, %add3A_896 : i32
      %add3A_898 = vector.broadcast %add3A_897 : i32 to vector<16xi32>
      %add3A_899 = arith.addi %add3A_898, %iota3A : vector<16xi32>
      tpu.vector_store_idx %arg11[%shift_right_logical3A_889, %and3A_892], %add3A_899 masked %ge3A_871 : memref<201x128xi32, #tpu.memory_space<vmem>>[vector<16xi32>, vector<16xi32>], vector<16xi32>, vector<16xi1>
      %sub3A_900 = arith.constant 100000 : i32
      %sub3A_901 = vector.broadcast %sub3A_900 : i32 to vector<16xi32>
      %sub3A_902 = arith.subi %get3A_868, %sub3A_901 : vector<16xi32>
      tpu.vector_store_idx %arg12[%shift_right_logical3A_889, %and3A_892], %sub3A_902 masked %ge3A_871 : memref<201x128xi32, #tpu.memory_space<vmem>>[vector<16xi32>, vector<16xi32>], vector<16xi32>, vector<16xi1>
      %reduce_sum3A_903 = arith.constant true
      %reduce_sum3A_904 = vector.broadcast %reduce_sum3A_903 : i1 to vector<16xi1>
      %reduce_sum3A_905 = tpu.scan <sum>, %convert_element_type3A_872 masked %reduce_sum3A_904 : vector<16xi32>, vector<16xi1> -> vector<16xi32>
      %reduce_sum3A_906 = vector.extract %reduce_sum3A_905[15] : i32 from vector<16xi32>
      %add3A_907 = arith.addi %get3A_862, %reduce_sum3A_906 : i32
      %mul3A_908 = arith.constant 160 : i32
      %mul3A_909 = arith.muli %add3A_859, %mul3A_908 : i32
      %add3A_910 = arith.constant 16 : i32
      %add3A_911 = arith.addi %mul3A_909, %add3A_910 : i32
      %get3A_912 = arith.index_cast %add3A_911 : i32 to index
      %get3A_913 = tpu.vector_load %arg6[%get3A_912] {strides = array<i32>} : memref<25600xi32, #tpu.memory_space<vmem>>, vector<16xi32>,
      %ge3A_914 = arith.constant 100000 : i32
      %ge3A_915 = vector.broadcast %ge3A_914 : i32 to vector<16xi32>
      %ge3A_916 = arith.cmpi sge, %get3A_913, %ge3A_915 : vector<16xi32>
      %convert_element_type3A_917 = arith.extui %ge3A_916 : vector<16xi1> to vector<16xi32>
      %mul3A_918 = arith.constant 100000 : i32
      %mul3A_919 = vector.broadcast %mul3A_918 : i32 to vector<16xi32>
      %mul3A_920 = arith.muli %convert_element_type3A_917, %mul3A_919 : vector<16xi32>
      %sub3A_921 = arith.subi %get3A_913, %mul3A_920 : vector<16xi32>
      %swap3A_922 = arith.constant 16 : index
      %swap3A_923 = tpu.vector_load %arg7[%swap3A_922] {strides = array<i32>} : memref<160xi32, #tpu.memory_space<vmem>>, vector<16xi32>,
      tpu.vector_store %arg7[%swap3A_922], %sub3A_921 {strides = array<i32>} : memref<160xi32, #tpu.memory_space<vmem>>, vector<16xi32>,
      %broadcast_in_dim3A_924 = arith.constant true
      %broadcast_in_dim3A_925 = vector.broadcast %broadcast_in_dim3A_924 : i1 to vector<16xi1>
      %masked_cumsum3A_926 = tpu.scan <sum>, %convert_element_type3A_917 masked %broadcast_in_dim3A_925 : vector<16xi32>, vector<16xi1> -> vector<16xi32>
      %sub3A_927 = arith.constant 1 : i32
      %sub3A_928 = vector.broadcast %sub3A_927 : i32 to vector<16xi32>
      %sub3A_929 = arith.subi %masked_cumsum3A_926, %sub3A_928 : vector<16xi32>
      %add3A_930 = vector.broadcast %add3A_907 : i32 to vector<16xi32>
      %add3A_931 = arith.addi %sub3A_929, %add3A_930 : vector<16xi32>
      %shift_right_logical3A_932 = arith.constant 7 : i32
      %shift_right_logical3A_933 = vector.broadcast %shift_right_logical3A_932 : i32 to vector<16xi32>
      %shift_right_logical3A_934 = arith.shrui %add3A_931, %shift_right_logical3A_933 : vector<16xi32>
      %and3A_935 = arith.constant 127 : i32
      %and3A_936 = vector.broadcast %and3A_935 : i32 to vector<16xi32>
      %and3A_937 = arith.andi %add3A_931, %and3A_936 : vector<16xi32>
      %mul3A_938 = arith.constant 160 : i32
      %mul3A_939 = arith.muli %add3A_859, %mul3A_938 : i32
      %add3A_940 = arith.addi %mul3A_2, %mul3A_939 : i32
      %add3A_941 = arith.constant 16 : i32
      %add3A_942 = arith.addi %add3A_940, %add3A_941 : i32
      %add3A_943 = vector.broadcast %add3A_942 : i32 to vector<16xi32>
      %add3A_944 = arith.addi %add3A_943, %iota3A : vector<16xi32>
      tpu.vector_store_idx %arg11[%shift_right_logical3A_934, %and3A_937], %add3A_944 masked %ge3A_916 : memref<201x128xi32, #tpu.memory_space<vmem>>[vector<16xi32>, vector<16xi32>], vector<16xi32>, vector<16xi1>
      %sub3A_945 = arith.constant 100000 : i32
      %sub3A_946 = vector.broadcast %sub3A_945 : i32 to vector<16xi32>
      %sub3A_947 = arith.subi %get3A_913, %sub3A_946 : vector<16xi32>
      tpu.vector_store_idx %arg12[%shift_right_logical3A_934, %and3A_937], %sub3A_947 masked %ge3A_916 : memref<201x128xi32, #tpu.memory_space<vmem>>[vector<16xi32>, vector<16xi32>], vector<16xi32>, vector<16xi1>
      %reduce_sum3A_948 = arith.constant true
      %reduce_sum3A_949 = vector.broadcast %reduce_sum3A_948 : i1 to vector<16xi1>
      %reduce_sum3A_950 = tpu.scan <sum>, %convert_element_type3A_917 masked %reduce_sum3A_949 : vector<16xi32>, vector<16xi1> -> vector<16xi32>
      %reduce_sum3A_951 = vector.extract %reduce_sum3A_950[15] : i32 from vector<16xi32>
      %add3A_952 = arith.addi %add3A_907, %reduce_sum3A_951 : i32
      %mul3A_953 = arith.constant 160 : i32
      %mul3A_954 = arith.muli %add3A_859, %mul3A_953 : i32
      %add3A_955 = arith.constant 32 : i32
      %add3A_956 = arith.addi %mul3A_954, %add3A_955 : i32
      %get3A_957 = arith.index_cast %add3A_956 : i32 to index
      %get3A_958 = tpu.vector_load %arg6[%get3A_957] {strides = array<i32>} : memref<25600xi32, #tpu.memory_space<vmem>>, vector<16xi32>,
      %ge3A_959 = arith.constant 100000 : i32
      %ge3A_960 = vector.broadcast %ge3A_959 : i32 to vector<16xi32>
      %ge3A_961 = arith.cmpi sge, %get3A_958, %ge3A_960 : vector<16xi32>
      %convert_element_type3A_962 = arith.extui %ge3A_961 : vector<16xi1> to vector<16xi32>
      %mul3A_963 = arith.constant 100000 : i32
      %mul3A_964 = vector.broadcast %mul3A_963 : i32 to vector<16xi32>
      %mul3A_965 = arith.muli %convert_element_type3A_962, %mul3A_964 : vector<16xi32>
      %sub3A_966 = arith.subi %get3A_958, %mul3A_965 : vector<16xi32>
      %swap3A_967 = arith.constant 32 : index
      %swap3A_968 = tpu.vector_load %arg7[%swap3A_967] {strides = array<i32>} : memref<160xi32, #tpu.memory_space<vmem>>, vector<16xi32>,
      tpu.vector_store %arg7[%swap3A_967], %sub3A_966 {strides = array<i32>} : memref<160xi32, #tpu.memory_space<vmem>>, vector<16xi32>,
      %broadcast_in_dim3A_969 = arith.constant true
      %broadcast_in_dim3A_970 = vector.broadcast %broadcast_in_dim3A_969 : i1 to vector<16xi1>
      %masked_cumsum3A_971 = tpu.scan <sum>, %convert_element_type3A_962 masked %broadcast_in_dim3A_970 : vector<16xi32>, vector<16xi1> -> vector<16xi32>
      %sub3A_972 = arith.constant 1 : i32
      %sub3A_973 = vector.broadcast %sub3A_972 : i32 to vector<16xi32>
      %sub3A_974 = arith.subi %masked_cumsum3A_971, %sub3A_973 : vector<16xi32>
      %add3A_975 = vector.broadcast %add3A_952 : i32 to vector<16xi32>
      %add3A_976 = arith.addi %sub3A_974, %add3A_975 : vector<16xi32>
      %shift_right_logical3A_977 = arith.constant 7 : i32
      %shift_right_logical3A_978 = vector.broadcast %shift_right_logical3A_977 : i32 to vector<16xi32>
      %shift_right_logical3A_979 = arith.shrui %add3A_976, %shift_right_logical3A_978 : vector<16xi32>
      %and3A_980 = arith.constant 127 : i32
      %and3A_981 = vector.broadcast %and3A_980 : i32 to vector<16xi32>
      %and3A_982 = arith.andi %add3A_976, %and3A_981 : vector<16xi32>
      %mul3A_983 = arith.constant 160 : i32
      %mul3A_984 = arith.muli %add3A_859, %mul3A_983 : i32
      %add3A_985 = arith.addi %mul3A_2, %mul3A_984 : i32
      %add3A_986 = arith.constant 32 : i32
      %add3A_987 = arith.addi %add3A_985, %add3A_986 : i32
      %add3A_988 = vector.broadcast %add3A_987 : i32 to vector<16xi32>
      %add3A_989 = arith.addi %add3A_988, %iota3A : vector<16xi32>
      tpu.vector_store_idx %arg11[%shift_right_logical3A_979, %and3A_982], %add3A_989 masked %ge3A_961 : memref<201x128xi32, #tpu.memory_space<vmem>>[vector<16xi32>, vector<16xi32>], vector<16xi32>, vector<16xi1>
      %sub3A_990 = arith.constant 100000 : i32
      %sub3A_991 = vector.broadcast %sub3A_990 : i32 to vector<16xi32>
      %sub3A_992 = arith.subi %get3A_958, %sub3A_991 : vector<16xi32>
      tpu.vector_store_idx %arg12[%shift_right_logical3A_979, %and3A_982], %sub3A_992 masked %ge3A_961 : memref<201x128xi32, #tpu.memory_space<vmem>>[vector<16xi32>, vector<16xi32>], vector<16xi32>, vector<16xi1>
      %reduce_sum3A_993 = arith.constant true
      %reduce_sum3A_994 = vector.broadcast %reduce_sum3A_993 : i1 to vector<16xi1>
      %reduce_sum3A_995 = tpu.scan <sum>, %convert_element_type3A_962 masked %reduce_sum3A_994 : vector<16xi32>, vector<16xi1> -> vector<16xi32>
      %reduce_sum3A_996 = vector.extract %reduce_sum3A_995[15] : i32 from vector<16xi32>
      %add3A_997 = arith.addi %add3A_952, %reduce_sum3A_996 : i32
      %mul3A_998 = arith.constant 160 : i32
      %mul3A_999 = arith.muli %add3A_859, %mul3A_998 : i32
      %add3A_1000 = arith.constant 48 : i32
      %add3A_1001 = arith.addi %mul3A_999, %add3A_1000 : i32
      %get3A_1002 = arith.index_cast %add3A_1001 : i32 to index
      %get3A_1003 = tpu.vector_load %arg6[%get3A_1002] {strides = array<i32>} : memref<25600xi32, #tpu.memory_space<vmem>>, vector<16xi32>,
      %ge3A_1004 = arith.constant 100000 : i32
      %ge3A_1005 = vector.broadcast %ge3A_1004 : i32 to vector<16xi32>
      %ge3A_1006 = arith.cmpi sge, %get3A_1003, %ge3A_1005 : vector<16xi32>
      %convert_element_type3A_1007 = arith.extui %ge3A_1006 : vector<16xi1> to vector<16xi32>
      %mul3A_1008 = arith.constant 100000 : i32
      %mul3A_1009 = vector.broadcast %mul3A_1008 : i32 to vector<16xi32>
      %mul3A_1010 = arith.muli %convert_element_type3A_1007, %mul3A_1009 : vector<16xi32>
      %sub3A_1011 = arith.subi %get3A_1003, %mul3A_1010 : vector<16xi32>
      %swap3A_1012 = arith.constant 48 : index
      %swap3A_1013 = tpu.vector_load %arg7[%swap3A_1012] {strides = array<i32>} : memref<160xi32, #tpu.memory_space<vmem>>, vector<16xi32>,
      tpu.vector_store %arg7[%swap3A_1012], %sub3A_1011 {strides = array<i32>} : memref<160xi32, #tpu.memory_space<vmem>>, vector<16xi32>,
      %broadcast_in_dim3A_1014 = arith.constant true
      %broadcast_in_dim3A_1015 = vector.broadcast %broadcast_in_dim3A_1014 : i1 to vector<16xi1>
      %masked_cumsum3A_1016 = tpu.scan <sum>, %convert_element_type3A_1007 masked %broadcast_in_dim3A_1015 : vector<16xi32>, vector<16xi1> -> vector<16xi32>
      %sub3A_1017 = arith.constant 1 : i32
      %sub3A_1018 = vector.broadcast %sub3A_1017 : i32 to vector<16xi32>
      %sub3A_1019 = arith.subi %masked_cumsum3A_1016, %sub3A_1018 : vector<16xi32>
      %add3A_1020 = vector.broadcast %add3A_997 : i32 to vector<16xi32>
      %add3A_1021 = arith.addi %sub3A_1019, %add3A_1020 : vector<16xi32>
      %shift_right_logical3A_1022 = arith.constant 7 : i32
      %shift_right_logical3A_1023 = vector.broadcast %shift_right_logical3A_1022 : i32 to vector<16xi32>
      %shift_right_logical3A_1024 = arith.shrui %add3A_1021, %shift_right_logical3A_1023 : vector<16xi32>
      %and3A_1025 = arith.constant 127 : i32
      %and3A_1026 = vector.broadcast %and3A_1025 : i32 to vector<16xi32>
      %and3A_1027 = arith.andi %add3A_1021, %and3A_1026 : vector<16xi32>
      %mul3A_1028 = arith.constant 160 : i32
      %mul3A_1029 = arith.muli %add3A_859, %mul3A_1028 : i32
      %add3A_1030 = arith.addi %mul3A_2, %mul3A_1029 : i32
      %add3A_1031 = arith.constant 48 : i32
      %add3A_1032 = arith.addi %add3A_1030, %add3A_1031 : i32
      %add3A_1033 = vector.broadcast %add3A_1032 : i32 to vector<16xi32>
      %add3A_1034 = arith.addi %add3A_1033, %iota3A : vector<16xi32>
      tpu.vector_store_idx %arg11[%shift_right_logical3A_1024, %and3A_1027], %add3A_1034 masked %ge3A_1006 : memref<201x128xi32, #tpu.memory_space<vmem>>[vector<16xi32>, vector<16xi32>], vector<16xi32>, vector<16xi1>
      %sub3A_1035 = arith.constant 100000 : i32
      %sub3A_1036 = vector.broadcast %sub3A_1035 : i32 to vector<16xi32>
      %sub3A_1037 = arith.subi %get3A_1003, %sub3A_1036 : vector<16xi32>
      tpu.vector_store_idx %arg12[%shift_right_logical3A_1024, %and3A_1027], %sub3A_1037 masked %ge3A_1006 : memref<201x128xi32, #tpu.memory_space<vmem>>[vector<16xi32>, vector<16xi32>], vector<16xi32>, vector<16xi1>
      %reduce_sum3A_1038 = arith.constant true
      %reduce_sum3A_1039 = vector.broadcast %reduce_sum3A_1038 : i1 to vector<16xi1>
      %reduce_sum3A_1040 = tpu.scan <sum>, %convert_element_type3A_1007 masked %reduce_sum3A_1039 : vector<16xi32>, vector<16xi1> -> vector<16xi32>
      %reduce_sum3A_1041 = vector.extract %reduce_sum3A_1040[15] : i32 from vector<16xi32>
      %add3A_1042 = arith.addi %add3A_997, %reduce_sum3A_1041 : i32
      %mul3A_1043 = arith.constant 160 : i32
      %mul3A_1044 = arith.muli %add3A_859, %mul3A_1043 : i32
      %add3A_1045 = arith.constant 64 : i32
      %add3A_1046 = arith.addi %mul3A_1044, %add3A_1045 : i32
      %get3A_1047 = arith.index_cast %add3A_1046 : i32 to index
      %get3A_1048 = tpu.vector_load %arg6[%get3A_1047] {strides = array<i32>} : memref<25600xi32, #tpu.memory_space<vmem>>, vector<16xi32>,
      %ge3A_1049 = arith.constant 100000 : i32
      %ge3A_1050 = vector.broadcast %ge3A_1049 : i32 to vector<16xi32>
      %ge3A_1051 = arith.cmpi sge, %get3A_1048, %ge3A_1050 : vector<16xi32>
      %convert_element_type3A_1052 = arith.extui %ge3A_1051 : vector<16xi1> to vector<16xi32>
      %mul3A_1053 = arith.constant 100000 : i32
      %mul3A_1054 = vector.broadcast %mul3A_1053 : i32 to vector<16xi32>
      %mul3A_1055 = arith.muli %convert_element_type3A_1052, %mul3A_1054 : vector<16xi32>
      %sub3A_1056 = arith.subi %get3A_1048, %mul3A_1055 : vector<16xi32>
      %swap3A_1057 = arith.constant 64 : index
      %swap3A_1058 = tpu.vector_load %arg7[%swap3A_1057] {strides = array<i32>} : memref<160xi32, #tpu.memory_space<vmem>>, vector<16xi32>,
      tpu.vector_store %arg7[%swap3A_1057], %sub3A_1056 {strides = array<i32>} : memref<160xi32, #tpu.memory_space<vmem>>, vector<16xi32>,
      %broadcast_in_dim3A_1059 = arith.constant true
      %broadcast_in_dim3A_1060 = vector.broadcast %broadcast_in_dim3A_1059 : i1 to vector<16xi1>
      %masked_cumsum3A_1061 = tpu.scan <sum>, %convert_element_type3A_1052 masked %broadcast_in_dim3A_1060 : vector<16xi32>, vector<16xi1> -> vector<16xi32>
      %sub3A_1062 = arith.constant 1 : i32
      %sub3A_1063 = vector.broadcast %sub3A_1062 : i32 to vector<16xi32>
      %sub3A_1064 = arith.subi %masked_cumsum3A_1061, %sub3A_1063 : vector<16xi32>
      %add3A_1065 = vector.broadcast %add3A_1042 : i32 to vector<16xi32>
      %add3A_1066 = arith.addi %sub3A_1064, %add3A_1065 : vector<16xi32>
      %shift_right_logical3A_1067 = arith.constant 7 : i32
      %shift_right_logical3A_1068 = vector.broadcast %shift_right_logical3A_1067 : i32 to vector<16xi32>
      %shift_right_logical3A_1069 = arith.shrui %add3A_1066, %shift_right_logical3A_1068 : vector<16xi32>
      %and3A_1070 = arith.constant 127 : i32
      %and3A_1071 = vector.broadcast %and3A_1070 : i32 to vector<16xi32>
      %and3A_1072 = arith.andi %add3A_1066, %and3A_1071 : vector<16xi32>
      %mul3A_1073 = arith.constant 160 : i32
      %mul3A_1074 = arith.muli %add3A_859, %mul3A_1073 : i32
      %add3A_1075 = arith.addi %mul3A_2, %mul3A_1074 : i32
      %add3A_1076 = arith.constant 64 : i32
      %add3A_1077 = arith.addi %add3A_1075, %add3A_1076 : i32
      %add3A_1078 = vector.broadcast %add3A_1077 : i32 to vector<16xi32>
      %add3A_1079 = arith.addi %add3A_1078, %iota3A : vector<16xi32>
      tpu.vector_store_idx %arg11[%shift_right_logical3A_1069, %and3A_1072], %add3A_1079 masked %ge3A_1051 : memref<201x128xi32, #tpu.memory_space<vmem>>[vector<16xi32>, vector<16xi32>], vector<16xi32>, vector<16xi1>
      %sub3A_1080 = arith.constant 100000 : i32
      %sub3A_1081 = vector.broadcast %sub3A_1080 : i32 to vector<16xi32>
      %sub3A_1082 = arith.subi %get3A_1048, %sub3A_1081 : vector<16xi32>
      tpu.vector_store_idx %arg12[%shift_right_logical3A_1069, %and3A_1072], %sub3A_1082 masked %ge3A_1051 : memref<201x128xi32, #tpu.memory_space<vmem>>[vector<16xi32>, vector<16xi32>], vector<16xi32>, vector<16xi1>
      %reduce_sum3A_1083 = arith.constant true
      %reduce_sum3A_1084 = vector.broadcast %reduce_sum3A_1083 : i1 to vector<16xi1>
      %reduce_sum3A_1085 = tpu.scan <sum>, %convert_element_type3A_1052 masked %reduce_sum3A_1084 : vector<16xi32>, vector<16xi1> -> vector<16xi32>
      %reduce_sum3A_1086 = vector.extract %reduce_sum3A_1085[15] : i32 from vector<16xi32>
      %add3A_1087 = arith.addi %add3A_1042, %reduce_sum3A_1086 : i32
      %mul3A_1088 = arith.constant 160 : i32
      %mul3A_1089 = arith.muli %add3A_859, %mul3A_1088 : i32
      %add3A_1090 = arith.constant 80 : i32
      %add3A_1091 = arith.addi %mul3A_1089, %add3A_1090 : i32
      %get3A_1092 = arith.index_cast %add3A_1091 : i32 to index
      %get3A_1093 = tpu.vector_load %arg6[%get3A_1092] {strides = array<i32>} : memref<25600xi32, #tpu.memory_space<vmem>>, vector<16xi32>,
      %ge3A_1094 = arith.constant 100000 : i32
      %ge3A_1095 = vector.broadcast %ge3A_1094 : i32 to vector<16xi32>
      %ge3A_1096 = arith.cmpi sge, %get3A_1093, %ge3A_1095 : vector<16xi32>
      %convert_element_type3A_1097 = arith.extui %ge3A_1096 : vector<16xi1> to vector<16xi32>
      %mul3A_1098 = arith.constant 100000 : i32
      %mul3A_1099 = vector.broadcast %mul3A_1098 : i32 to vector<16xi32>
      %mul3A_1100 = arith.muli %convert_element_type3A_1097, %mul3A_1099 : vector<16xi32>
      %sub3A_1101 = arith.subi %get3A_1093, %mul3A_1100 : vector<16xi32>
      %swap3A_1102 = arith.constant 80 : index
      %swap3A_1103 = tpu.vector_load %arg7[%swap3A_1102] {strides = array<i32>} : memref<160xi32, #tpu.memory_space<vmem>>, vector<16xi32>,
      tpu.vector_store %arg7[%swap3A_1102], %sub3A_1101 {strides = array<i32>} : memref<160xi32, #tpu.memory_space<vmem>>, vector<16xi32>,
      %broadcast_in_dim3A_1104 = arith.constant true
      %broadcast_in_dim3A_1105 = vector.broadcast %broadcast_in_dim3A_1104 : i1 to vector<16xi1>
      %masked_cumsum3A_1106 = tpu.scan <sum>, %convert_element_type3A_1097 masked %broadcast_in_dim3A_1105 : vector<16xi32>, vector<16xi1> -> vector<16xi32>
      %sub3A_1107 = arith.constant 1 : i32
      %sub3A_1108 = vector.broadcast %sub3A_1107 : i32 to vector<16xi32>
      %sub3A_1109 = arith.subi %masked_cumsum3A_1106, %sub3A_1108 : vector<16xi32>
      %add3A_1110 = vector.broadcast %add3A_1087 : i32 to vector<16xi32>
      %add3A_1111 = arith.addi %sub3A_1109, %add3A_1110 : vector<16xi32>
      %shift_right_logical3A_1112 = arith.constant 7 : i32
      %shift_right_logical3A_1113 = vector.broadcast %shift_right_logical3A_1112 : i32 to vector<16xi32>
      %shift_right_logical3A_1114 = arith.shrui %add3A_1111, %shift_right_logical3A_1113 : vector<16xi32>
      %and3A_1115 = arith.constant 127 : i32
      %and3A_1116 = vector.broadcast %and3A_1115 : i32 to vector<16xi32>
      %and3A_1117 = arith.andi %add3A_1111, %and3A_1116 : vector<16xi32>
      %mul3A_1118 = arith.constant 160 : i32
      %mul3A_1119 = arith.muli %add3A_859, %mul3A_1118 : i32
      %add3A_1120 = arith.addi %mul3A_2, %mul3A_1119 : i32
      %add3A_1121 = arith.constant 80 : i32
      %add3A_1122 = arith.addi %add3A_1120, %add3A_1121 : i32
      %add3A_1123 = vector.broadcast %add3A_1122 : i32 to vector<16xi32>
      %add3A_1124 = arith.addi %add3A_1123, %iota3A : vector<16xi32>
      tpu.vector_store_idx %arg11[%shift_right_logical3A_1114, %and3A_1117], %add3A_1124 masked %ge3A_1096 : memref<201x128xi32, #tpu.memory_space<vmem>>[vector<16xi32>, vector<16xi32>], vector<16xi32>, vector<16xi1>
      %sub3A_1125 = arith.constant 100000 : i32
      %sub3A_1126 = vector.broadcast %sub3A_1125 : i32 to vector<16xi32>
      %sub3A_1127 = arith.subi %get3A_1093, %sub3A_1126 : vector<16xi32>
      tpu.vector_store_idx %arg12[%shift_right_logical3A_1114, %and3A_1117], %sub3A_1127 masked %ge3A_1096 : memref<201x128xi32, #tpu.memory_space<vmem>>[vector<16xi32>, vector<16xi32>], vector<16xi32>, vector<16xi1>
      %reduce_sum3A_1128 = arith.constant true
      %reduce_sum3A_1129 = vector.broadcast %reduce_sum3A_1128 : i1 to vector<16xi1>
      %reduce_sum3A_1130 = tpu.scan <sum>, %convert_element_type3A_1097 masked %reduce_sum3A_1129 : vector<16xi32>, vector<16xi1> -> vector<16xi32>
      %reduce_sum3A_1131 = vector.extract %reduce_sum3A_1130[15] : i32 from vector<16xi32>
      %add3A_1132 = arith.addi %add3A_1087, %reduce_sum3A_1131 : i32
      %mul3A_1133 = arith.constant 160 : i32
      %mul3A_1134 = arith.muli %add3A_859, %mul3A_1133 : i32
      %add3A_1135 = arith.constant 96 : i32
      %add3A_1136 = arith.addi %mul3A_1134, %add3A_1135 : i32
      %get3A_1137 = arith.index_cast %add3A_1136 : i32 to index
      %get3A_1138 = tpu.vector_load %arg6[%get3A_1137] {strides = array<i32>} : memref<25600xi32, #tpu.memory_space<vmem>>, vector<16xi32>,
      %ge3A_1139 = arith.constant 100000 : i32
      %ge3A_1140 = vector.broadcast %ge3A_1139 : i32 to vector<16xi32>
      %ge3A_1141 = arith.cmpi sge, %get3A_1138, %ge3A_1140 : vector<16xi32>
      %convert_element_type3A_1142 = arith.extui %ge3A_1141 : vector<16xi1> to vector<16xi32>
      %mul3A_1143 = arith.constant 100000 : i32
      %mul3A_1144 = vector.broadcast %mul3A_1143 : i32 to vector<16xi32>
      %mul3A_1145 = arith.muli %convert_element_type3A_1142, %mul3A_1144 : vector<16xi32>
      %sub3A_1146 = arith.subi %get3A_1138, %mul3A_1145 : vector<16xi32>
      %swap3A_1147 = arith.constant 96 : index
      %swap3A_1148 = tpu.vector_load %arg7[%swap3A_1147] {strides = array<i32>} : memref<160xi32, #tpu.memory_space<vmem>>, vector<16xi32>,
      tpu.vector_store %arg7[%swap3A_1147], %sub3A_1146 {strides = array<i32>} : memref<160xi32, #tpu.memory_space<vmem>>, vector<16xi32>,
      %broadcast_in_dim3A_1149 = arith.constant true
      %broadcast_in_dim3A_1150 = vector.broadcast %broadcast_in_dim3A_1149 : i1 to vector<16xi1>
      %masked_cumsum3A_1151 = tpu.scan <sum>, %convert_element_type3A_1142 masked %broadcast_in_dim3A_1150 : vector<16xi32>, vector<16xi1> -> vector<16xi32>
      %sub3A_1152 = arith.constant 1 : i32
      %sub3A_1153 = vector.broadcast %sub3A_1152 : i32 to vector<16xi32>
      %sub3A_1154 = arith.subi %masked_cumsum3A_1151, %sub3A_1153 : vector<16xi32>
      %add3A_1155 = vector.broadcast %add3A_1132 : i32 to vector<16xi32>
      %add3A_1156 = arith.addi %sub3A_1154, %add3A_1155 : vector<16xi32>
      %shift_right_logical3A_1157 = arith.constant 7 : i32
      %shift_right_logical3A_1158 = vector.broadcast %shift_right_logical3A_1157 : i32 to vector<16xi32>
      %shift_right_logical3A_1159 = arith.shrui %add3A_1156, %shift_right_logical3A_1158 : vector<16xi32>
      %and3A_1160 = arith.constant 127 : i32
      %and3A_1161 = vector.broadcast %and3A_1160 : i32 to vector<16xi32>
      %and3A_1162 = arith.andi %add3A_1156, %and3A_1161 : vector<16xi32>
      %mul3A_1163 = arith.constant 160 : i32
      %mul3A_1164 = arith.muli %add3A_859, %mul3A_1163 : i32
      %add3A_1165 = arith.addi %mul3A_2, %mul3A_1164 : i32
      %add3A_1166 = arith.constant 96 : i32
      %add3A_1167 = arith.addi %add3A_1165, %add3A_1166 : i32
      %add3A_1168 = vector.broadcast %add3A_1167 : i32 to vector<16xi32>
      %add3A_1169 = arith.addi %add3A_1168, %iota3A : vector<16xi32>
      tpu.vector_store_idx %arg11[%shift_right_logical3A_1159, %and3A_1162], %add3A_1169 masked %ge3A_1141 : memref<201x128xi32, #tpu.memory_space<vmem>>[vector<16xi32>, vector<16xi32>], vector<16xi32>, vector<16xi1>
      %sub3A_1170 = arith.constant 100000 : i32
      %sub3A_1171 = vector.broadcast %sub3A_1170 : i32 to vector<16xi32>
      %sub3A_1172 = arith.subi %get3A_1138, %sub3A_1171 : vector<16xi32>
      tpu.vector_store_idx %arg12[%shift_right_logical3A_1159, %and3A_1162], %sub3A_1172 masked %ge3A_1141 : memref<201x128xi32, #tpu.memory_space<vmem>>[vector<16xi32>, vector<16xi32>], vector<16xi32>, vector<16xi1>
      %reduce_sum3A_1173 = arith.constant true
      %reduce_sum3A_1174 = vector.broadcast %reduce_sum3A_1173 : i1 to vector<16xi1>
      %reduce_sum3A_1175 = tpu.scan <sum>, %convert_element_type3A_1142 masked %reduce_sum3A_1174 : vector<16xi32>, vector<16xi1> -> vector<16xi32>
      %reduce_sum3A_1176 = vector.extract %reduce_sum3A_1175[15] : i32 from vector<16xi32>
      %add3A_1177 = arith.addi %add3A_1132, %reduce_sum3A_1176 : i32
      %mul3A_1178 = arith.constant 160 : i32
      %mul3A_1179 = arith.muli %add3A_859, %mul3A_1178 : i32
      %add3A_1180 = arith.constant 112 : i32
      %add3A_1181 = arith.addi %mul3A_1179, %add3A_1180 : i32
      %get3A_1182 = arith.index_cast %add3A_1181 : i32 to index
      %get3A_1183 = tpu.vector_load %arg6[%get3A_1182] {strides = array<i32>} : memref<25600xi32, #tpu.memory_space<vmem>>, vector<16xi32>,
      %ge3A_1184 = arith.constant 100000 : i32
      %ge3A_1185 = vector.broadcast %ge3A_1184 : i32 to vector<16xi32>
      %ge3A_1186 = arith.cmpi sge, %get3A_1183, %ge3A_1185 : vector<16xi32>
      %convert_element_type3A_1187 = arith.extui %ge3A_1186 : vector<16xi1> to vector<16xi32>
      %mul3A_1188 = arith.constant 100000 : i32
      %mul3A_1189 = vector.broadcast %mul3A_1188 : i32 to vector<16xi32>
      %mul3A_1190 = arith.muli %convert_element_type3A_1187, %mul3A_1189 : vector<16xi32>
      %sub3A_1191 = arith.subi %get3A_1183, %mul3A_1190 : vector<16xi32>
      %swap3A_1192 = arith.constant 112 : index
      %swap3A_1193 = tpu.vector_load %arg7[%swap3A_1192] {strides = array<i32>} : memref<160xi32, #tpu.memory_space<vmem>>, vector<16xi32>,
      tpu.vector_store %arg7[%swap3A_1192], %sub3A_1191 {strides = array<i32>} : memref<160xi32, #tpu.memory_space<vmem>>, vector<16xi32>,
      %broadcast_in_dim3A_1194 = arith.constant true
      %broadcast_in_dim3A_1195 = vector.broadcast %broadcast_in_dim3A_1194 : i1 to vector<16xi1>
      %masked_cumsum3A_1196 = tpu.scan <sum>, %convert_element_type3A_1187 masked %broadcast_in_dim3A_1195 : vector<16xi32>, vector<16xi1> -> vector<16xi32>
      %sub3A_1197 = arith.constant 1 : i32
      %sub3A_1198 = vector.broadcast %sub3A_1197 : i32 to vector<16xi32>
      %sub3A_1199 = arith.subi %masked_cumsum3A_1196, %sub3A_1198 : vector<16xi32>
      %add3A_1200 = vector.broadcast %add3A_1177 : i32 to vector<16xi32>
      %add3A_1201 = arith.addi %sub3A_1199, %add3A_1200 : vector<16xi32>
      %shift_right_logical3A_1202 = arith.constant 7 : i32
      %shift_right_logical3A_1203 = vector.broadcast %shift_right_logical3A_1202 : i32 to vector<16xi32>
      %shift_right_logical3A_1204 = arith.shrui %add3A_1201, %shift_right_logical3A_1203 : vector<16xi32>
      %and3A_1205 = arith.constant 127 : i32
      %and3A_1206 = vector.broadcast %and3A_1205 : i32 to vector<16xi32>
      %and3A_1207 = arith.andi %add3A_1201, %and3A_1206 : vector<16xi32>
      %mul3A_1208 = arith.constant 160 : i32
      %mul3A_1209 = arith.muli %add3A_859, %mul3A_1208 : i32
      %add3A_1210 = arith.addi %mul3A_2, %mul3A_1209 : i32
      %add3A_1211 = arith.constant 112 : i32
      %add3A_1212 = arith.addi %add3A_1210, %add3A_1211 : i32
      %add3A_1213 = vector.broadcast %add3A_1212 : i32 to vector<16xi32>
      %add3A_1214 = arith.addi %add3A_1213, %iota3A : vector<16xi32>
      tpu.vector_store_idx %arg11[%shift_right_logical3A_1204, %and3A_1207], %add3A_1214 masked %ge3A_1186 : memref<201x128xi32, #tpu.memory_space<vmem>>[vector<16xi32>, vector<16xi32>], vector<16xi32>, vector<16xi1>
      %sub3A_1215 = arith.constant 100000 : i32
      %sub3A_1216 = vector.broadcast %sub3A_1215 : i32 to vector<16xi32>
      %sub3A_1217 = arith.subi %get3A_1183, %sub3A_1216 : vector<16xi32>
      tpu.vector_store_idx %arg12[%shift_right_logical3A_1204, %and3A_1207], %sub3A_1217 masked %ge3A_1186 : memref<201x128xi32, #tpu.memory_space<vmem>>[vector<16xi32>, vector<16xi32>], vector<16xi32>, vector<16xi1>
      %reduce_sum3A_1218 = arith.constant true
      %reduce_sum3A_1219 = vector.broadcast %reduce_sum3A_1218 : i1 to vector<16xi1>
      %reduce_sum3A_1220 = tpu.scan <sum>, %convert_element_type3A_1187 masked %reduce_sum3A_1219 : vector<16xi32>, vector<16xi1> -> vector<16xi32>
      %reduce_sum3A_1221 = vector.extract %reduce_sum3A_1220[15] : i32 from vector<16xi32>
      %add3A_1222 = arith.addi %add3A_1177, %reduce_sum3A_1221 : i32
      %mul3A_1223 = arith.constant 160 : i32
      %mul3A_1224 = arith.muli %add3A_859, %mul3A_1223 : i32
      %add3A_1225 = arith.constant 128 : i32
      %add3A_1226 = arith.addi %mul3A_1224, %add3A_1225 : i32
      %get3A_1227 = arith.index_cast %add3A_1226 : i32 to index
      %get3A_1228 = tpu.vector_load %arg6[%get3A_1227] {strides = array<i32>} : memref<25600xi32, #tpu.memory_space<vmem>>, vector<16xi32>,
      %ge3A_1229 = arith.constant 100000 : i32
      %ge3A_1230 = vector.broadcast %ge3A_1229 : i32 to vector<16xi32>
      %ge3A_1231 = arith.cmpi sge, %get3A_1228, %ge3A_1230 : vector<16xi32>
      %convert_element_type3A_1232 = arith.extui %ge3A_1231 : vector<16xi1> to vector<16xi32>
      %mul3A_1233 = arith.constant 100000 : i32
      %mul3A_1234 = vector.broadcast %mul3A_1233 : i32 to vector<16xi32>
      %mul3A_1235 = arith.muli %convert_element_type3A_1232, %mul3A_1234 : vector<16xi32>
      %sub3A_1236 = arith.subi %get3A_1228, %mul3A_1235 : vector<16xi32>
      %swap3A_1237 = arith.constant 128 : index
      %swap3A_1238 = tpu.vector_load %arg7[%swap3A_1237] {strides = array<i32>} : memref<160xi32, #tpu.memory_space<vmem>>, vector<16xi32>,
      tpu.vector_store %arg7[%swap3A_1237], %sub3A_1236 {strides = array<i32>} : memref<160xi32, #tpu.memory_space<vmem>>, vector<16xi32>,
      %broadcast_in_dim3A_1239 = arith.constant true
      %broadcast_in_dim3A_1240 = vector.broadcast %broadcast_in_dim3A_1239 : i1 to vector<16xi1>
      %masked_cumsum3A_1241 = tpu.scan <sum>, %convert_element_type3A_1232 masked %broadcast_in_dim3A_1240 : vector<16xi32>, vector<16xi1> -> vector<16xi32>
      %sub3A_1242 = arith.constant 1 : i32
      %sub3A_1243 = vector.broadcast %sub3A_1242 : i32 to vector<16xi32>
      %sub3A_1244 = arith.subi %masked_cumsum3A_1241, %sub3A_1243 : vector<16xi32>
      %add3A_1245 = vector.broadcast %add3A_1222 : i32 to vector<16xi32>
      %add3A_1246 = arith.addi %sub3A_1244, %add3A_1245 : vector<16xi32>
      %shift_right_logical3A_1247 = arith.constant 7 : i32
      %shift_right_logical3A_1248 = vector.broadcast %shift_right_logical3A_1247 : i32 to vector<16xi32>
      %shift_right_logical3A_1249 = arith.shrui %add3A_1246, %shift_right_logical3A_1248 : vector<16xi32>
      %and3A_1250 = arith.constant 127 : i32
      %and3A_1251 = vector.broadcast %and3A_1250 : i32 to vector<16xi32>
      %and3A_1252 = arith.andi %add3A_1246, %and3A_1251 : vector<16xi32>
      %mul3A_1253 = arith.constant 160 : i32
      %mul3A_1254 = arith.muli %add3A_859, %mul3A_1253 : i32
      %add3A_1255 = arith.addi %mul3A_2, %mul3A_1254 : i32
      %add3A_1256 = arith.constant 128 : i32
      %add3A_1257 = arith.addi %add3A_1255, %add3A_1256 : i32
      %add3A_1258 = vector.broadcast %add3A_1257 : i32 to vector<16xi32>
      %add3A_1259 = arith.addi %add3A_1258, %iota3A : vector<16xi32>
      tpu.vector_store_idx %arg11[%shift_right_logical3A_1249, %and3A_1252], %add3A_1259 masked %ge3A_1231 : memref<201x128xi32, #tpu.memory_space<vmem>>[vector<16xi32>, vector<16xi32>], vector<16xi32>, vector<16xi1>
      %sub3A_1260 = arith.constant 100000 : i32
      %sub3A_1261 = vector.broadcast %sub3A_1260 : i32 to vector<16xi32>
      %sub3A_1262 = arith.subi %get3A_1228, %sub3A_1261 : vector<16xi32>
      tpu.vector_store_idx %arg12[%shift_right_logical3A_1249, %and3A_1252], %sub3A_1262 masked %ge3A_1231 : memref<201x128xi32, #tpu.memory_space<vmem>>[vector<16xi32>, vector<16xi32>], vector<16xi32>, vector<16xi1>
      %reduce_sum3A_1263 = arith.constant true
      %reduce_sum3A_1264 = vector.broadcast %reduce_sum3A_1263 : i1 to vector<16xi1>
      %reduce_sum3A_1265 = tpu.scan <sum>, %convert_element_type3A_1232 masked %reduce_sum3A_1264 : vector<16xi32>, vector<16xi1> -> vector<16xi32>
      %reduce_sum3A_1266 = vector.extract %reduce_sum3A_1265[15] : i32 from vector<16xi32>
      %add3A_1267 = arith.addi %add3A_1222, %reduce_sum3A_1266 : i32
      %mul3A_1268 = arith.constant 160 : i32
      %mul3A_1269 = arith.muli %add3A_859, %mul3A_1268 : i32
      %add3A_1270 = arith.constant 144 : i32
      %add3A_1271 = arith.addi %mul3A_1269, %add3A_1270 : i32
      %get3A_1272 = arith.index_cast %add3A_1271 : i32 to index
      %get3A_1273 = tpu.vector_load %arg6[%get3A_1272] {strides = array<i32>} : memref<25600xi32, #tpu.memory_space<vmem>>, vector<16xi32>,
      %ge3A_1274 = arith.constant 100000 : i32
      %ge3A_1275 = vector.broadcast %ge3A_1274 : i32 to vector<16xi32>
      %ge3A_1276 = arith.cmpi sge, %get3A_1273, %ge3A_1275 : vector<16xi32>
      %convert_element_type3A_1277 = arith.extui %ge3A_1276 : vector<16xi1> to vector<16xi32>
      %mul3A_1278 = arith.constant 100000 : i32
      %mul3A_1279 = vector.broadcast %mul3A_1278 : i32 to vector<16xi32>
      %mul3A_1280 = arith.muli %convert_element_type3A_1277, %mul3A_1279 : vector<16xi32>
      %sub3A_1281 = arith.subi %get3A_1273, %mul3A_1280 : vector<16xi32>
      %swap3A_1282 = arith.constant 144 : index
      %swap3A_1283 = tpu.vector_load %arg7[%swap3A_1282] {strides = array<i32>} : memref<160xi32, #tpu.memory_space<vmem>>, vector<16xi32>,
      tpu.vector_store %arg7[%swap3A_1282], %sub3A_1281 {strides = array<i32>} : memref<160xi32, #tpu.memory_space<vmem>>, vector<16xi32>,
      %broadcast_in_dim3A_1284 = arith.constant true
      %broadcast_in_dim3A_1285 = vector.broadcast %broadcast_in_dim3A_1284 : i1 to vector<16xi1>
      %masked_cumsum3A_1286 = tpu.scan <sum>, %convert_element_type3A_1277 masked %broadcast_in_dim3A_1285 : vector<16xi32>, vector<16xi1> -> vector<16xi32>
      %sub3A_1287 = arith.constant 1 : i32
      %sub3A_1288 = vector.broadcast %sub3A_1287 : i32 to vector<16xi32>
      %sub3A_1289 = arith.subi %masked_cumsum3A_1286, %sub3A_1288 : vector<16xi32>
      %add3A_1290 = vector.broadcast %add3A_1267 : i32 to vector<16xi32>
      %add3A_1291 = arith.addi %sub3A_1289, %add3A_1290 : vector<16xi32>
      %shift_right_logical3A_1292 = arith.constant 7 : i32
      %shift_right_logical3A_1293 = vector.broadcast %shift_right_logical3A_1292 : i32 to vector<16xi32>
      %shift_right_logical3A_1294 = arith.shrui %add3A_1291, %shift_right_logical3A_1293 : vector<16xi32>
      %and3A_1295 = arith.constant 127 : i32
      %and3A_1296 = vector.broadcast %and3A_1295 : i32 to vector<16xi32>
      %and3A_1297 = arith.andi %add3A_1291, %and3A_1296 : vector<16xi32>
      %mul3A_1298 = arith.constant 160 : i32
      %mul3A_1299 = arith.muli %add3A_859, %mul3A_1298 : i32
      %add3A_1300 = arith.addi %mul3A_2, %mul3A_1299 : i32
      %add3A_1301 = arith.constant 144 : i32
      %add3A_1302 = arith.addi %add3A_1300, %add3A_1301 : i32
      %add3A_1303 = vector.broadcast %add3A_1302 : i32 to vector<16xi32>
      %add3A_1304 = arith.addi %add3A_1303, %iota3A : vector<16xi32>
      tpu.vector_store_idx %arg11[%shift_right_logical3A_1294, %and3A_1297], %add3A_1304 masked %ge3A_1276 : memref<201x128xi32, #tpu.memory_space<vmem>>[vector<16xi32>, vector<16xi32>], vector<16xi32>, vector<16xi1>
      %sub3A_1305 = arith.constant 100000 : i32
      %sub3A_1306 = vector.broadcast %sub3A_1305 : i32 to vector<16xi32>
      %sub3A_1307 = arith.subi %get3A_1273, %sub3A_1306 : vector<16xi32>
      tpu.vector_store_idx %arg12[%shift_right_logical3A_1294, %and3A_1297], %sub3A_1307 masked %ge3A_1276 : memref<201x128xi32, #tpu.memory_space<vmem>>[vector<16xi32>, vector<16xi32>], vector<16xi32>, vector<16xi1>
      %reduce_sum3A_1308 = arith.constant true
      %reduce_sum3A_1309 = vector.broadcast %reduce_sum3A_1308 : i1 to vector<16xi1>
      %reduce_sum3A_1310 = tpu.scan <sum>, %convert_element_type3A_1277 masked %reduce_sum3A_1309 : vector<16xi32>, vector<16xi1> -> vector<16xi32>
      %reduce_sum3A_1311 = vector.extract %reduce_sum3A_1310[15] : i32 from vector<16xi32>
      %add3A_1312 = arith.addi %add3A_1267, %reduce_sum3A_1311 : i32
      %swap3A_1313 = arith.constant 0 : i32
      %swap3A_1314 = arith.index_cast %swap3A_1313 : i32 to index
      %swap3A_1315 = memref.load %arg13[%swap3A_1314] : memref<2xi32, #tpu.memory_space<smem>>
      memref.store %add3A_1312, %arg13[%swap3A_1314] : memref<2xi32, #tpu.memory_space<smem>>
      %dma_start3A_1316 = arith.constant 0 : i32
      %dma_start3A_1317 = arith.constant 0 : i32
      %dma_start3A_1318 = tpu.memref_slice %arg2[%dma_start3A_1316, %dma_start3A_1317] : memref<100000x128xf32, #tpu.memory_space<hbm>> -> memref<100000x128xf32, #tpu.memory_space<hbm>>
      tpu.enqueue_indirect_dma source(%dma_start3A_1318 : memref<100000x128xf32, #tpu.memory_space<hbm>>) target(%arg9 : memref<160x128xf32, #tpu.memory_space<vmem>>) offsets(%arg7 : memref<160xi32, #tpu.memory_space<vmem>>) semaphore(%arg14 : memref<!tpu.dma_semaphore, #tpu.memory_space<semaphore_mem>>)
      %dma_wait3A_1319 = arith.constant 0 : i32
      %dma_wait3A_1320 = arith.constant 0 : i32
      %dma_wait3A_1321 = tpu.memref_slice %arg2[%dma_wait3A_1319, %dma_wait3A_1320] : memref<100000x128xf32, #tpu.memory_space<hbm>> -> memref<100000x128xf32, #tpu.memory_space<hbm>>
      tpu.wait_indirect_dma semaphore(%arg15 : memref<!tpu.dma_semaphore, #tpu.memory_space<semaphore_mem>>) src(%dma_wait3A_1321 : memref<100000x128xf32, #tpu.memory_space<hbm>>) dst(%arg10 : memref<160x128xf32, #tpu.memory_space<vmem>>)
      %mul3A_1322 = arith.constant 160 : i32
      %mul3A_1323 = arith.muli %add3A_853, %mul3A_1322 : i32
      %add3A_1324 = arith.addi %mul3A_2, %mul3A_1323 : i32
      %dma_start3A_1325 = arith.constant 0 : i32
      %dma_start3A_1326 = tpu.memref_slice %arg5[%add3A_1324, %dma_start3A_1325] : memref<819200x128xf32, #tpu.memory_space<hbm>> -> memref<160x128xf32, #tpu.memory_space<hbm>>
      %dma_start3A_1327 = arith.constant 0 : i32
      %dma_start3A_1328 = tpu.memref_slice %arg5[%add3A_1324, %dma_start3A_1327] : memref<819200x128xf32, #tpu.memory_space<hbm>> -> memref<160x128xf32, #tpu.memory_space<hbm>>
      tpu.enqueue_dma source(%arg10 : memref<160x128xf32, #tpu.memory_space<vmem>>) target(%dma_start3A_1328 : memref<160x128xf32, #tpu.memory_space<hbm>>) target_semaphore(%arg17 : memref<!tpu.dma_semaphore, #tpu.memory_space<semaphore_mem>>)
      %dma_wait3A_1329 = arith.constant 0 : i32
      %dma_wait3A_1330 = tpu.memref_slice %arg5[%mul3A_2, %dma_wait3A_1329] : memref<819200x128xf32, #tpu.memory_space<hbm>> -> memref<160x128xf32, #tpu.memory_space<hbm>>
      %dma_wait3A_1331 = arith.constant 0 : i32
      %dma_wait3A_1332 = tpu.memref_slice %arg5[%mul3A_2, %dma_wait3A_1331] : memref<819200x128xf32, #tpu.memory_space<hbm>> -> memref<160x128xf32, #tpu.memory_space<hbm>>
      tpu.wait_dma2 semaphore(%arg17 : memref<!tpu.dma_semaphore, #tpu.memory_space<semaphore_mem>>) src(%arg10 : memref<160x128xf32, #tpu.memory_space<vmem>>) dst(%dma_wait3A_1332 : memref<160x128xf32, #tpu.memory_space<hbm>>)
      %add3A_1333 = arith.constant 2 : i32
      %add3A_1334 = arith.addi %add3A_853, %add3A_1333 : i32
      %get3A_1335 = arith.constant 0 : i32
      %get3A_1336 = arith.index_cast %get3A_1335 : i32 to index
      %get3A_1337 = memref.load %arg13[%get3A_1336] : memref<2xi32, #tpu.memory_space<smem>>
      %mul3A_1338 = arith.constant 160 : i32
      %mul3A_1339 = arith.muli %add3A_1334, %mul3A_1338 : i32
      %add3A_1340 = arith.constant 0 : i32
      %add3A_1341 = arith.addi %mul3A_1339, %add3A_1340 : i32
      %get3A_1342 = arith.index_cast %add3A_1341 : i32 to index
      %get3A_1343 = tpu.vector_load %arg6[%get3A_1342] {strides = array<i32>} : memref<25600xi32, #tpu.memory_space<vmem>>, vector<16xi32>,
      %ge3A_1344 = arith.constant 100000 : i32
      %ge3A_1345 = vector.broadcast %ge3A_1344 : i32 to vector<16xi32>
      %ge3A_1346 = arith.cmpi sge, %get3A_1343, %ge3A_1345 : vector<16xi32>
      %convert_element_type3A_1347 = arith.extui %ge3A_1346 : vector<16xi1> to vector<16xi32>
      %mul3A_1348 = arith.constant 100000 : i32
      %mul3A_1349 = vector.broadcast %mul3A_1348 : i32 to vector<16xi32>
      %mul3A_1350 = arith.muli %convert_element_type3A_1347, %mul3A_1349 : vector<16xi32>
      %sub3A_1351 = arith.subi %get3A_1343, %mul3A_1350 : vector<16xi32>
      %swap3A_1352 = arith.constant 0 : index
      %swap3A_1353 = tpu.vector_load %arg8[%swap3A_1352] {strides = array<i32>} : memref<160xi32, #tpu.memory_space<vmem>>, vector<16xi32>,
      tpu.vector_store %arg8[%swap3A_1352], %sub3A_1351 {strides = array<i32>} : memref<160xi32, #tpu.memory_space<vmem>>, vector<16xi32>,
      %broadcast_in_dim3A_1354 = arith.constant true
      %broadcast_in_dim3A_1355 = vector.broadcast %broadcast_in_dim3A_1354 : i1 to vector<16xi1>
      %masked_cumsum3A_1356 = tpu.scan <sum>, %convert_element_type3A_1347 masked %broadcast_in_dim3A_1355 : vector<16xi32>, vector<16xi1> -> vector<16xi32>
      %sub3A_1357 = arith.constant 1 : i32
      %sub3A_1358 = vector.broadcast %sub3A_1357 : i32 to vector<16xi32>
      %sub3A_1359 = arith.subi %masked_cumsum3A_1356, %sub3A_1358 : vector<16xi32>
      %add3A_1360 = vector.broadcast %get3A_1337 : i32 to vector<16xi32>
      %add3A_1361 = arith.addi %sub3A_1359, %add3A_1360 : vector<16xi32>
      %shift_right_logical3A_1362 = arith.constant 7 : i32
      %shift_right_logical3A_1363 = vector.broadcast %shift_right_logical3A_1362 : i32 to vector<16xi32>
      %shift_right_logical3A_1364 = arith.shrui %add3A_1361, %shift_right_logical3A_1363 : vector<16xi32>
      %and3A_1365 = arith.constant 127 : i32
      %and3A_1366 = vector.broadcast %and3A_1365 : i32 to vector<16xi32>
      %and3A_1367 = arith.andi %add3A_1361, %and3A_1366 : vector<16xi32>
      %mul3A_1368 = arith.constant 160 : i32
      %mul3A_1369 = arith.muli %add3A_1334, %mul3A_1368 : i32
      %add3A_1370 = arith.addi %mul3A_2, %mul3A_1369 : i32
      %add3A_1371 = arith.constant 0 : i32
      %add3A_1372 = arith.addi %add3A_1370, %add3A_1371 : i32
      %add3A_1373 = vector.broadcast %add3A_1372 : i32 to vector<16xi32>
      %add3A_1374 = arith.addi %add3A_1373, %iota3A : vector<16xi32>
      tpu.vector_store_idx %arg11[%shift_right_logical3A_1364, %and3A_1367], %add3A_1374 masked %ge3A_1346 : memref<201x128xi32, #tpu.memory_space<vmem>>[vector<16xi32>, vector<16xi32>], vector<16xi32>, vector<16xi1>
      %sub3A_1375 = arith.constant 100000 : i32
      %sub3A_1376 = vector.broadcast %sub3A_1375 : i32 to vector<16xi32>
      %sub3A_1377 = arith.subi %get3A_1343, %sub3A_1376 : vector<16xi32>
      tpu.vector_store_idx %arg12[%shift_right_logical3A_1364, %and3A_1367], %sub3A_1377 masked %ge3A_1346 : memref<201x128xi32, #tpu.memory_space<vmem>>[vector<16xi32>, vector<16xi32>], vector<16xi32>, vector<16xi1>
      %reduce_sum3A_1378 = arith.constant true
      %reduce_sum3A_1379 = vector.broadcast %reduce_sum3A_1378 : i1 to vector<16xi1>
      %reduce_sum3A_1380 = tpu.scan <sum>, %convert_element_type3A_1347 masked %reduce_sum3A_1379 : vector<16xi32>, vector<16xi1> -> vector<16xi32>
      %reduce_sum3A_1381 = vector.extract %reduce_sum3A_1380[15] : i32 from vector<16xi32>
      %add3A_1382 = arith.addi %get3A_1337, %reduce_sum3A_1381 : i32
      %mul3A_1383 = arith.constant 160 : i32
      %mul3A_1384 = arith.muli %add3A_1334, %mul3A_1383 : i32
      %add3A_1385 = arith.constant 16 : i32
      %add3A_1386 = arith.addi %mul3A_1384, %add3A_1385 : i32
      %get3A_1387 = arith.index_cast %add3A_1386 : i32 to index
      %get3A_1388 = tpu.vector_load %arg6[%get3A_1387] {strides = array<i32>} : memref<25600xi32, #tpu.memory_space<vmem>>, vector<16xi32>,
      %ge3A_1389 = arith.constant 100000 : i32
      %ge3A_1390 = vector.broadcast %ge3A_1389 : i32 to vector<16xi32>
      %ge3A_1391 = arith.cmpi sge, %get3A_1388, %ge3A_1390 : vector<16xi32>
      %convert_element_type3A_1392 = arith.extui %ge3A_1391 : vector<16xi1> to vector<16xi32>
      %mul3A_1393 = arith.constant 100000 : i32
      %mul3A_1394 = vector.broadcast %mul3A_1393 : i32 to vector<16xi32>
      %mul3A_1395 = arith.muli %convert_element_type3A_1392, %mul3A_1394 : vector<16xi32>
      %sub3A_1396 = arith.subi %get3A_1388, %mul3A_1395 : vector<16xi32>
      %swap3A_1397 = arith.constant 16 : index
      %swap3A_1398 = tpu.vector_load %arg8[%swap3A_1397] {strides = array<i32>} : memref<160xi32, #tpu.memory_space<vmem>>, vector<16xi32>,
      tpu.vector_store %arg8[%swap3A_1397], %sub3A_1396 {strides = array<i32>} : memref<160xi32, #tpu.memory_space<vmem>>, vector<16xi32>,
      %broadcast_in_dim3A_1399 = arith.constant true
      %broadcast_in_dim3A_1400 = vector.broadcast %broadcast_in_dim3A_1399 : i1 to vector<16xi1>
      %masked_cumsum3A_1401 = tpu.scan <sum>, %convert_element_type3A_1392 masked %broadcast_in_dim3A_1400 : vector<16xi32>, vector<16xi1> -> vector<16xi32>
      %sub3A_1402 = arith.constant 1 : i32
      %sub3A_1403 = vector.broadcast %sub3A_1402 : i32 to vector<16xi32>
      %sub3A_1404 = arith.subi %masked_cumsum3A_1401, %sub3A_1403 : vector<16xi32>
      %add3A_1405 = vector.broadcast %add3A_1382 : i32 to vector<16xi32>
      %add3A_1406 = arith.addi %sub3A_1404, %add3A_1405 : vector<16xi32>
      %shift_right_logical3A_1407 = arith.constant 7 : i32
      %shift_right_logical3A_1408 = vector.broadcast %shift_right_logical3A_1407 : i32 to vector<16xi32>
      %shift_right_logical3A_1409 = arith.shrui %add3A_1406, %shift_right_logical3A_1408 : vector<16xi32>
      %and3A_1410 = arith.constant 127 : i32
      %and3A_1411 = vector.broadcast %and3A_1410 : i32 to vector<16xi32>
      %and3A_1412 = arith.andi %add3A_1406, %and3A_1411 : vector<16xi32>
      %mul3A_1413 = arith.constant 160 : i32
      %mul3A_1414 = arith.muli %add3A_1334, %mul3A_1413 : i32
      %add3A_1415 = arith.addi %mul3A_2, %mul3A_1414 : i32
      %add3A_1416 = arith.constant 16 : i32
      %add3A_1417 = arith.addi %add3A_1415, %add3A_1416 : i32
      %add3A_1418 = vector.broadcast %add3A_1417 : i32 to vector<16xi32>
      %add3A_1419 = arith.addi %add3A_1418, %iota3A : vector<16xi32>
      tpu.vector_store_idx %arg11[%shift_right_logical3A_1409, %and3A_1412], %add3A_1419 masked %ge3A_1391 : memref<201x128xi32, #tpu.memory_space<vmem>>[vector<16xi32>, vector<16xi32>], vector<16xi32>, vector<16xi1>
      %sub3A_1420 = arith.constant 100000 : i32
      %sub3A_1421 = vector.broadcast %sub3A_1420 : i32 to vector<16xi32>
      %sub3A_1422 = arith.subi %get3A_1388, %sub3A_1421 : vector<16xi32>
      tpu.vector_store_idx %arg12[%shift_right_logical3A_1409, %and3A_1412], %sub3A_1422 masked %ge3A_1391 : memref<201x128xi32, #tpu.memory_space<vmem>>[vector<16xi32>, vector<16xi32>], vector<16xi32>, vector<16xi1>
      %reduce_sum3A_1423 = arith.constant true
      %reduce_sum3A_1424 = vector.broadcast %reduce_sum3A_1423 : i1 to vector<16xi1>
      %reduce_sum3A_1425 = tpu.scan <sum>, %convert_element_type3A_1392 masked %reduce_sum3A_1424 : vector<16xi32>, vector<16xi1> -> vector<16xi32>
      %reduce_sum3A_1426 = vector.extract %reduce_sum3A_1425[15] : i32 from vector<16xi32>
      %add3A_1427 = arith.addi %add3A_1382, %reduce_sum3A_1426 : i32
      %mul3A_1428 = arith.constant 160 : i32
      %mul3A_1429 = arith.muli %add3A_1334, %mul3A_1428 : i32
      %add3A_1430 = arith.constant 32 : i32
      %add3A_1431 = arith.addi %mul3A_1429, %add3A_1430 : i32
      %get3A_1432 = arith.index_cast %add3A_1431 : i32 to index
      %get3A_1433 = tpu.vector_load %arg6[%get3A_1432] {strides = array<i32>} : memref<25600xi32, #tpu.memory_space<vmem>>, vector<16xi32>,
      %ge3A_1434 = arith.constant 100000 : i32
      %ge3A_1435 = vector.broadcast %ge3A_1434 : i32 to vector<16xi32>
      %ge3A_1436 = arith.cmpi sge, %get3A_1433, %ge3A_1435 : vector<16xi32>
      %convert_element_type3A_1437 = arith.extui %ge3A_1436 : vector<16xi1> to vector<16xi32>
      %mul3A_1438 = arith.constant 100000 : i32
      %mul3A_1439 = vector.broadcast %mul3A_1438 : i32 to vector<16xi32>
      %mul3A_1440 = arith.muli %convert_element_type3A_1437, %mul3A_1439 : vector<16xi32>
      %sub3A_1441 = arith.subi %get3A_1433, %mul3A_1440 : vector<16xi32>
      %swap3A_1442 = arith.constant 32 : index
      %swap3A_1443 = tpu.vector_load %arg8[%swap3A_1442] {strides = array<i32>} : memref<160xi32, #tpu.memory_space<vmem>>, vector<16xi32>,
      tpu.vector_store %arg8[%swap3A_1442], %sub3A_1441 {strides = array<i32>} : memref<160xi32, #tpu.memory_space<vmem>>, vector<16xi32>,
      %broadcast_in_dim3A_1444 = arith.constant true
      %broadcast_in_dim3A_1445 = vector.broadcast %broadcast_in_dim3A_1444 : i1 to vector<16xi1>
      %masked_cumsum3A_1446 = tpu.scan <sum>, %convert_element_type3A_1437 masked %broadcast_in_dim3A_1445 : vector<16xi32>, vector<16xi1> -> vector<16xi32>
      %sub3A_1447 = arith.constant 1 : i32
      %sub3A_1448 = vector.broadcast %sub3A_1447 : i32 to vector<16xi32>
      %sub3A_1449 = arith.subi %masked_cumsum3A_1446, %sub3A_1448 : vector<16xi32>
      %add3A_1450 = vector.broadcast %add3A_1427 : i32 to vector<16xi32>
      %add3A_1451 = arith.addi %sub3A_1449, %add3A_1450 : vector<16xi32>
      %shift_right_logical3A_1452 = arith.constant 7 : i32
      %shift_right_logical3A_1453 = vector.broadcast %shift_right_logical3A_1452 : i32 to vector<16xi32>
      %shift_right_logical3A_1454 = arith.shrui %add3A_1451, %shift_right_logical3A_1453 : vector<16xi32>
      %and3A_1455 = arith.constant 127 : i32
      %and3A_1456 = vector.broadcast %and3A_1455 : i32 to vector<16xi32>
      %and3A_1457 = arith.andi %add3A_1451, %and3A_1456 : vector<16xi32>
      %mul3A_1458 = arith.constant 160 : i32
      %mul3A_1459 = arith.muli %add3A_1334, %mul3A_1458 : i32
      %add3A_1460 = arith.addi %mul3A_2, %mul3A_1459 : i32
      %add3A_1461 = arith.constant 32 : i32
      %add3A_1462 = arith.addi %add3A_1460, %add3A_1461 : i32
      %add3A_1463 = vector.broadcast %add3A_1462 : i32 to vector<16xi32>
      %add3A_1464 = arith.addi %add3A_1463, %iota3A : vector<16xi32>
      tpu.vector_store_idx %arg11[%shift_right_logical3A_1454, %and3A_1457], %add3A_1464 masked %ge3A_1436 : memref<201x128xi32, #tpu.memory_space<vmem>>[vector<16xi32>, vector<16xi32>], vector<16xi32>, vector<16xi1>
      %sub3A_1465 = arith.constant 100000 : i32
      %sub3A_1466 = vector.broadcast %sub3A_1465 : i32 to vector<16xi32>
      %sub3A_1467 = arith.subi %get3A_1433, %sub3A_1466 : vector<16xi32>
      tpu.vector_store_idx %arg12[%shift_right_logical3A_1454, %and3A_1457], %sub3A_1467 masked %ge3A_1436 : memref<201x128xi32, #tpu.memory_space<vmem>>[vector<16xi32>, vector<16xi32>], vector<16xi32>, vector<16xi1>
      %reduce_sum3A_1468 = arith.constant true
      %reduce_sum3A_1469 = vector.broadcast %reduce_sum3A_1468 : i1 to vector<16xi1>
      %reduce_sum3A_1470 = tpu.scan <sum>, %convert_element_type3A_1437 masked %reduce_sum3A_1469 : vector<16xi32>, vector<16xi1> -> vector<16xi32>
      %reduce_sum3A_1471 = vector.extract %reduce_sum3A_1470[15] : i32 from vector<16xi32>
      %add3A_1472 = arith.addi %add3A_1427, %reduce_sum3A_1471 : i32
      %mul3A_1473 = arith.constant 160 : i32
      %mul3A_1474 = arith.muli %add3A_1334, %mul3A_1473 : i32
      %add3A_1475 = arith.constant 48 : i32
      %add3A_1476 = arith.addi %mul3A_1474, %add3A_1475 : i32
      %get3A_1477 = arith.index_cast %add3A_1476 : i32 to index
      %get3A_1478 = tpu.vector_load %arg6[%get3A_1477] {strides = array<i32>} : memref<25600xi32, #tpu.memory_space<vmem>>, vector<16xi32>,
      %ge3A_1479 = arith.constant 100000 : i32
      %ge3A_1480 = vector.broadcast %ge3A_1479 : i32 to vector<16xi32>
      %ge3A_1481 = arith.cmpi sge, %get3A_1478, %ge3A_1480 : vector<16xi32>
      %convert_element_type3A_1482 = arith.extui %ge3A_1481 : vector<16xi1> to vector<16xi32>
      %mul3A_1483 = arith.constant 100000 : i32
      %mul3A_1484 = vector.broadcast %mul3A_1483 : i32 to vector<16xi32>
      %mul3A_1485 = arith.muli %convert_element_type3A_1482, %mul3A_1484 : vector<16xi32>
      %sub3A_1486 = arith.subi %get3A_1478, %mul3A_1485 : vector<16xi32>
      %swap3A_1487 = arith.constant 48 : index
      %swap3A_1488 = tpu.vector_load %arg8[%swap3A_1487] {strides = array<i32>} : memref<160xi32, #tpu.memory_space<vmem>>, vector<16xi32>,
      tpu.vector_store %arg8[%swap3A_1487], %sub3A_1486 {strides = array<i32>} : memref<160xi32, #tpu.memory_space<vmem>>, vector<16xi32>,
      %broadcast_in_dim3A_1489 = arith.constant true
      %broadcast_in_dim3A_1490 = vector.broadcast %broadcast_in_dim3A_1489 : i1 to vector<16xi1>
      %masked_cumsum3A_1491 = tpu.scan <sum>, %convert_element_type3A_1482 masked %broadcast_in_dim3A_1490 : vector<16xi32>, vector<16xi1> -> vector<16xi32>
      %sub3A_1492 = arith.constant 1 : i32
      %sub3A_1493 = vector.broadcast %sub3A_1492 : i32 to vector<16xi32>
      %sub3A_1494 = arith.subi %masked_cumsum3A_1491, %sub3A_1493 : vector<16xi32>
      %add3A_1495 = vector.broadcast %add3A_1472 : i32 to vector<16xi32>
      %add3A_1496 = arith.addi %sub3A_1494, %add3A_1495 : vector<16xi32>
      %shift_right_logical3A_1497 = arith.constant 7 : i32
      %shift_right_logical3A_1498 = vector.broadcast %shift_right_logical3A_1497 : i32 to vector<16xi32>
      %shift_right_logical3A_1499 = arith.shrui %add3A_1496, %shift_right_logical3A_1498 : vector<16xi32>
      %and3A_1500 = arith.constant 127 : i32
      %and3A_1501 = vector.broadcast %and3A_1500 : i32 to vector<16xi32>
      %and3A_1502 = arith.andi %add3A_1496, %and3A_1501 : vector<16xi32>
      %mul3A_1503 = arith.constant 160 : i32
      %mul3A_1504 = arith.muli %add3A_1334, %mul3A_1503 : i32
      %add3A_1505 = arith.addi %mul3A_2, %mul3A_1504 : i32
      %add3A_1506 = arith.constant 48 : i32
      %add3A_1507 = arith.addi %add3A_1505, %add3A_1506 : i32
      %add3A_1508 = vector.broadcast %add3A_1507 : i32 to vector<16xi32>
      %add3A_1509 = arith.addi %add3A_1508, %iota3A : vector<16xi32>
      tpu.vector_store_idx %arg11[%shift_right_logical3A_1499, %and3A_1502], %add3A_1509 masked %ge3A_1481 : memref<201x128xi32, #tpu.memory_space<vmem>>[vector<16xi32>, vector<16xi32>], vector<16xi32>, vector<16xi1>
      %sub3A_1510 = arith.constant 100000 : i32
      %sub3A_1511 = vector.broadcast %sub3A_1510 : i32 to vector<16xi32>
      %sub3A_1512 = arith.subi %get3A_1478, %sub3A_1511 : vector<16xi32>
      tpu.vector_store_idx %arg12[%shift_right_logical3A_1499, %and3A_1502], %sub3A_1512 masked %ge3A_1481 : memref<201x128xi32, #tpu.memory_space<vmem>>[vector<16xi32>, vector<16xi32>], vector<16xi32>, vector<16xi1>
      %reduce_sum3A_1513 = arith.constant true
      %reduce_sum3A_1514 = vector.broadcast %reduce_sum3A_1513 : i1 to vector<16xi1>
      %reduce_sum3A_1515 = tpu.scan <sum>, %convert_element_type3A_1482 masked %reduce_sum3A_1514 : vector<16xi32>, vector<16xi1> -> vector<16xi32>
      %reduce_sum3A_1516 = vector.extract %reduce_sum3A_1515[15] : i32 from vector<16xi32>
      %add3A_1517 = arith.addi %add3A_1472, %reduce_sum3A_1516 : i32
      %mul3A_1518 = arith.constant 160 : i32
      %mul3A_1519 = arith.muli %add3A_1334, %mul3A_1518 : i32
      %add3A_1520 = arith.constant 64 : i32
      %add3A_1521 = arith.addi %mul3A_1519, %add3A_1520 : i32
      %get3A_1522 = arith.index_cast %add3A_1521 : i32 to index
      %get3A_1523 = tpu.vector_load %arg6[%get3A_1522] {strides = array<i32>} : memref<25600xi32, #tpu.memory_space<vmem>>, vector<16xi32>,
      %ge3A_1524 = arith.constant 100000 : i32
      %ge3A_1525 = vector.broadcast %ge3A_1524 : i32 to vector<16xi32>
      %ge3A_1526 = arith.cmpi sge, %get3A_1523, %ge3A_1525 : vector<16xi32>
      %convert_element_type3A_1527 = arith.extui %ge3A_1526 : vector<16xi1> to vector<16xi32>
      %mul3A_1528 = arith.constant 100000 : i32
      %mul3A_1529 = vector.broadcast %mul3A_1528 : i32 to vector<16xi32>
      %mul3A_1530 = arith.muli %convert_element_type3A_1527, %mul3A_1529 : vector<16xi32>
      %sub3A_1531 = arith.subi %get3A_1523, %mul3A_1530 : vector<16xi32>
      %swap3A_1532 = arith.constant 64 : index
      %swap3A_1533 = tpu.vector_load %arg8[%swap3A_1532] {strides = array<i32>} : memref<160xi32, #tpu.memory_space<vmem>>, vector<16xi32>,
      tpu.vector_store %arg8[%swap3A_1532], %sub3A_1531 {strides = array<i32>} : memref<160xi32, #tpu.memory_space<vmem>>, vector<16xi32>,
      %broadcast_in_dim3A_1534 = arith.constant true
      %broadcast_in_dim3A_1535 = vector.broadcast %broadcast_in_dim3A_1534 : i1 to vector<16xi1>
      %masked_cumsum3A_1536 = tpu.scan <sum>, %convert_element_type3A_1527 masked %broadcast_in_dim3A_1535 : vector<16xi32>, vector<16xi1> -> vector<16xi32>
      %sub3A_1537 = arith.constant 1 : i32
      %sub3A_1538 = vector.broadcast %sub3A_1537 : i32 to vector<16xi32>
      %sub3A_1539 = arith.subi %masked_cumsum3A_1536, %sub3A_1538 : vector<16xi32>
      %add3A_1540 = vector.broadcast %add3A_1517 : i32 to vector<16xi32>
      %add3A_1541 = arith.addi %sub3A_1539, %add3A_1540 : vector<16xi32>
      %shift_right_logical3A_1542 = arith.constant 7 : i32
      %shift_right_logical3A_1543 = vector.broadcast %shift_right_logical3A_1542 : i32 to vector<16xi32>
      %shift_right_logical3A_1544 = arith.shrui %add3A_1541, %shift_right_logical3A_1543 : vector<16xi32>
      %and3A_1545 = arith.constant 127 : i32
      %and3A_1546 = vector.broadcast %and3A_1545 : i32 to vector<16xi32>
      %and3A_1547 = arith.andi %add3A_1541, %and3A_1546 : vector<16xi32>
      %mul3A_1548 = arith.constant 160 : i32
      %mul3A_1549 = arith.muli %add3A_1334, %mul3A_1548 : i32
      %add3A_1550 = arith.addi %mul3A_2, %mul3A_1549 : i32
      %add3A_1551 = arith.constant 64 : i32
      %add3A_1552 = arith.addi %add3A_1550, %add3A_1551 : i32
      %add3A_1553 = vector.broadcast %add3A_1552 : i32 to vector<16xi32>
      %add3A_1554 = arith.addi %add3A_1553, %iota3A : vector<16xi32>
      tpu.vector_store_idx %arg11[%shift_right_logical3A_1544, %and3A_1547], %add3A_1554 masked %ge3A_1526 : memref<201x128xi32, #tpu.memory_space<vmem>>[vector<16xi32>, vector<16xi32>], vector<16xi32>, vector<16xi1>
      %sub3A_1555 = arith.constant 100000 : i32
      %sub3A_1556 = vector.broadcast %sub3A_1555 : i32 to vector<16xi32>
      %sub3A_1557 = arith.subi %get3A_1523, %sub3A_1556 : vector<16xi32>
      tpu.vector_store_idx %arg12[%shift_right_logical3A_1544, %and3A_1547], %sub3A_1557 masked %ge3A_1526 : memref<201x128xi32, #tpu.memory_space<vmem>>[vector<16xi32>, vector<16xi32>], vector<16xi32>, vector<16xi1>
      %reduce_sum3A_1558 = arith.constant true
      %reduce_sum3A_1559 = vector.broadcast %reduce_sum3A_1558 : i1 to vector<16xi1>
      %reduce_sum3A_1560 = tpu.scan <sum>, %convert_element_type3A_1527 masked %reduce_sum3A_1559 : vector<16xi32>, vector<16xi1> -> vector<16xi32>
      %reduce_sum3A_1561 = vector.extract %reduce_sum3A_1560[15] : i32 from vector<16xi32>
      %add3A_1562 = arith.addi %add3A_1517, %reduce_sum3A_1561 : i32
      %mul3A_1563 = arith.constant 160 : i32
      %mul3A_1564 = arith.muli %add3A_1334, %mul3A_1563 : i32
      %add3A_1565 = arith.constant 80 : i32
      %add3A_1566 = arith.addi %mul3A_1564, %add3A_1565 : i32
      %get3A_1567 = arith.index_cast %add3A_1566 : i32 to index
      %get3A_1568 = tpu.vector_load %arg6[%get3A_1567] {strides = array<i32>} : memref<25600xi32, #tpu.memory_space<vmem>>, vector<16xi32>,
      %ge3A_1569 = arith.constant 100000 : i32
      %ge3A_1570 = vector.broadcast %ge3A_1569 : i32 to vector<16xi32>
      %ge3A_1571 = arith.cmpi sge, %get3A_1568, %ge3A_1570 : vector<16xi32>
      %convert_element_type3A_1572 = arith.extui %ge3A_1571 : vector<16xi1> to vector<16xi32>
      %mul3A_1573 = arith.constant 100000 : i32
      %mul3A_1574 = vector.broadcast %mul3A_1573 : i32 to vector<16xi32>
      %mul3A_1575 = arith.muli %convert_element_type3A_1572, %mul3A_1574 : vector<16xi32>
      %sub3A_1576 = arith.subi %get3A_1568, %mul3A_1575 : vector<16xi32>
      %swap3A_1577 = arith.constant 80 : index
      %swap3A_1578 = tpu.vector_load %arg8[%swap3A_1577] {strides = array<i32>} : memref<160xi32, #tpu.memory_space<vmem>>, vector<16xi32>,
      tpu.vector_store %arg8[%swap3A_1577], %sub3A_1576 {strides = array<i32>} : memref<160xi32, #tpu.memory_space<vmem>>, vector<16xi32>,
      %broadcast_in_dim3A_1579 = arith.constant true
      %broadcast_in_dim3A_1580 = vector.broadcast %broadcast_in_dim3A_1579 : i1 to vector<16xi1>
      %masked_cumsum3A_1581 = tpu.scan <sum>, %convert_element_type3A_1572 masked %broadcast_in_dim3A_1580 : vector<16xi32>, vector<16xi1> -> vector<16xi32>
      %sub3A_1582 = arith.constant 1 : i32
      %sub3A_1583 = vector.broadcast %sub3A_1582 : i32 to vector<16xi32>
      %sub3A_1584 = arith.subi %masked_cumsum3A_1581, %sub3A_1583 : vector<16xi32>
      %add3A_1585 = vector.broadcast %add3A_1562 : i32 to vector<16xi32>
      %add3A_1586 = arith.addi %sub3A_1584, %add3A_1585 : vector<16xi32>
      %shift_right_logical3A_1587 = arith.constant 7 : i32
      %shift_right_logical3A_1588 = vector.broadcast %shift_right_logical3A_1587 : i32 to vector<16xi32>
      %shift_right_logical3A_1589 = arith.shrui %add3A_1586, %shift_right_logical3A_1588 : vector<16xi32>
      %and3A_1590 = arith.constant 127 : i32
      %and3A_1591 = vector.broadcast %and3A_1590 : i32 to vector<16xi32>
      %and3A_1592 = arith.andi %add3A_1586, %and3A_1591 : vector<16xi32>
      %mul3A_1593 = arith.constant 160 : i32
      %mul3A_1594 = arith.muli %add3A_1334, %mul3A_1593 : i32
      %add3A_1595 = arith.addi %mul3A_2, %mul3A_1594 : i32
      %add3A_1596 = arith.constant 80 : i32
      %add3A_1597 = arith.addi %add3A_1595, %add3A_1596 : i32
      %add3A_1598 = vector.broadcast %add3A_1597 : i32 to vector<16xi32>
      %add3A_1599 = arith.addi %add3A_1598, %iota3A : vector<16xi32>
      tpu.vector_store_idx %arg11[%shift_right_logical3A_1589, %and3A_1592], %add3A_1599 masked %ge3A_1571 : memref<201x128xi32, #tpu.memory_space<vmem>>[vector<16xi32>, vector<16xi32>], vector<16xi32>, vector<16xi1>
      %sub3A_1600 = arith.constant 100000 : i32
      %sub3A_1601 = vector.broadcast %sub3A_1600 : i32 to vector<16xi32>
      %sub3A_1602 = arith.subi %get3A_1568, %sub3A_1601 : vector<16xi32>
      tpu.vector_store_idx %arg12[%shift_right_logical3A_1589, %and3A_1592], %sub3A_1602 masked %ge3A_1571 : memref<201x128xi32, #tpu.memory_space<vmem>>[vector<16xi32>, vector<16xi32>], vector<16xi32>, vector<16xi1>
      %reduce_sum3A_1603 = arith.constant true
      %reduce_sum3A_1604 = vector.broadcast %reduce_sum3A_1603 : i1 to vector<16xi1>
      %reduce_sum3A_1605 = tpu.scan <sum>, %convert_element_type3A_1572 masked %reduce_sum3A_1604 : vector<16xi32>, vector<16xi1> -> vector<16xi32>
      %reduce_sum3A_1606 = vector.extract %reduce_sum3A_1605[15] : i32 from vector<16xi32>
      %add3A_1607 = arith.addi %add3A_1562, %reduce_sum3A_1606 : i32
      %mul3A_1608 = arith.constant 160 : i32
      %mul3A_1609 = arith.muli %add3A_1334, %mul3A_1608 : i32
      %add3A_1610 = arith.constant 96 : i32
      %add3A_1611 = arith.addi %mul3A_1609, %add3A_1610 : i32
      %get3A_1612 = arith.index_cast %add3A_1611 : i32 to index
      %get3A_1613 = tpu.vector_load %arg6[%get3A_1612] {strides = array<i32>} : memref<25600xi32, #tpu.memory_space<vmem>>, vector<16xi32>,
      %ge3A_1614 = arith.constant 100000 : i32
      %ge3A_1615 = vector.broadcast %ge3A_1614 : i32 to vector<16xi32>
      %ge3A_1616 = arith.cmpi sge, %get3A_1613, %ge3A_1615 : vector<16xi32>
      %convert_element_type3A_1617 = arith.extui %ge3A_1616 : vector<16xi1> to vector<16xi32>
      %mul3A_1618 = arith.constant 100000 : i32
      %mul3A_1619 = vector.broadcast %mul3A_1618 : i32 to vector<16xi32>
      %mul3A_1620 = arith.muli %convert_element_type3A_1617, %mul3A_1619 : vector<16xi32>
      %sub3A_1621 = arith.subi %get3A_1613, %mul3A_1620 : vector<16xi32>
      %swap3A_1622 = arith.constant 96 : index
      %swap3A_1623 = tpu.vector_load %arg8[%swap3A_1622] {strides = array<i32>} : memref<160xi32, #tpu.memory_space<vmem>>, vector<16xi32>,
      tpu.vector_store %arg8[%swap3A_1622], %sub3A_1621 {strides = array<i32>} : memref<160xi32, #tpu.memory_space<vmem>>, vector<16xi32>,
      %broadcast_in_dim3A_1624 = arith.constant true
      %broadcast_in_dim3A_1625 = vector.broadcast %broadcast_in_dim3A_1624 : i1 to vector<16xi1>
      %masked_cumsum3A_1626 = tpu.scan <sum>, %convert_element_type3A_1617 masked %broadcast_in_dim3A_1625 : vector<16xi32>, vector<16xi1> -> vector<16xi32>
      %sub3A_1627 = arith.constant 1 : i32
      %sub3A_1628 = vector.broadcast %sub3A_1627 : i32 to vector<16xi32>
      %sub3A_1629 = arith.subi %masked_cumsum3A_1626, %sub3A_1628 : vector<16xi32>
      %add3A_1630 = vector.broadcast %add3A_1607 : i32 to vector<16xi32>
      %add3A_1631 = arith.addi %sub3A_1629, %add3A_1630 : vector<16xi32>
      %shift_right_logical3A_1632 = arith.constant 7 : i32
      %shift_right_logical3A_1633 = vector.broadcast %shift_right_logical3A_1632 : i32 to vector<16xi32>
      %shift_right_logical3A_1634 = arith.shrui %add3A_1631, %shift_right_logical3A_1633 : vector<16xi32>
      %and3A_1635 = arith.constant 127 : i32
      %and3A_1636 = vector.broadcast %and3A_1635 : i32 to vector<16xi32>
      %and3A_1637 = arith.andi %add3A_1631, %and3A_1636 : vector<16xi32>
      %mul3A_1638 = arith.constant 160 : i32
      %mul3A_1639 = arith.muli %add3A_1334, %mul3A_1638 : i32
      %add3A_1640 = arith.addi %mul3A_2, %mul3A_1639 : i32
      %add3A_1641 = arith.constant 96 : i32
      %add3A_1642 = arith.addi %add3A_1640, %add3A_1641 : i32
      %add3A_1643 = vector.broadcast %add3A_1642 : i32 to vector<16xi32>
      %add3A_1644 = arith.addi %add3A_1643, %iota3A : vector<16xi32>
      tpu.vector_store_idx %arg11[%shift_right_logical3A_1634, %and3A_1637], %add3A_1644 masked %ge3A_1616 : memref<201x128xi32, #tpu.memory_space<vmem>>[vector<16xi32>, vector<16xi32>], vector<16xi32>, vector<16xi1>
      %sub3A_1645 = arith.constant 100000 : i32
      %sub3A_1646 = vector.broadcast %sub3A_1645 : i32 to vector<16xi32>
      %sub3A_1647 = arith.subi %get3A_1613, %sub3A_1646 : vector<16xi32>
      tpu.vector_store_idx %arg12[%shift_right_logical3A_1634, %and3A_1637], %sub3A_1647 masked %ge3A_1616 : memref<201x128xi32, #tpu.memory_space<vmem>>[vector<16xi32>, vector<16xi32>], vector<16xi32>, vector<16xi1>
      %reduce_sum3A_1648 = arith.constant true
      %reduce_sum3A_1649 = vector.broadcast %reduce_sum3A_1648 : i1 to vector<16xi1>
      %reduce_sum3A_1650 = tpu.scan <sum>, %convert_element_type3A_1617 masked %reduce_sum3A_1649 : vector<16xi32>, vector<16xi1> -> vector<16xi32>
      %reduce_sum3A_1651 = vector.extract %reduce_sum3A_1650[15] : i32 from vector<16xi32>
      %add3A_1652 = arith.addi %add3A_1607, %reduce_sum3A_1651 : i32
      %mul3A_1653 = arith.constant 160 : i32
      %mul3A_1654 = arith.muli %add3A_1334, %mul3A_1653 : i32
      %add3A_1655 = arith.constant 112 : i32
      %add3A_1656 = arith.addi %mul3A_1654, %add3A_1655 : i32
      %get3A_1657 = arith.index_cast %add3A_1656 : i32 to index
      %get3A_1658 = tpu.vector_load %arg6[%get3A_1657] {strides = array<i32>} : memref<25600xi32, #tpu.memory_space<vmem>>, vector<16xi32>,
      %ge3A_1659 = arith.constant 100000 : i32
      %ge3A_1660 = vector.broadcast %ge3A_1659 : i32 to vector<16xi32>
      %ge3A_1661 = arith.cmpi sge, %get3A_1658, %ge3A_1660 : vector<16xi32>
      %convert_element_type3A_1662 = arith.extui %ge3A_1661 : vector<16xi1> to vector<16xi32>
      %mul3A_1663 = arith.constant 100000 : i32
      %mul3A_1664 = vector.broadcast %mul3A_1663 : i32 to vector<16xi32>
      %mul3A_1665 = arith.muli %convert_element_type3A_1662, %mul3A_1664 : vector<16xi32>
      %sub3A_1666 = arith.subi %get3A_1658, %mul3A_1665 : vector<16xi32>
      %swap3A_1667 = arith.constant 112 : index
      %swap3A_1668 = tpu.vector_load %arg8[%swap3A_1667] {strides = array<i32>} : memref<160xi32, #tpu.memory_space<vmem>>, vector<16xi32>,
      tpu.vector_store %arg8[%swap3A_1667], %sub3A_1666 {strides = array<i32>} : memref<160xi32, #tpu.memory_space<vmem>>, vector<16xi32>,
      %broadcast_in_dim3A_1669 = arith.constant true
      %broadcast_in_dim3A_1670 = vector.broadcast %broadcast_in_dim3A_1669 : i1 to vector<16xi1>
      %masked_cumsum3A_1671 = tpu.scan <sum>, %convert_element_type3A_1662 masked %broadcast_in_dim3A_1670 : vector<16xi32>, vector<16xi1> -> vector<16xi32>
      %sub3A_1672 = arith.constant 1 : i32
      %sub3A_1673 = vector.broadcast %sub3A_1672 : i32 to vector<16xi32>
      %sub3A_1674 = arith.subi %masked_cumsum3A_1671, %sub3A_1673 : vector<16xi32>
      %add3A_1675 = vector.broadcast %add3A_1652 : i32 to vector<16xi32>
      %add3A_1676 = arith.addi %sub3A_1674, %add3A_1675 : vector<16xi32>
      %shift_right_logical3A_1677 = arith.constant 7 : i32
      %shift_right_logical3A_1678 = vector.broadcast %shift_right_logical3A_1677 : i32 to vector<16xi32>
      %shift_right_logical3A_1679 = arith.shrui %add3A_1676, %shift_right_logical3A_1678 : vector<16xi32>
      %and3A_1680 = arith.constant 127 : i32
      %and3A_1681 = vector.broadcast %and3A_1680 : i32 to vector<16xi32>
      %and3A_1682 = arith.andi %add3A_1676, %and3A_1681 : vector<16xi32>
      %mul3A_1683 = arith.constant 160 : i32
      %mul3A_1684 = arith.muli %add3A_1334, %mul3A_1683 : i32
      %add3A_1685 = arith.addi %mul3A_2, %mul3A_1684 : i32
      %add3A_1686 = arith.constant 112 : i32
      %add3A_1687 = arith.addi %add3A_1685, %add3A_1686 : i32
      %add3A_1688 = vector.broadcast %add3A_1687 : i32 to vector<16xi32>
      %add3A_1689 = arith.addi %add3A_1688, %iota3A : vector<16xi32>
      tpu.vector_store_idx %arg11[%shift_right_logical3A_1679, %and3A_1682], %add3A_1689 masked %ge3A_1661 : memref<201x128xi32, #tpu.memory_space<vmem>>[vector<16xi32>, vector<16xi32>], vector<16xi32>, vector<16xi1>
      %sub3A_1690 = arith.constant 100000 : i32
      %sub3A_1691 = vector.broadcast %sub3A_1690 : i32 to vector<16xi32>
      %sub3A_1692 = arith.subi %get3A_1658, %sub3A_1691 : vector<16xi32>
      tpu.vector_store_idx %arg12[%shift_right_logical3A_1679, %and3A_1682], %sub3A_1692 masked %ge3A_1661 : memref<201x128xi32, #tpu.memory_space<vmem>>[vector<16xi32>, vector<16xi32>], vector<16xi32>, vector<16xi1>
      %reduce_sum3A_1693 = arith.constant true
      %reduce_sum3A_1694 = vector.broadcast %reduce_sum3A_1693 : i1 to vector<16xi1>
      %reduce_sum3A_1695 = tpu.scan <sum>, %convert_element_type3A_1662 masked %reduce_sum3A_1694 : vector<16xi32>, vector<16xi1> -> vector<16xi32>
      %reduce_sum3A_1696 = vector.extract %reduce_sum3A_1695[15] : i32 from vector<16xi32>
      %add3A_1697 = arith.addi %add3A_1652, %reduce_sum3A_1696 : i32
      %mul3A_1698 = arith.constant 160 : i32
      %mul3A_1699 = arith.muli %add3A_1334, %mul3A_1698 : i32
      %add3A_1700 = arith.constant 128 : i32
      %add3A_1701 = arith.addi %mul3A_1699, %add3A_1700 : i32
      %get3A_1702 = arith.index_cast %add3A_1701 : i32 to index
      %get3A_1703 = tpu.vector_load %arg6[%get3A_1702] {strides = array<i32>} : memref<25600xi32, #tpu.memory_space<vmem>>, vector<16xi32>,
      %ge3A_1704 = arith.constant 100000 : i32
      %ge3A_1705 = vector.broadcast %ge3A_1704 : i32 to vector<16xi32>
      %ge3A_1706 = arith.cmpi sge, %get3A_1703, %ge3A_1705 : vector<16xi32>
      %convert_element_type3A_1707 = arith.extui %ge3A_1706 : vector<16xi1> to vector<16xi32>
      %mul3A_1708 = arith.constant 100000 : i32
      %mul3A_1709 = vector.broadcast %mul3A_1708 : i32 to vector<16xi32>
      %mul3A_1710 = arith.muli %convert_element_type3A_1707, %mul3A_1709 : vector<16xi32>
      %sub3A_1711 = arith.subi %get3A_1703, %mul3A_1710 : vector<16xi32>
      %swap3A_1712 = arith.constant 128 : index
      %swap3A_1713 = tpu.vector_load %arg8[%swap3A_1712] {strides = array<i32>} : memref<160xi32, #tpu.memory_space<vmem>>, vector<16xi32>,
      tpu.vector_store %arg8[%swap3A_1712], %sub3A_1711 {strides = array<i32>} : memref<160xi32, #tpu.memory_space<vmem>>, vector<16xi32>,
      %broadcast_in_dim3A_1714 = arith.constant true
      %broadcast_in_dim3A_1715 = vector.broadcast %broadcast_in_dim3A_1714 : i1 to vector<16xi1>
      %masked_cumsum3A_1716 = tpu.scan <sum>, %convert_element_type3A_1707 masked %broadcast_in_dim3A_1715 : vector<16xi32>, vector<16xi1> -> vector<16xi32>
      %sub3A_1717 = arith.constant 1 : i32
      %sub3A_1718 = vector.broadcast %sub3A_1717 : i32 to vector<16xi32>
      %sub3A_1719 = arith.subi %masked_cumsum3A_1716, %sub3A_1718 : vector<16xi32>
      %add3A_1720 = vector.broadcast %add3A_1697 : i32 to vector<16xi32>
      %add3A_1721 = arith.addi %sub3A_1719, %add3A_1720 : vector<16xi32>
      %shift_right_logical3A_1722 = arith.constant 7 : i32
      %shift_right_logical3A_1723 = vector.broadcast %shift_right_logical3A_1722 : i32 to vector<16xi32>
      %shift_right_logical3A_1724 = arith.shrui %add3A_1721, %shift_right_logical3A_1723 : vector<16xi32>
      %and3A_1725 = arith.constant 127 : i32
      %and3A_1726 = vector.broadcast %and3A_1725 : i32 to vector<16xi32>
      %and3A_1727 = arith.andi %add3A_1721, %and3A_1726 : vector<16xi32>
      %mul3A_1728 = arith.constant 160 : i32
      %mul3A_1729 = arith.muli %add3A_1334, %mul3A_1728 : i32
      %add3A_1730 = arith.addi %mul3A_2, %mul3A_1729 : i32
      %add3A_1731 = arith.constant 128 : i32
      %add3A_1732 = arith.addi %add3A_1730, %add3A_1731 : i32
      %add3A_1733 = vector.broadcast %add3A_1732 : i32 to vector<16xi32>
      %add3A_1734 = arith.addi %add3A_1733, %iota3A : vector<16xi32>
      tpu.vector_store_idx %arg11[%shift_right_logical3A_1724, %and3A_1727], %add3A_1734 masked %ge3A_1706 : memref<201x128xi32, #tpu.memory_space<vmem>>[vector<16xi32>, vector<16xi32>], vector<16xi32>, vector<16xi1>
      %sub3A_1735 = arith.constant 100000 : i32
      %sub3A_1736 = vector.broadcast %sub3A_1735 : i32 to vector<16xi32>
      %sub3A_1737 = arith.subi %get3A_1703, %sub3A_1736 : vector<16xi32>
      tpu.vector_store_idx %arg12[%shift_right_logical3A_1724, %and3A_1727], %sub3A_1737 masked %ge3A_1706 : memref<201x128xi32, #tpu.memory_space<vmem>>[vector<16xi32>, vector<16xi32>], vector<16xi32>, vector<16xi1>
      %reduce_sum3A_1738 = arith.constant true
      %reduce_sum3A_1739 = vector.broadcast %reduce_sum3A_1738 : i1 to vector<16xi1>
      %reduce_sum3A_1740 = tpu.scan <sum>, %convert_element_type3A_1707 masked %reduce_sum3A_1739 : vector<16xi32>, vector<16xi1> -> vector<16xi32>
      %reduce_sum3A_1741 = vector.extract %reduce_sum3A_1740[15] : i32 from vector<16xi32>
      %add3A_1742 = arith.addi %add3A_1697, %reduce_sum3A_1741 : i32
      %mul3A_1743 = arith.constant 160 : i32
      %mul3A_1744 = arith.muli %add3A_1334, %mul3A_1743 : i32
      %add3A_1745 = arith.constant 144 : i32
      %add3A_1746 = arith.addi %mul3A_1744, %add3A_1745 : i32
      %get3A_1747 = arith.index_cast %add3A_1746 : i32 to index
      %get3A_1748 = tpu.vector_load %arg6[%get3A_1747] {strides = array<i32>} : memref<25600xi32, #tpu.memory_space<vmem>>, vector<16xi32>,
      %ge3A_1749 = arith.constant 100000 : i32
      %ge3A_1750 = vector.broadcast %ge3A_1749 : i32 to vector<16xi32>
      %ge3A_1751 = arith.cmpi sge, %get3A_1748, %ge3A_1750 : vector<16xi32>
      %convert_element_type3A_1752 = arith.extui %ge3A_1751 : vector<16xi1> to vector<16xi32>
      %mul3A_1753 = arith.constant 100000 : i32
      %mul3A_1754 = vector.broadcast %mul3A_1753 : i32 to vector<16xi32>
      %mul3A_1755 = arith.muli %convert_element_type3A_1752, %mul3A_1754 : vector<16xi32>
      %sub3A_1756 = arith.subi %get3A_1748, %mul3A_1755 : vector<16xi32>
      %swap3A_1757 = arith.constant 144 : index
      %swap3A_1758 = tpu.vector_load %arg8[%swap3A_1757] {strides = array<i32>} : memref<160xi32, #tpu.memory_space<vmem>>, vector<16xi32>,
      tpu.vector_store %arg8[%swap3A_1757], %sub3A_1756 {strides = array<i32>} : memref<160xi32, #tpu.memory_space<vmem>>, vector<16xi32>,
      %broadcast_in_dim3A_1759 = arith.constant true
      %broadcast_in_dim3A_1760 = vector.broadcast %broadcast_in_dim3A_1759 : i1 to vector<16xi1>
      %masked_cumsum3A_1761 = tpu.scan <sum>, %convert_element_type3A_1752 masked %broadcast_in_dim3A_1760 : vector<16xi32>, vector<16xi1> -> vector<16xi32>
      %sub3A_1762 = arith.constant 1 : i32
      %sub3A_1763 = vector.broadcast %sub3A_1762 : i32 to vector<16xi32>
      %sub3A_1764 = arith.subi %masked_cumsum3A_1761, %sub3A_1763 : vector<16xi32>
      %add3A_1765 = vector.broadcast %add3A_1742 : i32 to vector<16xi32>
      %add3A_1766 = arith.addi %sub3A_1764, %add3A_1765 : vector<16xi32>
      %shift_right_logical3A_1767 = arith.constant 7 : i32
      %shift_right_logical3A_1768 = vector.broadcast %shift_right_logical3A_1767 : i32 to vector<16xi32>
      %shift_right_logical3A_1769 = arith.shrui %add3A_1766, %shift_right_logical3A_1768 : vector<16xi32>
      %and3A_1770 = arith.constant 127 : i32
      %and3A_1771 = vector.broadcast %and3A_1770 : i32 to vector<16xi32>
      %and3A_1772 = arith.andi %add3A_1766, %and3A_1771 : vector<16xi32>
      %mul3A_1773 = arith.constant 160 : i32
      %mul3A_1774 = arith.muli %add3A_1334, %mul3A_1773 : i32
      %add3A_1775 = arith.addi %mul3A_2, %mul3A_1774 : i32
      %add3A_1776 = arith.constant 144 : i32
      %add3A_1777 = arith.addi %add3A_1775, %add3A_1776 : i32
      %add3A_1778 = vector.broadcast %add3A_1777 : i32 to vector<16xi32>
      %add3A_1779 = arith.addi %add3A_1778, %iota3A : vector<16xi32>
      tpu.vector_store_idx %arg11[%shift_right_logical3A_1769, %and3A_1772], %add3A_1779 masked %ge3A_1751 : memref<201x128xi32, #tpu.memory_space<vmem>>[vector<16xi32>, vector<16xi32>], vector<16xi32>, vector<16xi1>
      %sub3A_1780 = arith.constant 100000 : i32
      %sub3A_1781 = vector.broadcast %sub3A_1780 : i32 to vector<16xi32>
      %sub3A_1782 = arith.subi %get3A_1748, %sub3A_1781 : vector<16xi32>
      tpu.vector_store_idx %arg12[%shift_right_logical3A_1769, %and3A_1772], %sub3A_1782 masked %ge3A_1751 : memref<201x128xi32, #tpu.memory_space<vmem>>[vector<16xi32>, vector<16xi32>], vector<16xi32>, vector<16xi1>
      %reduce_sum3A_1783 = arith.constant true
      %reduce_sum3A_1784 = vector.broadcast %reduce_sum3A_1783 : i1 to vector<16xi1>
      %reduce_sum3A_1785 = tpu.scan <sum>, %convert_element_type3A_1752 masked %reduce_sum3A_1784 : vector<16xi32>, vector<16xi1> -> vector<16xi32>
      %reduce_sum3A_1786 = vector.extract %reduce_sum3A_1785[15] : i32 from vector<16xi32>
      %add3A_1787 = arith.addi %add3A_1742, %reduce_sum3A_1786 : i32
      %swap3A_1788 = arith.constant 0 : i32
      %swap3A_1789 = arith.index_cast %swap3A_1788 : i32 to index
      %swap3A_1790 = memref.load %arg13[%swap3A_1789] : memref<2xi32, #tpu.memory_space<smem>>
      memref.store %add3A_1787, %arg13[%swap3A_1789] : memref<2xi32, #tpu.memory_space<smem>>
      %dma_start3A_1791 = arith.constant 0 : i32
      %dma_start3A_1792 = arith.constant 0 : i32
      %dma_start3A_1793 = tpu.memref_slice %arg2[%dma_start3A_1791, %dma_start3A_1792] : memref<100000x128xf32, #tpu.memory_space<hbm>> -> memref<100000x128xf32, #tpu.memory_space<hbm>>
      tpu.enqueue_indirect_dma source(%dma_start3A_1793 : memref<100000x128xf32, #tpu.memory_space<hbm>>) target(%arg10 : memref<160x128xf32, #tpu.memory_space<vmem>>) offsets(%arg8 : memref<160xi32, #tpu.memory_space<vmem>>) semaphore(%arg15 : memref<!tpu.dma_semaphore, #tpu.memory_space<semaphore_mem>>)
      %dma_wait3A_1794 = arith.constant 0 : i32
      %dma_wait3A_1795 = arith.constant 0 : i32
      %dma_wait3A_1796 = tpu.memref_slice %arg2[%dma_wait3A_1794, %dma_wait3A_1795] : memref<100000x128xf32, #tpu.memory_space<hbm>> -> memref<100000x128xf32, #tpu.memory_space<hbm>>
      tpu.wait_indirect_dma semaphore(%arg14 : memref<!tpu.dma_semaphore, #tpu.memory_space<semaphore_mem>>) src(%dma_wait3A_1796 : memref<100000x128xf32, #tpu.memory_space<hbm>>) dst(%arg9 : memref<160x128xf32, #tpu.memory_space<vmem>>)
      %add3A_1797 = arith.constant 1 : i32
      %add3A_1798 = arith.addi %add3A_853, %add3A_1797 : i32
      %mul3A_1799 = arith.constant 160 : i32
      %mul3A_1800 = arith.muli %add3A_1798, %mul3A_1799 : i32
      %add3A_1801 = arith.addi %mul3A_2, %mul3A_1800 : i32
      %dma_start3A_1802 = arith.constant 0 : i32
      %dma_start3A_1803 = tpu.memref_slice %arg5[%add3A_1801, %dma_start3A_1802] : memref<819200x128xf32, #tpu.memory_space<hbm>> -> memref<160x128xf32, #tpu.memory_space<hbm>>
      %dma_start3A_1804 = arith.constant 0 : i32
      %dma_start3A_1805 = tpu.memref_slice %arg5[%add3A_1801, %dma_start3A_1804] : memref<819200x128xf32, #tpu.memory_space<hbm>> -> memref<160x128xf32, #tpu.memory_space<hbm>>
      tpu.enqueue_dma source(%arg9 : memref<160x128xf32, #tpu.memory_space<vmem>>) target(%dma_start3A_1805 : memref<160x128xf32, #tpu.memory_space<hbm>>) target_semaphore(%arg16 : memref<!tpu.dma_semaphore, #tpu.memory_space<semaphore_mem>>)
    }
    %scan3A_825 = arith.constant 79 : i32
    %dma_wait3A_826 = arith.constant 0 : i32
    %dma_wait3A_827 = arith.constant 0 : i32
    %dma_wait3A_828 = tpu.memref_slice %arg2[%dma_wait3A_826, %dma_wait3A_827] : memref<100000x128xf32, #tpu.memory_space<hbm>> -> memref<100000x128xf32, #tpu.memory_space<hbm>>
    tpu.wait_indirect_dma semaphore(%arg15 : memref<!tpu.dma_semaphore, #tpu.memory_space<semaphore_mem>>) src(%dma_wait3A_828 : memref<100000x128xf32, #tpu.memory_space<hbm>>) dst(%arg10 : memref<160x128xf32, #tpu.memory_space<vmem>>)
    %add3A_829 = arith.constant 25440 : i32
    %add3A_830 = arith.addi %mul3A_2, %add3A_829 : i32
    %dma_start3A_831 = arith.constant 0 : i32
    %dma_start3A_832 = tpu.memref_slice %arg5[%add3A_830, %dma_start3A_831] : memref<819200x128xf32, #tpu.memory_space<hbm>> -> memref<160x128xf32, #tpu.memory_space<hbm>>
    %dma_start3A_833 = arith.constant 0 : i32
    %dma_start3A_834 = tpu.memref_slice %arg5[%add3A_830, %dma_start3A_833] : memref<819200x128xf32, #tpu.memory_space<hbm>> -> memref<160x128xf32, #tpu.memory_space<hbm>>
    tpu.enqueue_dma source(%arg10 : memref<160x128xf32, #tpu.memory_space<vmem>>) target(%dma_start3A_834 : memref<160x128xf32, #tpu.memory_space<hbm>>) target_semaphore(%arg17 : memref<!tpu.dma_semaphore, #tpu.memory_space<semaphore_mem>>)
    %dma_wait3A_835 = arith.constant 0 : i32
    %dma_wait3A_836 = tpu.memref_slice %arg5[%mul3A_2, %dma_wait3A_835] : memref<819200x128xf32, #tpu.memory_space<hbm>> -> memref<160x128xf32, #tpu.memory_space<hbm>>
    %dma_wait3A_837 = arith.constant 0 : i32
    %dma_wait3A_838 = tpu.memref_slice %arg5[%mul3A_2, %dma_wait3A_837] : memref<819200x128xf32, #tpu.memory_space<hbm>> -> memref<160x128xf32, #tpu.memory_space<hbm>>
    tpu.wait_dma2 semaphore(%arg16 : memref<!tpu.dma_semaphore, #tpu.memory_space<semaphore_mem>>) src(%arg9 : memref<160x128xf32, #tpu.memory_space<vmem>>) dst(%dma_wait3A_838 : memref<160x128xf32, #tpu.memory_space<hbm>>)
    %dma_wait3A_839 = arith.constant 0 : i32
    %dma_wait3A_840 = tpu.memref_slice %arg5[%mul3A_2, %dma_wait3A_839] : memref<819200x128xf32, #tpu.memory_space<hbm>> -> memref<160x128xf32, #tpu.memory_space<hbm>>
    %dma_wait3A_841 = arith.constant 0 : i32
    %dma_wait3A_842 = tpu.memref_slice %arg5[%mul3A_2, %dma_wait3A_841] : memref<819200x128xf32, #tpu.memory_space<hbm>> -> memref<160x128xf32, #tpu.memory_space<hbm>>
    tpu.wait_dma2 semaphore(%arg17 : memref<!tpu.dma_semaphore, #tpu.memory_space<semaphore_mem>>) src(%arg10 : memref<160x128xf32, #tpu.memory_space<vmem>>) dst(%dma_wait3A_842 : memref<160x128xf32, #tpu.memory_space<hbm>>)
    %get3A_843 = arith.constant 0 : i32
    %get3A_844 = arith.index_cast %get3A_843 : i32 to index
    %get3A_845 = memref.load %arg13[%get3A_844] : memref<2xi32, #tpu.memory_space<smem>>
    %gt3A = arith.constant 0 : i32
    %gt3A_846 = arith.cmpi sgt, %get3A_845, %gt3A : i32
    %convert_element_type3A_847 = arith.extui %gt3A_846 : i1 to i32
    %cond3A = arith.constant 0 : i32
    %cond3A_848 = arith.cmpi ne, %convert_element_type3A_847, %cond3A : i32
    scf.if %cond3A_848 {
      %broadcast_in_dim3A_849 = arith.constant 0 : i32
      %broadcast_in_dim3A_850 = vector.broadcast %broadcast_in_dim3A_849 : i32 to vector<16xi32>
      %gather3A = tpu.vector_load_idx %arg11[%broadcast_in_dim3A_850, %broadcast_in_dim3A_850] : memref<201x128xi32, #tpu.memory_space<vmem>>[vector<16xi32>, vector<16xi32>], vector<16xi32>,
      %gather3A_851 = tpu.vector_load_idx %arg12[%broadcast_in_dim3A_850, %broadcast_in_dim3A_850] : memref<201x128xi32, #tpu.memory_space<vmem>>[vector<16xi32>, vector<16xi32>], vector<16xi32>,
      %add3A_852 = arith.constant 0 : i32
      %add3A_853 = arith.addi %get3A_845, %add3A_852 : i32
      %add3A_854 = vector.broadcast %add3A_853 : i32 to vector<16xi32>
      %add3A_855 = arith.addi %add3A_854, %iota3A : vector<16xi32>
      %shift_right_logical3A_856 = arith.constant 7 : i32
      %shift_right_logical3A_857 = vector.broadcast %shift_right_logical3A_856 : i32 to vector<16xi32>
      %shift_right_logical3A_858 = arith.shrui %add3A_855, %shift_right_logical3A_857 : vector<16xi32>
      %and3A_859 = arith.constant 127 : i32
      %and3A_860 = vector.broadcast %and3A_859 : i32 to vector<16xi32>
      %and3A_861 = arith.andi %add3A_855, %and3A_860 : vector<16xi32>
      tpu.vector_store_idx %arg11[%shift_right_logical3A_858, %and3A_861], %gather3A : memref<201x128xi32, #tpu.memory_space<vmem>>[vector<16xi32>, vector<16xi32>], vector<16xi32>,
      tpu.vector_store_idx %arg12[%shift_right_logical3A_858, %and3A_861], %gather3A_851 : memref<201x128xi32, #tpu.memory_space<vmem>>[vector<16xi32>, vector<16xi32>], vector<16xi32>,
      %add3A_862 = arith.constant 16 : i32
      %add3A_863 = arith.addi %get3A_845, %add3A_862 : i32
      %add3A_864 = vector.broadcast %add3A_863 : i32 to vector<16xi32>
      %add3A_865 = arith.addi %add3A_864, %iota3A : vector<16xi32>
      %shift_right_logical3A_866 = arith.constant 7 : i32
      %shift_right_logical3A_867 = vector.broadcast %shift_right_logical3A_866 : i32 to vector<16xi32>
      %shift_right_logical3A_868 = arith.shrui %add3A_865, %shift_right_logical3A_867 : vector<16xi32>
      %and3A_869 = arith.constant 127 : i32
      %and3A_870 = vector.broadcast %and3A_869 : i32 to vector<16xi32>
      %and3A_871 = arith.andi %add3A_865, %and3A_870 : vector<16xi32>
      tpu.vector_store_idx %arg11[%shift_right_logical3A_868, %and3A_871], %gather3A : memref<201x128xi32, #tpu.memory_space<vmem>>[vector<16xi32>, vector<16xi32>], vector<16xi32>,
      tpu.vector_store_idx %arg12[%shift_right_logical3A_868, %and3A_871], %gather3A_851 : memref<201x128xi32, #tpu.memory_space<vmem>>[vector<16xi32>, vector<16xi32>], vector<16xi32>,
      %add3A_872 = arith.constant 32 : i32
      %add3A_873 = arith.addi %get3A_845, %add3A_872 : i32
      %add3A_874 = vector.broadcast %add3A_873 : i32 to vector<16xi32>
      %add3A_875 = arith.addi %add3A_874, %iota3A : vector<16xi32>
      %shift_right_logical3A_876 = arith.constant 7 : i32
      %shift_right_logical3A_877 = vector.broadcast %shift_right_logical3A_876 : i32 to vector<16xi32>
      %shift_right_logical3A_878 = arith.shrui %add3A_875, %shift_right_logical3A_877 : vector<16xi32>
      %and3A_879 = arith.constant 127 : i32
      %and3A_880 = vector.broadcast %and3A_879 : i32 to vector<16xi32>
      %and3A_881 = arith.andi %add3A_875, %and3A_880 : vector<16xi32>
      tpu.vector_store_idx %arg11[%shift_right_logical3A_878, %and3A_881], %gather3A : memref<201x128xi32, #tpu.memory_space<vmem>>[vector<16xi32>, vector<16xi32>], vector<16xi32>,
      tpu.vector_store_idx %arg12[%shift_right_logical3A_878, %and3A_881], %gather3A_851 : memref<201x128xi32, #tpu.memory_space<vmem>>[vector<16xi32>, vector<16xi32>], vector<16xi32>,
      %add3A_882 = arith.constant 48 : i32
      %add3A_883 = arith.addi %get3A_845, %add3A_882 : i32
      %add3A_884 = vector.broadcast %add3A_883 : i32 to vector<16xi32>
      %add3A_885 = arith.addi %add3A_884, %iota3A : vector<16xi32>
      %shift_right_logical3A_886 = arith.constant 7 : i32
      %shift_right_logical3A_887 = vector.broadcast %shift_right_logical3A_886 : i32 to vector<16xi32>
      %shift_right_logical3A_888 = arith.shrui %add3A_885, %shift_right_logical3A_887 : vector<16xi32>
      %and3A_889 = arith.constant 127 : i32
      %and3A_890 = vector.broadcast %and3A_889 : i32 to vector<16xi32>
      %and3A_891 = arith.andi %add3A_885, %and3A_890 : vector<16xi32>
      tpu.vector_store_idx %arg11[%shift_right_logical3A_888, %and3A_891], %gather3A : memref<201x128xi32, #tpu.memory_space<vmem>>[vector<16xi32>, vector<16xi32>], vector<16xi32>,
      tpu.vector_store_idx %arg12[%shift_right_logical3A_888, %and3A_891], %gather3A_851 : memref<201x128xi32, #tpu.memory_space<vmem>>[vector<16xi32>, vector<16xi32>], vector<16xi32>,
      %add3A_892 = arith.constant 64 : i32
      %add3A_893 = arith.addi %get3A_845, %add3A_892 : i32
      %add3A_894 = vector.broadcast %add3A_893 : i32 to vector<16xi32>
      %add3A_895 = arith.addi %add3A_894, %iota3A : vector<16xi32>
      %shift_right_logical3A_896 = arith.constant 7 : i32
      %shift_right_logical3A_897 = vector.broadcast %shift_right_logical3A_896 : i32 to vector<16xi32>
      %shift_right_logical3A_898 = arith.shrui %add3A_895, %shift_right_logical3A_897 : vector<16xi32>
      %and3A_899 = arith.constant 127 : i32
      %and3A_900 = vector.broadcast %and3A_899 : i32 to vector<16xi32>
      %and3A_901 = arith.andi %add3A_895, %and3A_900 : vector<16xi32>
      tpu.vector_store_idx %arg11[%shift_right_logical3A_898, %and3A_901], %gather3A : memref<201x128xi32, #tpu.memory_space<vmem>>[vector<16xi32>, vector<16xi32>], vector<16xi32>,
      tpu.vector_store_idx %arg12[%shift_right_logical3A_898, %and3A_901], %gather3A_851 : memref<201x128xi32, #tpu.memory_space<vmem>>[vector<16xi32>, vector<16xi32>], vector<16xi32>,
      %add3A_902 = arith.constant 80 : i32
      %add3A_903 = arith.addi %get3A_845, %add3A_902 : i32
      %add3A_904 = vector.broadcast %add3A_903 : i32 to vector<16xi32>
      %add3A_905 = arith.addi %add3A_904, %iota3A : vector<16xi32>
      %shift_right_logical3A_906 = arith.constant 7 : i32
      %shift_right_logical3A_907 = vector.broadcast %shift_right_logical3A_906 : i32 to vector<16xi32>
      %shift_right_logical3A_908 = arith.shrui %add3A_905, %shift_right_logical3A_907 : vector<16xi32>
      %and3A_909 = arith.constant 127 : i32
      %and3A_910 = vector.broadcast %and3A_909 : i32 to vector<16xi32>
      %and3A_911 = arith.andi %add3A_905, %and3A_910 : vector<16xi32>
      tpu.vector_store_idx %arg11[%shift_right_logical3A_908, %and3A_911], %gather3A : memref<201x128xi32, #tpu.memory_space<vmem>>[vector<16xi32>, vector<16xi32>], vector<16xi32>,
      tpu.vector_store_idx %arg12[%shift_right_logical3A_908, %and3A_911], %gather3A_851 : memref<201x128xi32, #tpu.memory_space<vmem>>[vector<16xi32>, vector<16xi32>], vector<16xi32>,
      %add3A_912 = arith.constant 96 : i32
      %add3A_913 = arith.addi %get3A_845, %add3A_912 : i32
      %add3A_914 = vector.broadcast %add3A_913 : i32 to vector<16xi32>
      %add3A_915 = arith.addi %add3A_914, %iota3A : vector<16xi32>
      %shift_right_logical3A_916 = arith.constant 7 : i32
      %shift_right_logical3A_917 = vector.broadcast %shift_right_logical3A_916 : i32 to vector<16xi32>
      %shift_right_logical3A_918 = arith.shrui %add3A_915, %shift_right_logical3A_917 : vector<16xi32>
      %and3A_919 = arith.constant 127 : i32
      %and3A_920 = vector.broadcast %and3A_919 : i32 to vector<16xi32>
      %and3A_921 = arith.andi %add3A_915, %and3A_920 : vector<16xi32>
      tpu.vector_store_idx %arg11[%shift_right_logical3A_918, %and3A_921], %gather3A : memref<201x128xi32, #tpu.memory_space<vmem>>[vector<16xi32>, vector<16xi32>], vector<16xi32>,
      tpu.vector_store_idx %arg12[%shift_right_logical3A_918, %and3A_921], %gather3A_851 : memref<201x128xi32, #tpu.memory_space<vmem>>[vector<16xi32>, vector<16xi32>], vector<16xi32>,
      %add3A_922 = arith.constant 112 : i32
      %add3A_923 = arith.addi %get3A_845, %add3A_922 : i32
      %add3A_924 = vector.broadcast %add3A_923 : i32 to vector<16xi32>
      %add3A_925 = arith.addi %add3A_924, %iota3A : vector<16xi32>
      %shift_right_logical3A_926 = arith.constant 7 : i32
      %shift_right_logical3A_927 = vector.broadcast %shift_right_logical3A_926 : i32 to vector<16xi32>
      %shift_right_logical3A_928 = arith.shrui %add3A_925, %shift_right_logical3A_927 : vector<16xi32>
      %and3A_929 = arith.constant 127 : i32
      %and3A_930 = vector.broadcast %and3A_929 : i32 to vector<16xi32>
      %and3A_931 = arith.andi %add3A_925, %and3A_930 : vector<16xi32>
      tpu.vector_store_idx %arg11[%shift_right_logical3A_928, %and3A_931], %gather3A : memref<201x128xi32, #tpu.memory_space<vmem>>[vector<16xi32>, vector<16xi32>], vector<16xi32>,
      tpu.vector_store_idx %arg12[%shift_right_logical3A_928, %and3A_931], %gather3A_851 : memref<201x128xi32, #tpu.memory_space<vmem>>[vector<16xi32>, vector<16xi32>], vector<16xi32>,
      %add3A_932 = arith.constant 127 : i32
      %add3A_933 = arith.addi %get3A_845, %add3A_932 : i32
      %shift_right_logical3A_934 = arith.constant 7 : i32
      %shift_right_logical3A_935 = arith.shrui %add3A_933, %shift_right_logical3A_934 : i32
      %dma_start3A_936 = arith.constant 0 : i32
      %dma_start3A_937 = arith.constant 0 : i32
      %dma_start3A_938 = arith.constant 0 : i32
      %dma_start3A_939 = tpu.memref_slice %arg9[%dma_start3A_937, %dma_start3A_938] : memref<160x128xf32, #tpu.memory_space<vmem>> -> memref<128x128xf32, #tpu.memory_space<vmem>>
      %dma_start3A_940 = arith.constant 0 : i32
      %dma_start3A_941 = tpu.memref_slice %arg12[%dma_start3A_936, %dma_start3A_940] : memref<201x128xi32, #tpu.memory_space<vmem>> -> memref<1x128xi32, #tpu.memory_space<vmem>>
      %dma_start3A_942 = tpu.memref_squeeze %dma_start3A_941 : memref<1x128xi32, #tpu.memory_space<vmem>> -> memref<128xi32, #tpu.memory_space<vmem>>
      %dma_start3A_943 = arith.constant 0 : i32
      %dma_start3A_944 = arith.constant 0 : i32
      %dma_start3A_945 = tpu.memref_slice %arg3[%dma_start3A_943, %dma_start3A_944] : memref<4096x128xf32, #tpu.memory_space<hbm>> -> memref<4096x128xf32, #tpu.memory_space<hbm>>
      tpu.enqueue_indirect_dma source(%dma_start3A_945 : memref<4096x128xf32, #tpu.memory_space<hbm>>) target(%dma_start3A_939 : memref<128x128xf32, #tpu.memory_space<vmem>>) offsets(%dma_start3A_942 : memref<128xi32, #tpu.memory_space<vmem>>) semaphore(%arg14 : memref<!tpu.dma_semaphore, #tpu.memory_space<semaphore_mem>>)
      %add3A_946 = arith.constant 1 : i32
      %add3A_947 = arith.addi %shift_right_logical3A_935, %add3A_946 : i32
      %shift_right_logical3A_948 = arith.constant 1 : i32
      %shift_right_logical3A_949 = arith.shrui %add3A_947, %shift_right_logical3A_948 : i32
      %while3A = arith.constant 0 : i32
      %while3A_950 = arith.constant 0 : i32
      %while3A_951 = arith.subi %shift_right_logical3A_949, %while3A_950 : i32
      %while3A_952 = arith.addi %while3A_950, %while3A_951 : i32
      %while3A_953 = arith.constant 1 : i32
      %while3A_954 = arith.divsi %while3A_951, %while3A_953 : i32
      %while3A_955 = arith.muli %while3A_954, %while3A_953 : i32
      %while3A_956 = arith.addi %while3A_950, %while3A_955 : i32
      %while3A_957 = arith.constant 1 : i32
      scf.for %while3A_972 = %while3A_950 to %while3A_956 step %while3A_957  : i32 {
        %mul3A_973 = arith.constant 2 : i32
        %mul3A_974 = arith.muli %mul3A_973, %while3A_972 : i32
        %add3A_975 = arith.constant 1 : i32
        %add3A_976 = arith.addi %mul3A_974, %add3A_975 : i32
        %dma_wait3A_977 = arith.constant 0 : i32
        %dma_wait3A_978 = arith.constant 0 : i32
        %dma_wait3A_979 = tpu.memref_slice %arg9[%dma_wait3A_977, %dma_wait3A_978] : memref<160x128xf32, #tpu.memory_space<vmem>> -> memref<128x128xf32, #tpu.memory_space<vmem>>
        %dma_wait3A_980 = arith.constant 0 : i32
        %dma_wait3A_981 = arith.constant 0 : i32
        %dma_wait3A_982 = tpu.memref_slice %arg3[%dma_wait3A_980, %dma_wait3A_981] : memref<4096x128xf32, #tpu.memory_space<hbm>> -> memref<128x128xf32, #tpu.memory_space<hbm>>
        %dma_wait3A_983 = arith.constant 0 : i32
        %dma_wait3A_984 = arith.constant 0 : i32
        %dma_wait3A_985 = tpu.memref_slice %arg9[%dma_wait3A_983, %dma_wait3A_984] : memref<160x128xf32, #tpu.memory_space<vmem>> -> memref<128x128xf32, #tpu.memory_space<vmem>>
        %dma_wait3A_986 = arith.constant 0 : i32
        %dma_wait3A_987 = arith.constant 0 : i32
        %dma_wait3A_988 = tpu.memref_slice %arg3[%dma_wait3A_986, %dma_wait3A_987] : memref<4096x128xf32, #tpu.memory_space<hbm>> -> memref<128x128xf32, #tpu.memory_space<hbm>>
        tpu.wait_dma2 semaphore(%arg14 : memref<!tpu.dma_semaphore, #tpu.memory_space<semaphore_mem>>) src(%dma_wait3A_988 : memref<128x128xf32, #tpu.memory_space<hbm>>) dst(%dma_wait3A_985 : memref<128x128xf32, #tpu.memory_space<vmem>>)
        %dma_start3A_989 = arith.constant 0 : i32
        %dma_start3A_990 = arith.constant 0 : i32
        %dma_start3A_991 = tpu.memref_slice %arg9[%dma_start3A_989, %dma_start3A_990] : memref<160x128xf32, #tpu.memory_space<vmem>> -> memref<128x128xf32, #tpu.memory_space<vmem>>
        %dma_start3A_992 = arith.constant 0 : i32
        %dma_start3A_993 = tpu.memref_slice %arg11[%mul3A_974, %dma_start3A_992] : memref<201x128xi32, #tpu.memory_space<vmem>> -> memref<1x128xi32, #tpu.memory_space<vmem>>
        %dma_start3A_994 = tpu.memref_squeeze %dma_start3A_993 : memref<1x128xi32, #tpu.memory_space<vmem>> -> memref<128xi32, #tpu.memory_space<vmem>>
        %dma_start3A_995 = arith.constant 0 : i32
        %dma_start3A_996 = arith.constant 0 : i32
        %dma_start3A_997 = tpu.memref_slice %arg5[%dma_start3A_995, %dma_start3A_996] : memref<819200x128xf32, #tpu.memory_space<hbm>> -> memref<819200x128xf32, #tpu.memory_space<hbm>>
        tpu.enqueue_indirect_dma source(%dma_start3A_991 : memref<128x128xf32, #tpu.memory_space<vmem>>) target(%dma_start3A_997 : memref<819200x128xf32, #tpu.memory_space<hbm>>) offsets(%dma_start3A_994 : memref<128xi32, #tpu.memory_space<vmem>>) semaphore(%arg16 : memref<!tpu.dma_semaphore, #tpu.memory_space<semaphore_mem>>)
        %gt3A_998 = arith.constant 0 : i32
        %gt3A_999 = arith.cmpi sgt, %while3A_972, %gt3A_998 : i32
        %convert_element_type3A_1000 = arith.extui %gt3A_999 : i1 to i32
        %cond3A_1001 = arith.constant 0 : i32
        %cond3A_1002 = arith.cmpi ne, %convert_element_type3A_1000, %cond3A_1001 : i32
        scf.if %cond3A_1002 {
          %dma_wait3A_1006 = arith.constant 0 : i32
          %dma_wait3A_1007 = arith.constant 0 : i32
          %dma_wait3A_1008 = tpu.memref_slice %arg10[%dma_wait3A_1006, %dma_wait3A_1007] : memref<160x128xf32, #tpu.memory_space<vmem>> -> memref<128x128xf32, #tpu.memory_space<vmem>>
          %dma_wait3A_1009 = arith.constant 0 : i32
          %dma_wait3A_1010 = tpu.memref_slice %arg5[%mul3A_2, %dma_wait3A_1009] : memref<819200x128xf32, #tpu.memory_space<hbm>> -> memref<128x128xf32, #tpu.memory_space<hbm>>
          %dma_wait3A_1011 = arith.constant 0 : i32
          %dma_wait3A_1012 = tpu.memref_slice %arg5[%mul3A_2, %dma_wait3A_1011] : memref<819200x128xf32, #tpu.memory_space<hbm>> -> memref<128x128xf32, #tpu.memory_space<hbm>>
          %dma_wait3A_1013 = arith.constant 0 : i32
          %dma_wait3A_1014 = arith.constant 0 : i32
          %dma_wait3A_1015 = tpu.memref_slice %arg10[%dma_wait3A_1013, %dma_wait3A_1014] : memref<160x128xf32, #tpu.memory_space<vmem>> -> memref<128x128xf32, #tpu.memory_space<vmem>>
          tpu.wait_dma2 semaphore(%arg17 : memref<!tpu.dma_semaphore, #tpu.memory_space<semaphore_mem>>) src(%dma_wait3A_1015 : memref<128x128xf32, #tpu.memory_space<vmem>>) dst(%dma_wait3A_1012 : memref<128x128xf32, #tpu.memory_space<hbm>>)
        } else {
        }
        %lt3A = arith.cmpi slt, %add3A_976, %shift_right_logical3A_935 : i32
        %convert_element_type3A_1003 = arith.extui %lt3A : i1 to i32
        %cond3A_1004 = arith.constant 0 : i32
        %cond3A_1005 = arith.cmpi ne, %convert_element_type3A_1003, %cond3A_1004 : i32
        scf.if %cond3A_1005 {
          %dma_start3A_1006 = arith.constant 0 : i32
          %dma_start3A_1007 = arith.constant 0 : i32
          %dma_start3A_1008 = tpu.memref_slice %arg10[%dma_start3A_1006, %dma_start3A_1007] : memref<160x128xf32, #tpu.memory_space<vmem>> -> memref<128x128xf32, #tpu.memory_space<vmem>>
          %dma_start3A_1009 = arith.constant 0 : i32
          %dma_start3A_1010 = tpu.memref_slice %arg12[%add3A_976, %dma_start3A_1009] : memref<201x128xi32, #tpu.memory_space<vmem>> -> memref<1x128xi32, #tpu.memory_space<vmem>>
          %dma_start3A_1011 = tpu.memref_squeeze %dma_start3A_1010 : memref<1x128xi32, #tpu.memory_space<vmem>> -> memref<128xi32, #tpu.memory_space<vmem>>
          %dma_start3A_1012 = arith.constant 0 : i32
          %dma_start3A_1013 = arith.constant 0 : i32
          %dma_start3A_1014 = tpu.memref_slice %arg3[%dma_start3A_1012, %dma_start3A_1013] : memref<4096x128xf32, #tpu.memory_space<hbm>> -> memref<4096x128xf32, #tpu.memory_space<hbm>>
          tpu.enqueue_indirect_dma source(%dma_start3A_1014 : memref<4096x128xf32, #tpu.memory_space<hbm>>) target(%dma_start3A_1008 : memref<128x128xf32, #tpu.memory_space<vmem>>) offsets(%dma_start3A_1011 : memref<128xi32, #tpu.memory_space<vmem>>) semaphore(%arg15 : memref<!tpu.dma_semaphore, #tpu.memory_space<semaphore_mem>>)
          %dma_wait3A_1015 = arith.constant 0 : i32
          %dma_wait3A_1016 = arith.constant 0 : i32
          %dma_wait3A_1017 = tpu.memref_slice %arg10[%dma_wait3A_1015, %dma_wait3A_1016] : memref<160x128xf32, #tpu.memory_space<vmem>> -> memref<128x128xf32, #tpu.memory_space<vmem>>
          %dma_wait3A_1018 = arith.constant 0 : i32
          %dma_wait3A_1019 = arith.constant 0 : i32
          %dma_wait3A_1020 = tpu.memref_slice %arg3[%dma_wait3A_1018, %dma_wait3A_1019] : memref<4096x128xf32, #tpu.memory_space<hbm>> -> memref<128x128xf32, #tpu.memory_space<hbm>>
          %dma_wait3A_1021 = arith.constant 0 : i32
          %dma_wait3A_1022 = arith.constant 0 : i32
          %dma_wait3A_1023 = tpu.memref_slice %arg10[%dma_wait3A_1021, %dma_wait3A_1022] : memref<160x128xf32, #tpu.memory_space<vmem>> -> memref<128x128xf32, #tpu.memory_space<vmem>>
          %dma_wait3A_1024 = arith.constant 0 : i32
          %dma_wait3A_1025 = arith.constant 0 : i32
          %dma_wait3A_1026 = tpu.memref_slice %arg3[%dma_wait3A_1024, %dma_wait3A_1025] : memref<4096x128xf32, #tpu.memory_space<hbm>> -> memref<128x128xf32, #tpu.memory_space<hbm>>
          tpu.wait_dma2 semaphore(%arg15 : memref<!tpu.dma_semaphore, #tpu.memory_space<semaphore_mem>>) src(%dma_wait3A_1026 : memref<128x128xf32, #tpu.memory_space<hbm>>) dst(%dma_wait3A_1023 : memref<128x128xf32, #tpu.memory_space<vmem>>)
          %dma_wait3A_1027 = arith.constant 0 : i32
          %dma_wait3A_1028 = arith.constant 0 : i32
          %dma_wait3A_1029 = tpu.memref_slice %arg9[%dma_wait3A_1027, %dma_wait3A_1028] : memref<160x128xf32, #tpu.memory_space<vmem>> -> memref<128x128xf32, #tpu.memory_space<vmem>>
          %dma_wait3A_1030 = arith.constant 0 : i32
          %dma_wait3A_1031 = tpu.memref_slice %arg5[%mul3A_2, %dma_wait3A_1030] : memref<819200x128xf32, #tpu.memory_space<hbm>> -> memref<128x128xf32, #tpu.memory_space<hbm>>
          %dma_wait3A_1032 = arith.constant 0 : i32
          %dma_wait3A_1033 = tpu.memref_slice %arg5[%mul3A_2, %dma_wait3A_1032] : memref<819200x128xf32, #tpu.memory_space<hbm>> -> memref<128x128xf32, #tpu.memory_space<hbm>>
          %dma_wait3A_1034 = arith.constant 0 : i32
          %dma_wait3A_1035 = arith.constant 0 : i32
          %dma_wait3A_1036 = tpu.memref_slice %arg9[%dma_wait3A_1034, %dma_wait3A_1035] : memref<160x128xf32, #tpu.memory_space<vmem>> -> memref<128x128xf32, #tpu.memory_space<vmem>>
          tpu.wait_dma2 semaphore(%arg16 : memref<!tpu.dma_semaphore, #tpu.memory_space<semaphore_mem>>) src(%dma_wait3A_1036 : memref<128x128xf32, #tpu.memory_space<vmem>>) dst(%dma_wait3A_1033 : memref<128x128xf32, #tpu.memory_space<hbm>>)
          %add3A_1037 = arith.constant 1 : i32
          %add3A_1038 = arith.addi %add3A_976, %add3A_1037 : i32
          %lt3A_1039 = arith.cmpi slt, %add3A_1038, %shift_right_logical3A_935 : i32
          %convert_element_type3A_1040 = arith.extui %lt3A_1039 : i1 to i32
          %cond3A_1041 = arith.constant 0 : i32
          %cond3A_1042 = arith.cmpi ne, %convert_element_type3A_1040, %cond3A_1041 : i32
          scf.if %cond3A_1042 {
            %add3A_1052 = arith.constant 1 : i32
            %add3A_1053 = arith.addi %add3A_976, %add3A_1052 : i32
            %dma_start3A_1054 = arith.constant 0 : i32
            %dma_start3A_1055 = arith.constant 0 : i32
            %dma_start3A_1056 = tpu.memref_slice %arg9[%dma_start3A_1054, %dma_start3A_1055] : memref<160x128xf32, #tpu.memory_space<vmem>> -> memref<128x128xf32, #tpu.memory_space<vmem>>
            %dma_start3A_1057 = arith.constant 0 : i32
            %dma_start3A_1058 = tpu.memref_slice %arg12[%add3A_1053, %dma_start3A_1057] : memref<201x128xi32, #tpu.memory_space<vmem>> -> memref<1x128xi32, #tpu.memory_space<vmem>>
            %dma_start3A_1059 = tpu.memref_squeeze %dma_start3A_1058 : memref<1x128xi32, #tpu.memory_space<vmem>> -> memref<128xi32, #tpu.memory_space<vmem>>
            %dma_start3A_1060 = arith.constant 0 : i32
            %dma_start3A_1061 = arith.constant 0 : i32
            %dma_start3A_1062 = tpu.memref_slice %arg3[%dma_start3A_1060, %dma_start3A_1061] : memref<4096x128xf32, #tpu.memory_space<hbm>> -> memref<4096x128xf32, #tpu.memory_space<hbm>>
            tpu.enqueue_indirect_dma source(%dma_start3A_1062 : memref<4096x128xf32, #tpu.memory_space<hbm>>) target(%dma_start3A_1056 : memref<128x128xf32, #tpu.memory_space<vmem>>) offsets(%dma_start3A_1059 : memref<128xi32, #tpu.memory_space<vmem>>) semaphore(%arg14 : memref<!tpu.dma_semaphore, #tpu.memory_space<semaphore_mem>>)
          } else {
          }
          %dma_start3A_1043 = arith.constant 0 : i32
          %dma_start3A_1044 = arith.constant 0 : i32
          %dma_start3A_1045 = tpu.memref_slice %arg10[%dma_start3A_1043, %dma_start3A_1044] : memref<160x128xf32, #tpu.memory_space<vmem>> -> memref<128x128xf32, #tpu.memory_space<vmem>>
          %dma_start3A_1046 = arith.constant 0 : i32
          %dma_start3A_1047 = tpu.memref_slice %arg11[%add3A_976, %dma_start3A_1046] : memref<201x128xi32, #tpu.memory_space<vmem>> -> memref<1x128xi32, #tpu.memory_space<vmem>>
          %dma_start3A_1048 = tpu.memref_squeeze %dma_start3A_1047 : memref<1x128xi32, #tpu.memory_space<vmem>> -> memref<128xi32, #tpu.memory_space<vmem>>
          %dma_start3A_1049 = arith.constant 0 : i32
          %dma_start3A_1050 = arith.constant 0 : i32
          %dma_start3A_1051 = tpu.memref_slice %arg5[%dma_start3A_1049, %dma_start3A_1050] : memref<819200x128xf32, #tpu.memory_space<hbm>> -> memref<819200x128xf32, #tpu.memory_space<hbm>>
          tpu.enqueue_indirect_dma source(%dma_start3A_1045 : memref<128x128xf32, #tpu.memory_space<vmem>>) target(%dma_start3A_1051 : memref<819200x128xf32, #tpu.memory_space<hbm>>) offsets(%dma_start3A_1048 : memref<128xi32, #tpu.memory_space<vmem>>) semaphore(%arg17 : memref<!tpu.dma_semaphore, #tpu.memory_space<semaphore_mem>>)
        } else {
        }
      }
      %while3A_958 = arith.constant 1 : i32
      scf.for %while3A_972 = %while3A_956 to %while3A_952 step %while3A_958  : i32 {
        %mul3A_973 = arith.constant 2 : i32
        %mul3A_974 = arith.muli %mul3A_973, %while3A_972 : i32
        %add3A_975 = arith.constant 1 : i32
        %add3A_976 = arith.addi %mul3A_974, %add3A_975 : i32
        %dma_wait3A_977 = arith.constant 0 : i32
        %dma_wait3A_978 = arith.constant 0 : i32
        %dma_wait3A_979 = tpu.memref_slice %arg9[%dma_wait3A_977, %dma_wait3A_978] : memref<160x128xf32, #tpu.memory_space<vmem>> -> memref<128x128xf32, #tpu.memory_space<vmem>>
        %dma_wait3A_980 = arith.constant 0 : i32
        %dma_wait3A_981 = arith.constant 0 : i32
        %dma_wait3A_982 = tpu.memref_slice %arg3[%dma_wait3A_980, %dma_wait3A_981] : memref<4096x128xf32, #tpu.memory_space<hbm>> -> memref<128x128xf32, #tpu.memory_space<hbm>>
        %dma_wait3A_983 = arith.constant 0 : i32
        %dma_wait3A_984 = arith.constant 0 : i32
        %dma_wait3A_985 = tpu.memref_slice %arg9[%dma_wait3A_983, %dma_wait3A_984] : memref<160x128xf32, #tpu.memory_space<vmem>> -> memref<128x128xf32, #tpu.memory_space<vmem>>
        %dma_wait3A_986 = arith.constant 0 : i32
        %dma_wait3A_987 = arith.constant 0 : i32
        %dma_wait3A_988 = tpu.memref_slice %arg3[%dma_wait3A_986, %dma_wait3A_987] : memref<4096x128xf32, #tpu.memory_space<hbm>> -> memref<128x128xf32, #tpu.memory_space<hbm>>
        tpu.wait_dma2 semaphore(%arg14 : memref<!tpu.dma_semaphore, #tpu.memory_space<semaphore_mem>>) src(%dma_wait3A_988 : memref<128x128xf32, #tpu.memory_space<hbm>>) dst(%dma_wait3A_985 : memref<128x128xf32, #tpu.memory_space<vmem>>)
        %dma_start3A_989 = arith.constant 0 : i32
        %dma_start3A_990 = arith.constant 0 : i32
        %dma_start3A_991 = tpu.memref_slice %arg9[%dma_start3A_989, %dma_start3A_990] : memref<160x128xf32, #tpu.memory_space<vmem>> -> memref<128x128xf32, #tpu.memory_space<vmem>>
        %dma_start3A_992 = arith.constant 0 : i32
        %dma_start3A_993 = tpu.memref_slice %arg11[%mul3A_974, %dma_start3A_992] : memref<201x128xi32, #tpu.memory_space<vmem>> -> memref<1x128xi32, #tpu.memory_space<vmem>>
        %dma_start3A_994 = tpu.memref_squeeze %dma_start3A_993 : memref<1x128xi32, #tpu.memory_space<vmem>> -> memref<128xi32, #tpu.memory_space<vmem>>
        %dma_start3A_995 = arith.constant 0 : i32
        %dma_start3A_996 = arith.constant 0 : i32
        %dma_start3A_997 = tpu.memref_slice %arg5[%dma_start3A_995, %dma_start3A_996] : memref<819200x128xf32, #tpu.memory_space<hbm>> -> memref<819200x128xf32, #tpu.memory_space<hbm>>
        tpu.enqueue_indirect_dma source(%dma_start3A_991 : memref<128x128xf32, #tpu.memory_space<vmem>>) target(%dma_start3A_997 : memref<819200x128xf32, #tpu.memory_space<hbm>>) offsets(%dma_start3A_994 : memref<128xi32, #tpu.memory_space<vmem>>) semaphore(%arg16 : memref<!tpu.dma_semaphore, #tpu.memory_space<semaphore_mem>>)
        %gt3A_998 = arith.constant 0 : i32
        %gt3A_999 = arith.cmpi sgt, %while3A_972, %gt3A_998 : i32
        %convert_element_type3A_1000 = arith.extui %gt3A_999 : i1 to i32
        %cond3A_1001 = arith.constant 0 : i32
        %cond3A_1002 = arith.cmpi ne, %convert_element_type3A_1000, %cond3A_1001 : i32
        scf.if %cond3A_1002 {
          %dma_wait3A_1006 = arith.constant 0 : i32
          %dma_wait3A_1007 = arith.constant 0 : i32
          %dma_wait3A_1008 = tpu.memref_slice %arg10[%dma_wait3A_1006, %dma_wait3A_1007] : memref<160x128xf32, #tpu.memory_space<vmem>> -> memref<128x128xf32, #tpu.memory_space<vmem>>
          %dma_wait3A_1009 = arith.constant 0 : i32
          %dma_wait3A_1010 = tpu.memref_slice %arg5[%mul3A_2, %dma_wait3A_1009] : memref<819200x128xf32, #tpu.memory_space<hbm>> -> memref<128x128xf32, #tpu.memory_space<hbm>>
          %dma_wait3A_1011 = arith.constant 0 : i32
          %dma_wait3A_1012 = tpu.memref_slice %arg5[%mul3A_2, %dma_wait3A_1011] : memref<819200x128xf32, #tpu.memory_space<hbm>> -> memref<128x128xf32, #tpu.memory_space<hbm>>
          %dma_wait3A_1013 = arith.constant 0 : i32
          %dma_wait3A_1014 = arith.constant 0 : i32
          %dma_wait3A_1015 = tpu.memref_slice %arg10[%dma_wait3A_1013, %dma_wait3A_1014] : memref<160x128xf32, #tpu.memory_space<vmem>> -> memref<128x128xf32, #tpu.memory_space<vmem>>
          tpu.wait_dma2 semaphore(%arg17 : memref<!tpu.dma_semaphore, #tpu.memory_space<semaphore_mem>>) src(%dma_wait3A_1015 : memref<128x128xf32, #tpu.memory_space<vmem>>) dst(%dma_wait3A_1012 : memref<128x128xf32, #tpu.memory_space<hbm>>)
        } else {
        }
        %lt3A = arith.cmpi slt, %add3A_976, %shift_right_logical3A_935 : i32
        %convert_element_type3A_1003 = arith.extui %lt3A : i1 to i32
        %cond3A_1004 = arith.constant 0 : i32
        %cond3A_1005 = arith.cmpi ne, %convert_element_type3A_1003, %cond3A_1004 : i32
        scf.if %cond3A_1005 {
          %dma_start3A_1006 = arith.constant 0 : i32
          %dma_start3A_1007 = arith.constant 0 : i32
          %dma_start3A_1008 = tpu.memref_slice %arg10[%dma_start3A_1006, %dma_start3A_1007] : memref<160x128xf32, #tpu.memory_space<vmem>> -> memref<128x128xf32, #tpu.memory_space<vmem>>
          %dma_start3A_1009 = arith.constant 0 : i32
          %dma_start3A_1010 = tpu.memref_slice %arg12[%add3A_976, %dma_start3A_1009] : memref<201x128xi32, #tpu.memory_space<vmem>> -> memref<1x128xi32, #tpu.memory_space<vmem>>
          %dma_start3A_1011 = tpu.memref_squeeze %dma_start3A_1010 : memref<1x128xi32, #tpu.memory_space<vmem>> -> memref<128xi32, #tpu.memory_space<vmem>>
          %dma_start3A_1012 = arith.constant 0 : i32
          %dma_start3A_1013 = arith.constant 0 : i32
          %dma_start3A_1014 = tpu.memref_slice %arg3[%dma_start3A_1012, %dma_start3A_1013] : memref<4096x128xf32, #tpu.memory_space<hbm>> -> memref<4096x128xf32, #tpu.memory_space<hbm>>
          tpu.enqueue_indirect_dma source(%dma_start3A_1014 : memref<4096x128xf32, #tpu.memory_space<hbm>>) target(%dma_start3A_1008 : memref<128x128xf32, #tpu.memory_space<vmem>>) offsets(%dma_start3A_1011 : memref<128xi32, #tpu.memory_space<vmem>>) semaphore(%arg15 : memref<!tpu.dma_semaphore, #tpu.memory_space<semaphore_mem>>)
          %dma_wait3A_1015 = arith.constant 0 : i32
          %dma_wait3A_1016 = arith.constant 0 : i32
          %dma_wait3A_1017 = tpu.memref_slice %arg10[%dma_wait3A_1015, %dma_wait3A_1016] : memref<160x128xf32, #tpu.memory_space<vmem>> -> memref<128x128xf32, #tpu.memory_space<vmem>>
          %dma_wait3A_1018 = arith.constant 0 : i32
          %dma_wait3A_1019 = arith.constant 0 : i32
          %dma_wait3A_1020 = tpu.memref_slice %arg3[%dma_wait3A_1018, %dma_wait3A_1019] : memref<4096x128xf32, #tpu.memory_space<hbm>> -> memref<128x128xf32, #tpu.memory_space<hbm>>
          %dma_wait3A_1021 = arith.constant 0 : i32
          %dma_wait3A_1022 = arith.constant 0 : i32
          %dma_wait3A_1023 = tpu.memref_slice %arg10[%dma_wait3A_1021, %dma_wait3A_1022] : memref<160x128xf32, #tpu.memory_space<vmem>> -> memref<128x128xf32, #tpu.memory_space<vmem>>
          %dma_wait3A_1024 = arith.constant 0 : i32
          %dma_wait3A_1025 = arith.constant 0 : i32
          %dma_wait3A_1026 = tpu.memref_slice %arg3[%dma_wait3A_1024, %dma_wait3A_1025] : memref<4096x128xf32, #tpu.memory_space<hbm>> -> memref<128x128xf32, #tpu.memory_space<hbm>>
          tpu.wait_dma2 semaphore(%arg15 : memref<!tpu.dma_semaphore, #tpu.memory_space<semaphore_mem>>) src(%dma_wait3A_1026 : memref<128x128xf32, #tpu.memory_space<hbm>>) dst(%dma_wait3A_1023 : memref<128x128xf32, #tpu.memory_space<vmem>>)
          %dma_wait3A_1027 = arith.constant 0 : i32
          %dma_wait3A_1028 = arith.constant 0 : i32
          %dma_wait3A_1029 = tpu.memref_slice %arg9[%dma_wait3A_1027, %dma_wait3A_1028] : memref<160x128xf32, #tpu.memory_space<vmem>> -> memref<128x128xf32, #tpu.memory_space<vmem>>
          %dma_wait3A_1030 = arith.constant 0 : i32
          %dma_wait3A_1031 = tpu.memref_slice %arg5[%mul3A_2, %dma_wait3A_1030] : memref<819200x128xf32, #tpu.memory_space<hbm>> -> memref<128x128xf32, #tpu.memory_space<hbm>>
          %dma_wait3A_1032 = arith.constant 0 : i32
          %dma_wait3A_1033 = tpu.memref_slice %arg5[%mul3A_2, %dma_wait3A_1032] : memref<819200x128xf32, #tpu.memory_space<hbm>> -> memref<128x128xf32, #tpu.memory_space<hbm>>
          %dma_wait3A_1034 = arith.constant 0 : i32
          %dma_wait3A_1035 = arith.constant 0 : i32
          %dma_wait3A_1036 = tpu.memref_slice %arg9[%dma_wait3A_1034, %dma_wait3A_1035] : memref<160x128xf32, #tpu.memory_space<vmem>> -> memref<128x128xf32, #tpu.memory_space<vmem>>
          tpu.wait_dma2 semaphore(%arg16 : memref<!tpu.dma_semaphore, #tpu.memory_space<semaphore_mem>>) src(%dma_wait3A_1036 : memref<128x128xf32, #tpu.memory_space<vmem>>) dst(%dma_wait3A_1033 : memref<128x128xf32, #tpu.memory_space<hbm>>)
          %add3A_1037 = arith.constant 1 : i32
          %add3A_1038 = arith.addi %add3A_976, %add3A_1037 : i32
          %lt3A_1039 = arith.cmpi slt, %add3A_1038, %shift_right_logical3A_935 : i32
          %convert_element_type3A_1040 = arith.extui %lt3A_1039 : i1 to i32
          %cond3A_1041 = arith.constant 0 : i32
          %cond3A_1042 = arith.cmpi ne, %convert_element_type3A_1040, %cond3A_1041 : i32
          scf.if %cond3A_1042 {
            %add3A_1052 = arith.constant 1 : i32
            %add3A_1053 = arith.addi %add3A_976, %add3A_1052 : i32
            %dma_start3A_1054 = arith.constant 0 : i32
            %dma_start3A_1055 = arith.constant 0 : i32
            %dma_start3A_1056 = tpu.memref_slice %arg9[%dma_start3A_1054, %dma_start3A_1055] : memref<160x128xf32, #tpu.memory_space<vmem>> -> memref<128x128xf32, #tpu.memory_space<vmem>>
            %dma_start3A_1057 = arith.constant 0 : i32
            %dma_start3A_1058 = tpu.memref_slice %arg12[%add3A_1053, %dma_start3A_1057] : memref<201x128xi32, #tpu.memory_space<vmem>> -> memref<1x128xi32, #tpu.memory_space<vmem>>
            %dma_start3A_1059 = tpu.memref_squeeze %dma_start3A_1058 : memref<1x128xi32, #tpu.memory_space<vmem>> -> memref<128xi32, #tpu.memory_space<vmem>>
            %dma_start3A_1060 = arith.constant 0 : i32
            %dma_start3A_1061 = arith.constant 0 : i32
            %dma_start3A_1062 = tpu.memref_slice %arg3[%dma_start3A_1060, %dma_start3A_1061] : memref<4096x128xf32, #tpu.memory_space<hbm>> -> memref<4096x128xf32, #tpu.memory_space<hbm>>
            tpu.enqueue_indirect_dma source(%dma_start3A_1062 : memref<4096x128xf32, #tpu.memory_space<hbm>>) target(%dma_start3A_1056 : memref<128x128xf32, #tpu.memory_space<vmem>>) offsets(%dma_start3A_1059 : memref<128xi32, #tpu.memory_space<vmem>>) semaphore(%arg14 : memref<!tpu.dma_semaphore, #tpu.memory_space<semaphore_mem>>)
          } else {
          }
          %dma_start3A_1043 = arith.constant 0 : i32
          %dma_start3A_1044 = arith.constant 0 : i32
          %dma_start3A_1045 = tpu.memref_slice %arg10[%dma_start3A_1043, %dma_start3A_1044] : memref<160x128xf32, #tpu.memory_space<vmem>> -> memref<128x128xf32, #tpu.memory_space<vmem>>
          %dma_start3A_1046 = arith.constant 0 : i32
          %dma_start3A_1047 = tpu.memref_slice %arg11[%add3A_976, %dma_start3A_1046] : memref<201x128xi32, #tpu.memory_space<vmem>> -> memref<1x128xi32, #tpu.memory_space<vmem>>
          %dma_start3A_1048 = tpu.memref_squeeze %dma_start3A_1047 : memref<1x128xi32, #tpu.memory_space<vmem>> -> memref<128xi32, #tpu.memory_space<vmem>>
          %dma_start3A_1049 = arith.constant 0 : i32
          %dma_start3A_1050 = arith.constant 0 : i32
          %dma_start3A_1051 = tpu.memref_slice %arg5[%dma_start3A_1049, %dma_start3A_1050] : memref<819200x128xf32, #tpu.memory_space<hbm>> -> memref<819200x128xf32, #tpu.memory_space<hbm>>
          tpu.enqueue_indirect_dma source(%dma_start3A_1045 : memref<128x128xf32, #tpu.memory_space<vmem>>) target(%dma_start3A_1051 : memref<819200x128xf32, #tpu.memory_space<hbm>>) offsets(%dma_start3A_1048 : memref<128xi32, #tpu.memory_space<vmem>>) semaphore(%arg17 : memref<!tpu.dma_semaphore, #tpu.memory_space<semaphore_mem>>)
        } else {
        }
      }
      %and3A_959 = arith.constant 1 : i32
      %and3A_960 = arith.andi %shift_right_logical3A_935, %and3A_959 : i32
      %eq3A = arith.constant 1 : i32
      %eq3A_961 = arith.cmpi eq, %and3A_960, %eq3A : i32
      %convert_element_type3A_962 = arith.extui %eq3A_961 : i1 to i32
      %cond3A_963 = arith.constant 0 : i32
      %cond3A_964 = arith.cmpi ne, %convert_element_type3A_962, %cond3A_963 : i32
      scf.if %cond3A_964 {
        %dma_wait3A_972 = arith.constant 0 : i32
        %dma_wait3A_973 = arith.constant 0 : i32
        %dma_wait3A_974 = tpu.memref_slice %arg9[%dma_wait3A_972, %dma_wait3A_973] : memref<160x128xf32, #tpu.memory_space<vmem>> -> memref<128x128xf32, #tpu.memory_space<vmem>>
        %dma_wait3A_975 = arith.constant 0 : i32
        %dma_wait3A_976 = tpu.memref_slice %arg5[%mul3A_2, %dma_wait3A_975] : memref<819200x128xf32, #tpu.memory_space<hbm>> -> memref<128x128xf32, #tpu.memory_space<hbm>>
        %dma_wait3A_977 = arith.constant 0 : i32
        %dma_wait3A_978 = tpu.memref_slice %arg5[%mul3A_2, %dma_wait3A_977] : memref<819200x128xf32, #tpu.memory_space<hbm>> -> memref<128x128xf32, #tpu.memory_space<hbm>>
        %dma_wait3A_979 = arith.constant 0 : i32
        %dma_wait3A_980 = arith.constant 0 : i32
        %dma_wait3A_981 = tpu.memref_slice %arg9[%dma_wait3A_979, %dma_wait3A_980] : memref<160x128xf32, #tpu.memory_space<vmem>> -> memref<128x128xf32, #tpu.memory_space<vmem>>
        tpu.wait_dma2 semaphore(%arg16 : memref<!tpu.dma_semaphore, #tpu.memory_space<semaphore_mem>>) src(%dma_wait3A_981 : memref<128x128xf32, #tpu.memory_space<vmem>>) dst(%dma_wait3A_978 : memref<128x128xf32, #tpu.memory_space<hbm>>)
      } else {
      }
      %and3A_965 = arith.constant 1 : i32
      %and3A_966 = arith.andi %shift_right_logical3A_935, %and3A_965 : i32
      %eq3A_967 = arith.constant 0 : i32
      %eq3A_968 = arith.cmpi eq, %and3A_966, %eq3A_967 : i32
      %convert_element_type3A_969 = arith.extui %eq3A_968 : i1 to i32
      %cond3A_970 = arith.constant 0 : i32
      %cond3A_971 = arith.cmpi ne, %convert_element_type3A_969, %cond3A_970 : i32
      scf.if %cond3A_971 {
        %dma_wait3A_972 = arith.constant 0 : i32
        %dma_wait3A_973 = arith.constant 0 : i32
        %dma_wait3A_974 = tpu.memref_slice %arg10[%dma_wait3A_972, %dma_wait3A_973] : memref<160x128xf32, #tpu.memory_space<vmem>> -> memref<128x128xf32, #tpu.memory_space<vmem>>
        %dma_wait3A_975 = arith.constant 0 : i32
        %dma_wait3A_976 = tpu.memref_slice %arg5[%mul3A_2, %dma_wait3A_975] : memref<819200x128xf32, #tpu.memory_space<hbm>> -> memref<128x128xf32, #tpu.memory_space<hbm>>
        %dma_wait3A_977 = arith.constant 0 : i32
        %dma_wait3A_978 = tpu.memref_slice %arg5[%mul3A_2, %dma_wait3A_977] : memref<819200x128xf32, #tpu.memory_space<hbm>> -> memref<128x128xf32, #tpu.memory_space<hbm>>
        %dma_wait3A_979 = arith.constant 0 : i32
        %dma_wait3A_980 = arith.constant 0 : i32
        %dma_wait3A_981 = tpu.memref_slice %arg10[%dma_wait3A_979, %dma_wait3A_980] : memref<160x128xf32, #tpu.memory_space<vmem>> -> memref<128x128xf32, #tpu.memory_space<vmem>>
        tpu.wait_dma2 semaphore(%arg17 : memref<!tpu.dma_semaphore, #tpu.memory_space<semaphore_mem>>) src(%dma_wait3A_981 : memref<128x128xf32, #tpu.memory_space<vmem>>) dst(%dma_wait3A_978 : memref<128x128xf32, #tpu.memory_space<hbm>>)
      } else {
      }
    } else {
    }
    return
  }
}

</mosaic_0001>

<sc_bundles>
// kernel: kernel.3.cloned.1.call-start
scs
__scs_entry_jumppad:
0x0: {  	(pc) =	sbr.rel $0x88, $3  }
0x1: {  	(tag) =	ssettag $0x0;
	lr =	simm.s32 $0x1  }
0x2: {  	[smem:$0x3F9E] =	sst lr;
	_ =	strace $0xD0000000  }
0x3: {  	_ = 	snop  }
0x4: {  	_ = 	snop  }
0x5: {  	_ = 	snop  }
0x6: {  	_ = 	snop  }
0x7: {  	_ = 	snop  }
__scs_overlays_trampoline_lowered:
0x8: {  	[smem:$0x3FAD] =	sst s0  }
0x9: {  	[smem:$0x3FAE] =	sst s1  }
0xa: {  	[smem:$0x3FAF] =	sst s2  }
0xb: {  	[smem:$0x3FB0] =	sst s3  }
0xc: {  	[smem:$0x3FB1] =	sst s4  }
0xd: {  	[smem:$0x3FB2] =	sst s5  }
0xe: {  	[smem:$0x3FB3] =	sst s6  }
0xf: {  	[smem:$0x3FB4] =	sst s7  }
0x10: {  	[smem:$0x3FB5] =	sst s8  }
0x11: {  	[smem:$0x3FB6] =	sst s9;
	s0 =	simm.s32 @!p0 $0x0  }
0x12: {  	s1 =	sld [smem:$0x3F9C];
	s0 =	simm.s32 @p0 $0x1  }
0x13: {  	[smem:$0x3FB7] =	sst s0;
	s0 =	simm.s32 @!p1 $0x0  }
0x14: {  	s2 =	sld [smem:$0x3F9B];
	s0 =	simm.s32 @p1 $0x1  }
0x15: {  	[smem:$0x3FB8] =	sst s0;
	s0 =	simm.s32 @!p2 $0x0  }
0x16: {  	s3 =	sld [smem:$0x3FDB];
	s0 =	simm.s32 @p2 $0x1  }
0x17: {  	s4 =	simm.s32 $0x1BF5;
	[smem:$0x3FBA] =	sst s0  }
0x18: {  	s0 =	sld [smem:$0x3F9D];
	_ =	swait.ge [sflag:s4], $0x0  }
0x19: {  	s7 =	sld [smem:$0x3F9E]  }
0x1a: {  	s8 =	sadd.s32 $0xFFFFE003, lr  }
0x1b: {  	s9 =	sadd.s32 $0xFFFFFEF7, lr;
	s5 =	simm.s32 $0xFFFFFFFF;
	p2 =	slt.u32 s8, $0xFFFFF086  }
0x1c: {  	p1 =	slt.u32 s9, $0xF7A;
	s5 =	simm.s32 @!p2 $0x0  }
0x1d: {  	s5 =	simm.s32 @p1 $0x1;
	p0 =	seq.s32 s7, s2  }
0x1e: {  	s7 =	smul.u32 @!p0 $0xF7A, s2;
	p2 =	seq.s32 @!p0 s5, $0x0  }
0x1f: {  	s9 =	smul.u32 $0xF7A, s1;
	s8 =	simm.s32 @!p0 $0x1BF5;
	p2 =	por !p2, p0  }
0x20: {  	[sflag:s8] =	ssyncset.s32 @!p0 $0xFFFFF086;
	s6 =	sadd.s32 @!p0 s3, s7;
	s7 =	simm.s32 @!p0 $0x108  }
0x21: {  	s3 =	sadd.s32 s3, s9;
	s6 =	sadd.s32 @!p0 $0x88, s6;
	s7 =	simm.s32 @p2 $0x1082  }
0x22: {  	[simem:s7], [sflag:s8] =	dma.local @!p0 [hbm:s6], $0xF7A  }
0x23: {  	s9 =	sor.u32 $0xD0000000, s2;
	s6 =	simm.s32 $0x108;
	_ =	swait.ge @!p0 [sflag:s8], $0x0  }
0x24: {  	s3 =	sadd.s32 $0x88, s3;
	s6 =	simm.s32 @!p1 $0x1082;
	[sflag:s4] =	ssyncset.s32 $0xFFFFF086  }
0x25: {  	[simem:s6], [sflag:s4] =	dma.local [hbm:s3], $0xF7A  }
0x26: {  	[smem:$0x3F9E] =	sst s1;
	(tag) =	ssettag s2;
	_ =	strace s9  }
0x27: {  	s1 =	sld [smem:$0x3FAE]  }
0x28: {  	s2 =	sld [smem:$0x3FAF]  }
0x29: {  	s4 =	sld [smem:$0x3FB1]  }
0x2a: {  	p0 =	seq.s32 s5, $0x0;
	s5 =	sld [smem:$0x3FB2]  }
0x2b: {  	s6 =	sld [smem:$0x3FB3]  }
0x2c: {  	s7 =	sld [smem:$0x3FB4]  }
0x2d: {  	s3 =	simm.s32 $0x108;
	s8 =	sld [smem:$0x3FB5]  }
0x2e: {  	s3 =	simm.s32 @!p0 $0x1082;
	s9 =	sld [smem:$0x3FB6]  }
0x2f: {  	lr =	sadd.s32 s0, s3;
	s0 =	sld [smem:$0x3FAD]  }
0x30: {  	s3 =	sld [smem:$0x3FB0]  }
0x31: {  	[smem:$0x3FB9] =	sst s10  }
0x32: {  	s10 =	sld [smem:$0x3FB7];
	_ =	sdelay $0x3  }
0x33: {  	p0 =	seq.s32 s10, $0x1;
	s10 =	sld [smem:$0x3FB9];
	_ =	sdelay $0x3  }
0x34: {  	[smem:$0x3FB9] =	sst s10  }
0x35: {  	s10 =	sld [smem:$0x3FB8];
	_ =	sdelay $0x3  }
0x36: {  	p1 =	seq.s32 s10, $0x1;
	s10 =	sld [smem:$0x3FB9];
	_ =	sdelay $0x3  }
0x37: {  	[smem:$0x3FB9] =	sst s10  }
0x38: {  	s10 =	sld [smem:$0x3FBA]  }
0x39: {  	_ = 	snop;
	(pc) =	sbr.ind lr, $3  }
0x3a: {  	_ = 	snop  }
0x3b: {  	_ = 	snop  }
0x3c: {  	p2 =	seq.s32 s10, $0x1;
	s10 =	sld [smem:$0x3FB9]  }
0x3d: {  	_ =	shalt  }
0x3e: {  	_ =	shalt  }
0x3f: {  	_ =	shalt  }
0x40: {  	_ =	shalt  }
0x41: {  	_ =	shalt  }
0x42: {  	_ =	shalt  }
0x43: {  	_ =	shalt  }
0x44: {  	_ =	shalt  }
0x45: {  	_ =	shalt  }
0x46: {  	_ =	shalt  }
0x47: {  	_ =	shalt  }
0x48: {  	_ =	shalt  }
0x49: {  	_ =	shalt  }
0x4a: {  	_ =	shalt  }
0x4b: {  	_ =	shalt  }
0x4c: {  	_ =	shalt  }
0x4d: {  	_ =	shalt  }
0x4e: {  	_ =	shalt  }
0x4f: {  	_ =	shalt  }
0x50: {  	_ =	shalt  }
0x51: {  	_ =	shalt  }
0x52: {  	_ =	shalt  }
0x53: {  	_ =	shalt  }
0x54: {  	_ =	shalt  }
0x55: {  	_ =	shalt  }
0x56: {  	_ =	shalt  }
0x57: {  	_ =	shalt  }
0x58: {  	_ =	shalt  }
0x59: {  	_ =	shalt  }
0x5a: {  	_ =	shalt  }
0x5b: {  	_ =	shalt  }
0x5c: {  	_ =	shalt  }
0x5d: {  	_ =	shalt  }
0x5e: {  	_ =	shalt  }
0x5f: {  	_ =	shalt  }
0x60: {  	_ =	shalt  }
0x61: {  	_ =	shalt  }
0x62: {  	_ =	shalt  }
0x63: {  	_ =	shalt  }
0x64: {  	_ =	shalt  }
0x65: {  	_ =	shalt  }
0x66: {  	_ =	shalt  }
0x67: {  	_ =	shalt  }
0x68: {  	_ =	shalt  }
0x69: {  	_ =	shalt  }
0x6a: {  	_ =	shalt  }
0x6b: {  	_ =	shalt  }
0x6c: {  	_ =	shalt  }
0x6d: {  	_ =	shalt  }
0x6e: {  	_ =	shalt  }
0x6f: {  	_ =	shalt  }
0x70: {  	_ =	shalt  }
0x71: {  	_ =	shalt  }
0x72: {  	_ =	shalt  }
0x73: {  	_ =	shalt  }
0x74: {  	_ =	shalt  }
0x75: {  	_ =	shalt  }
0x76: {  	_ =	shalt  }
0x77: {  	_ =	shalt  }
0x78: {  	_ =	shalt  }
0x79: {  	_ =	shalt  }
0x7a: {  	_ =	shalt  }
0x7b: {  	_ =	shalt  }
0x7c: {  	_ =	shalt  }
0x7d: {  	_ =	shalt  }
0x7e: {  	_ =	shalt  }
0x7f: {  	_ =	shalt  }
0x80: {  	_ =	shalt  }
0x81: {  	_ =	shalt  }
0x82: {  	_ =	shalt  }
0x83: {  	_ =	shalt  }
0x84: {  	_ =	shalt  }
0x85: {  	_ =	shalt  }
0x86: {  	_ =	shalt  }
0x87: {  	_ =	shalt  }
.Lfunc_end0:
.L_simem_size_0:
called_computation_lowered:
.L_overlay_start_0:
0x88: {  	s2 =	sld [smem:$0x3FD9]  }
0x89: {  	s3 =	sld [smem:$0x3FFE];
	_ =	sdelay $0x1  }
0x8a: {  	s1 =	srdreg.scid  }
0x8b: {  	s0 =	sand.u32 $0x1, s1  }
0x8c: {  	s17 =	sshll.u32 s0, $0xA;
	s2 =	sadd.s32 s3, s2  }
0x8d: {  	s2 =	sadd.s32 s2, s17  }
0x8e: {  	[smem:$0x3FC5] =	sst s2  }
0x8f: {  	_ = 	snop  }
0x90: {  	s2 =	sld [smem:$0x3FC8]  }
0x91: {  	s18 =	sld [smem:$0x3FC7]  }
0x92: {  	s4 =	sld [smem:$0x3FD0];
	(tm) =	ssettm $0x1  }
0x93: {  	s5 =	sld [smem:$0x3FFB];
	_ =	sdelay $0x3  }
0x94: {  	_ =	strace s5  }
0x95: {  	s5 =	sld [smem:$0x3FFC];
	_ =	sdelay $0x3  }
0x96: {  	_ =	strace s5  }
0x97: {  	s5 =	sld [smem:$0x3FFD];
	_ =	sdelay $0x3  }
0x98: {  	_ =	strace s5  }
0x99: {  	_ =	strace $0x8FFFFFFF  }
0x9a: {  	s19 =	sld [smem:$0x3FDB];
	_ =	sdelay $0x1  }
0x9b: {  	s6 =	simm.s32 $_scs_section_size  }
0x9c: {  	s7 =	simm.s32 $_size__tile_overlayer_lowered;
	s8 =	simm.s32 $_tile_overlayer_lowered  }
0x9d: {  	s22 =	simm.s32 $0x1BFF;
	s21 =	sshll.u32 s8, $0x1;
	s5 =	sadd.s32 s6, s19  }
0x9e: {  	s9 =	simm.s32 $0x0;
	s20 =	sshll.u32 s7, $0x1;
	s7 =	sadd.s32 s21, s5  }
0x9f: {  	[timem:s9], [sflag:s22] =	dma.local [hbm:s7], s20  }
0xa0: {  	_ =	swait.ge [sflag:s22], s20  }
0xa1: {  	s6 =	ssub.s32 $0x0, s20;
	[sflag:s22] =	ssyncset.done $0x0  }
0xa2: {  	[sflag:s22] =	ssyncadd.s32 s6;
	_ =	sdelay $0x1  }
0xa3: {  	s23 =	simm.s32 $0x1B8B  }
0xa4: {  	_ =	swait.ge [sflag:s23], $0x1  }
0xa5: {  	[sflag:s23] =	ssyncset.done $0x0  }
0xa6: {  	s25 =	simm.s32 $0x1B8E;
	s24 =	sld [smem:$0x3FFE];
	[sflag:s23] =	ssyncadd.s32 $0xFFFFFFFF  }
0xa7: {  	s26 =	simm.s32 $execute0_lowered;
	[smem:$0x3FD2] =	sst s25  }
0xa8: {  	s7 =	sshll.u32 s26, $0x1;
	_ =	strace $0x80000046;
	[dreg:$0x1] =	wrdreg $0xFFFFFFFF  }
0xa9: {  	s28 =	simm.s32 $_size_execute0_lowered;
	s5 =	sadd.s32 s5, s7;
	[dreg:$0x0] =	wrdreg $0x0  }
0xaa: {  	s7 =	sshll.u32 s28, $0x1;
	[dreg:$0x2] =	wrdreg s5  }
0xab: {  	[dreg:$0x3] =	wrdreg s7  }
0xac: {  	[dreg:$0x4] =	wrdreg $0xC0  }
0xad: {  	_ =	task [dreg:s9], $0x5FFFF  }
0xae: {  	[dreg:$0x1] =	wrdreg $0xFFFFFFFF  }
0xaf: {  	[dreg:$0x0] =	wrdreg $0x60  }
0xb0: {  	[dreg:$0x2] =	wrdreg s2  }
0xb1: {  	[dreg:$0x3] =	wrdreg s18  }
0xb2: {  	[dreg:$0x4] =	wrdreg s24  }
0xb3: {  	[dreg:$0x5] =	wrdreg s4  }
0xb4: {  	[dreg:$0x6] =	wrdreg $0x9  }
0xb5: {  	_ =	task.clear_ibuf [dreg:s9], $0x7FFFF;
	_ =	strace $0x90000046  }
0xb6: {  	s29 =	simm.s32 $0x9;
	_ =	strace $0x80000048  }
0xb7: {  	_ =	swait.ge [sflag:s29], $0x1  }
0xb8: {  	[sflag:s29] =	ssyncadd.s32 $0xFFFFFFFF  }
0xb9: {  	_ =	strace $0x90000048  }
0xba: {  	_ =	sfence  }
0xbb: {  	s30 =	sld [smem:$0x0];
	_ =	sdelay $0x2  }
0xbc: {  	s31 =	sshll.u32 s1, $0xD;
	s1 =	sshrl.u32 s1, $0x2  }
0xbd: {  	s3 =	sand.u32 $0x4000, s31;
	s1 =	sadd.s32 s1, s30  }
0xbe: {  	s0 =	sor.u32 s3, s0;
	s1 =	sshll.u32 s1, $0x11  }
0xbf: {  	s0 =	sor.u32 s1, s0  }
0xc0: {  	s0 =	sadd.s32 $0x8F2B, s0  }
0xc1: {  	[sflag:s0] =	ssyncadd.remote.s32 $0x1  }
0xc2: {  	_ =	sfence.sel $0xFFFF  }
0xc3: {  	[dreg:$0x0] =	wrdreg $0xFFFFFFFF;
	(pc) =	sbr.abs _section_cstart, $3  }
0xc4: {  	[dreg:$0x1] =	wrdreg $0xFFFFFFFF  }
0xc5: {  	_ =	task.clear_ibuf [dreg:s9], $0x2FFFF;
	_ =	strace $0x9FFFFFFF  }
0xc6: {  	(tm) =	ssettm $0x7FFFFFFF  }
0xc7: {  	_ =	shalt  }
tec
execute0_lowered:
.L_overlay_start_1:
0x0: {  	(tag) =	ssettag $0x1  }
0x1: {  	s4 =	rddreg [dreg:$0x0];
	s0 =	srdreg.scid  }
0x2: {  	s18 =	stileid.u32;
	s3 =	rddreg [dreg:$0x2]  }
0x3: {  	s2 =	rddreg [dreg:$0x3];
	s12 =	smul.u32 $0xC8000, s18  }
0x4: {  	s0 =	sand.u32 $0x1, s0;
	s1 =	sshll.u32 s18, $0x1;
	s18 =	smul.u32 $0xC800, s18  }
0x5: {  	s26 =	simm.s32 $0x0;
	s29 =	simm.s32 $0x10600;
	s15 =	smul.u32 $0x64000, s0  }
0x6: {  	s1 =	sor.u32 s0, s1;
	s7 =	ssub.s32 $0x2, s0;
	s0 =	smul.u32 $0x6400, s0  }
0x7: {  	s28 =	simm.s32 $0xA0;
	[smem:$0x7FF] =	sst s26;
	s5 =	smul.u32 $0x6400, s1  }
0x8: {  	s31 =	simm.s32 $0x0;
	_ =	strace $0x80000047;
	s30 =	smul.u32 $0x320000, s1  }
0x9: {  	s25 =	sshrl.u32 s7, $0x1;
	s12 =	sadd.s32 s12, s2;
	s1 =	smul.u32 $0x64000, s1  }
0xa: {  	s12 =	sadd.s32 s15, s12;
	s0 =	sadd.s32 s0, s18;
	s6 =	sshrl.u32 s5, $0x3  }
0xb: {  	s8 =	sor.u32 $0x30, s5;
	s9 =	sor.u32 $0x40, s5;
	s10 =	sor.u32 $0x50, s5  }
0xc: {  	s11 =	sor.u32 $0x60, s5;
	s13 =	sor.u32 $0x70, s5;
	s14 =	sor.u32 $0x80, s5  }
0xd: {  	s16 =	sor.u32 $0x90, s5;
	s17 =	sor.u32 $0xA0, s5;
	s19 =	sor.u32 $0xB0, s5  }
0xe: {  	s20 =	sor.u32 $0xC0, s5;
	s18 =	sor.u32 $0xD0, s5;
	s15 =	sshrl.u32 s30, $0x3  }
0xf: {  	s21 =	sor.u32 $0xE0, s5;
	s22 =	sor.u32 $0xF0, s5;
	s23 =	sor.u32 $0x100, s5  }
0x10: {  	s24 =	sor.u32 $0x110, s5;
	s1 =	sadd.s32 s2, s1;
	s30 =	sadd.s32 $0xA00, s12  }
0x11: {  	v0 =	vlaneseq.u32;
	[dreg:$0x5] =	wrdreg s0;
	s3 =	sadd.s32 s6, s3;
	s6 =	ssub.s32 s7, s25  }
0x12: {  	v21 =	vimm.s32 $0x0;
	v3 =	vor.u32 s5, v0;
	s7 =	sor.u32 $0x20, s5;
	s25 =	sor.u32 $0x120, s5;
	[dreg:$0x7] =	wrdreg s1;
	v4 =	vor.u32 s8, v0  }
0x13: {  	v5 =	vor.u32 s9, v0;
	v6 =	vor.u32 s10, v0;
	[dreg:$0xa] =	wrdreg s30;
	v8 =	vor.u32 s13, v0;
	s13 =	simm.s32 $0x16E00;
	s10 =	simm.s32 $0xB600  }
.Ltmp0:
0x14: {  	v7 =	vor.u32 s11, v0;
	v12 =	vor.u32 s19, v0;
	v16 =	vor.u32 s22, v0;
	s19 =	simm.s32 $0x1;
	s22 =	simm.s32 $0x4;
	(pc) =	sbr.rel .LBB2_1-.Ltmp0, $4  }
0x15: {  	v9 =	vor.u32 s14, v0;
	v10 =	vor.u32 s16, v0;
	s3 =	sadd.s32 $0x400, s3;
	v2 =	vor.u32 s7, v0;
	s7 =	sadd.s32 s2, s15;
	s15 =	smax.u32 s6, $0x1  }
0x16: {  	v11 =	vor.u32 s17, v0;
	v13 =	vor.u32 s20, v0;
	v14 =	vor.u32 s18, v0;
	s6 =	simm.s32 $0x6600;
	[dreg:$0x6] =	wrdreg s3;
	s3 =	sor.u32 $0x10, s5  }
0x17: {  	v15 =	vor.u32 s21, v0;
	v17 =	vor.u32 s23, v0;
	s1 =	sadd.s32 $0x63600, s7;
	[dreg:$0x9] =	wrdreg s15;
	v1 =	vor.u32 s3, v0;
	s3 =	sor.u32 $0x130, s5  }
0x18: {  	v18 =	vor.u32 s24, v0;
	v19 =	vor.u32 s25, v0;
	s7 =	simm.s32 $0x6500;
	[dreg:$0x8] =	wrdreg s1;
	s5 =	simm.s32 $0x6400;
	v20 =	vor.u32 s3, v0  }
.LBB2_7:
0x19: {  	[hbm4b:s4+s25] =	stream.indirect.scatter @!p0 [tilespmem:s26], [sflag:$0x4], $0x80, s3, s25, $0xb8;
	[tilespmem:$0x1D600] =	vst v63  }
0x1a: {  	s28 =	simm.s32 $0xA0  }
.LBB2_8:
0x1b: {  	s0 =	sand.u32 $0x1, s6  }
0x1c: {  	p0 =	seq.s32 s0, $0x1;
	s0 =	simm.s32 $0x3  }
0x1d: {  	s0 =	simm.s32 @!p0 $0x4  }
0x1e: {  	_ =	swait.ge [sflag:s0], $0x4000  }
0x1f: {  	s26 =	simm.s32 $0x0;
	[sflag:s0] =	ssyncset.done $0x0  }
0x20: {  	s10 =	simm.s32 $0xB600;
	s31 =	rddreg [dreg:$0xb];
	[sflag:s0] =	ssyncadd.s32 $0xFFFFC000  }
.LBB2_9:
0x21: {  	s31 =	sadd.s32 $0x1, s31;
	s0 =	rddreg [dreg:$0x9]  }
0x22: {  	p0 =	sne.s32 s31, s0  }
.Ltmp1:
0x23: {  	_ = 	snop;
	(pc) =	sbr.rel @!p0 .LBB2_10-.Ltmp1, $3  }
0x24: {  	_ =	sdelay $0x1  }
0x25: {  	s5 =	simm.s32 $0x6400;
	s6 =	simm.s32 $0x6600  }
0x26: {  	s7 =	simm.s32 $0x6500;
	s4 =	rddreg [dreg:$0x0];
	s29 =	simm.s32 $0x10600  }
.LBB2_1:
0x27: {  	[dreg:$0xb] =	wrdreg s31  }
0x28: {  	s0 =	rddreg [dreg:$0x6];
	s24 =	simm.s32 $0x5  }
0x29: {  	[tilespmem:s26], [sflag:$0x5] =	stream.linear.gather [hbm4b:s0+s26], $0x6400, $0x38;
	[tilespmem:$0x1D600] =	vst v63  }
0x2a: {  	_ =	swait.ge [sflag:s24], $0x6400  }
0x2b: {  	[sflag:s24] =	ssyncset.done $0x0  }
0x2c: {  	[sflag:s24] =	ssyncadd.s32 $0xFFFF9C00  }
0x2d: {  	v22 =	vld [tilespmem:$0x0];
	_ =	sdelay $0x4  }
0x2e: {  	vm0 =	vgt.s32 v22, $0x1869F  }
0x2f: {  	v23 =	vsel vm0, $0x1, v21  }
0x30: {  	(xrf0) =	vadd.scan.msk.s32 $0xffff, v23;
	_ =	sdelay $0x5  }
0x31: {  	v23, _, _ =	vpop (xrf0)  }
0x32: {  	v24 =	vadd.s32 $0xFFFFFFFF, v23;
	_ =	sdelay $0x1  }
0x33: {  	v25 =	vsel vm0, $0xFFFE7960, v21  }
0x34: {  	v25 =	vadd.s32 v22, v25  }
0x35: {  	[tilespmem:$0x6400] =	vst v25  }
0x36: {  	v22 =	vadd.s32 $0xFFFE7960, v22;
	[tilespmem:v24+s29+$0x0] =	vst.idx.msk vm0, v3  }
0x37: {  	[tilespmem:v24+s13+$0x0] =	vst.idx.msk vm0, v22  }
0x38: {  	v22 =	vld [tilespmem:$0x10];
	_ =	sdelay $0x4  }
0x39: {  	vm9 =	vgt.s32 v22, $0x1869F  }
0x3a: {  	v63 =	vsel vm9, $0x1, v21  }
0x3b: {  	(xrf0) =	vadd.scan.msk.s32 $0xffff, v63;
	_ =	sdelay $0x4  }
0x3c: {  	v24 =	vbroadcast v24, $0xF  }
0x3d: {  	(v2sf) =	vpush v23, $0xF;
	v23, _, _ =	vpop (xrf0)  }
0x3e: {  	v24 =	vadd.s32 v24, v23;
	(v2sf) =	vpush v23, $0xF;
	_ =	sdelay $0x1  }
0x3f: {  	v23 =	vsel vm9, $0xFFFE7960, v21  }
0x40: {  	v23 =	vadd.s32 v22, v23  }
0x41: {  	[tilespmem:$0x6410] =	vst v23  }
0x42: {  	v22 =	vadd.s32 $0xFFFE7960, v22;
	[tilespmem:v24+s29+$0x0] =	vst.idx.msk vm9, v1  }
0x43: {  	[tilespmem:v24+s13+$0x0] =	vst.idx.msk vm9, v22  }
0x44: {  	v22 =	vld [tilespmem:$0x20];
	_ =	sdelay $0x4  }
0x45: {  	vm10 =	vgt.s32 v22, $0x1869F  }
0x46: {  	v23 =	vsel vm10, $0x1, v21  }
0x47: {  	s25 =	spop (v2sf);
	(xrf0) =	vadd.scan.msk.s32 $0xffff, v23  }
0x48: {  	s1 =	spop (v2sf)  }
0x49: {  	s0 =	sadd.s32 s25, s1  }
0x4a: {  	v23 =	vmov s0  }
0x4b: {  	v23 =	vadd.s32 $0xFFFFFFFF, v23  }
0x4c: {  	v23 =	vbroadcast v23, $0x0  }
0x4d: {  	v28, _, _ =	vpop (xrf0)  }
0x4e: {  	v23 =	vadd.s32 v28, v23;
	(v2sf) =	vpush v28, $0xF;
	_ =	sdelay $0x1  }
0x4f: {  	v29 =	vsel vm10, $0xFFFE7960, v21  }
0x50: {  	v24 =	vadd.s32 v22, v29  }
0x51: {  	[tilespmem:$0x6420] =	vst v24  }
0x52: {  	v22 =	vadd.s32 $0xFFFE7960, v22;
	[tilespmem:v23+s29+$0x0] =	vst.idx.msk vm10, v2  }
0x53: {  	[tilespmem:v23+s13+$0x0] =	vst.idx.msk vm10, v22  }
0x54: {  	v22 =	vld [tilespmem:$0x30];
	_ =	sdelay $0x4  }
0x55: {  	vm11 =	vgt.s32 v22, $0x1869F  }
0x56: {  	v23 =	vsel vm11, $0x1, v21  }
0x57: {  	(xrf0) =	vadd.scan.msk.s32 $0xffff, v23  }
0x58: {  	s30 =	spop (v2sf)  }
0x59: {  	s0 =	sadd.s32 s0, s30  }
0x5a: {  	v23 =	vmov s0  }
0x5b: {  	v23 =	vadd.s32 $0xFFFFFFFF, v23  }
0x5c: {  	v23 =	vbroadcast v23, $0x0  }
0x5d: {  	v30, _, _ =	vpop (xrf0)  }
0x5e: {  	v23 =	vadd.s32 v30, v23;
	(v2sf) =	vpush v30, $0xF;
	_ =	sdelay $0x1  }
0x5f: {  	v31 =	vsel vm11, $0xFFFE7960, v21  }
0x60: {  	v24 =	vadd.s32 v22, v31  }
0x61: {  	[tilespmem:$0x6430] =	vst v24  }
0x62: {  	v22 =	vadd.s32 $0xFFFE7960, v22;
	[tilespmem:v23+s29+$0x0] =	vst.idx.msk vm11, v4  }
0x63: {  	[tilespmem:v23+s13+$0x0] =	vst.idx.msk vm11, v22  }
0x64: {  	v22 =	vld [tilespmem:$0x40];
	_ =	sdelay $0x4  }
0x65: {  	vm12 =	vgt.s32 v22, $0x1869F  }
0x66: {  	v23 =	vsel vm12, $0x1, v21  }
0x67: {  	(xrf0) =	vadd.scan.msk.s32 $0xffff, v23  }
0x68: {  	s2 =	spop (v2sf)  }
0x69: {  	s0 =	sadd.s32 s0, s2  }
0x6a: {  	v23 =	vmov s0  }
0x6b: {  	v23 =	vadd.s32 $0xFFFFFFFF, v23  }
0x6c: {  	v23 =	vbroadcast v23, $0x0  }
0x6d: {  	v32, _, _ =	vpop (xrf0)  }
0x6e: {  	v23 =	vadd.s32 v32, v23;
	(v2sf) =	vpush v32, $0xF;
	_ =	sdelay $0x1  }
0x6f: {  	v33 =	vsel vm12, $0xFFFE7960, v21  }
0x70: {  	v24 =	vadd.s32 v22, v33  }
0x71: {  	[tilespmem:$0x6440] =	vst v24  }
0x72: {  	v22 =	vadd.s32 $0xFFFE7960, v22;
	[tilespmem:v23+s29+$0x0] =	vst.idx.msk vm12, v5  }
0x73: {  	[tilespmem:v23+s13+$0x0] =	vst.idx.msk vm12, v22  }
0x74: {  	v22 =	vld [tilespmem:$0x50];
	_ =	sdelay $0x4  }
0x75: {  	vm13 =	vgt.s32 v22, $0x1869F  }
0x76: {  	v23 =	vsel vm13, $0x1, v21  }
0x77: {  	(xrf0) =	vadd.scan.msk.s32 $0xffff, v23  }
0x78: {  	s3 =	spop (v2sf)  }
0x79: {  	s0 =	sadd.s32 s0, s3  }
0x7a: {  	v23 =	vmov s0  }
0x7b: {  	v23 =	vadd.s32 $0xFFFFFFFF, v23  }
0x7c: {  	v23 =	vbroadcast v23, $0x0  }
0x7d: {  	v34, _, _ =	vpop (xrf0)  }
0x7e: {  	v23 =	vadd.s32 v34, v23;
	(v2sf) =	vpush v34, $0xF;
	_ =	sdelay $0x1  }
0x7f: {  	v35 =	vsel vm13, $0xFFFE7960, v21  }
0x80: {  	v24 =	vadd.s32 v22, v35  }
0x81: {  	[tilespmem:$0x6450] =	vst v24  }
0x82: {  	v22 =	vadd.s32 $0xFFFE7960, v22;
	[tilespmem:v23+s29+$0x0] =	vst.idx.msk vm13, v6  }
0x83: {  	[tilespmem:v23+s13+$0x0] =	vst.idx.msk vm13, v22  }
0x84: {  	v22 =	vld [tilespmem:$0x60];
	_ =	sdelay $0x4  }
0x85: {  	vm14 =	vgt.s32 v22, $0x1869F  }
0x86: {  	v23 =	vsel vm14, $0x1, v21  }
0x87: {  	(xrf0) =	vadd.scan.msk.s32 $0xffff, v23  }
0x88: {  	s8 =	spop (v2sf)  }
0x89: {  	s0 =	sadd.s32 s0, s8  }
0x8a: {  	v23 =	vmov s0  }
0x8b: {  	v23 =	vadd.s32 $0xFFFFFFFF, v23  }
0x8c: {  	v23 =	vbroadcast v23, $0x0  }
0x8d: {  	v36, _, _ =	vpop (xrf0)  }
0x8e: {  	v23 =	vadd.s32 v36, v23;
	(v2sf) =	vpush v36, $0xF;
	_ =	sdelay $0x1  }
0x8f: {  	v37 =	vsel vm14, $0xFFFE7960, v21  }
0x90: {  	v24 =	vadd.s32 v22, v37  }
0x91: {  	[tilespmem:$0x6460] =	vst v24  }
0x92: {  	v22 =	vadd.s32 $0xFFFE7960, v22;
	[tilespmem:v23+s29+$0x0] =	vst.idx.msk vm14, v7  }
0x93: {  	[tilespmem:v23+s13+$0x0] =	vst.idx.msk vm14, v22  }
0x94: {  	v22 =	vld [tilespmem:$0x70];
	_ =	sdelay $0x4  }
0x95: {  	vm15 =	vgt.s32 v22, $0x1869F  }
0x96: {  	v23 =	vsel vm15, $0x1, v21  }
0x97: {  	(xrf0) =	vadd.scan.msk.s32 $0xffff, v23  }
0x98: {  	s9 =	spop (v2sf)  }
0x99: {  	s0 =	sadd.s32 s0, s9  }
0x9a: {  	v23 =	vmov s0  }
0x9b: {  	v23 =	vadd.s32 $0xFFFFFFFF, v23  }
0x9c: {  	v23 =	vbroadcast v23, $0x0  }
0x9d: {  	v38, _, _ =	vpop (xrf0)  }
0x9e: {  	v23 =	vadd.s32 v38, v23;
	(v2sf) =	vpush v38, $0xF;
	_ =	sdelay $0x1  }
0x9f: {  	v39 =	vsel vm15, $0xFFFE7960, v21  }
0xa0: {  	v24 =	vadd.s32 v22, v39  }
0xa1: {  	[tilespmem:$0x6470] =	vst v24  }
0xa2: {  	v22 =	vadd.s32 $0xFFFE7960, v22;
	[tilespmem:v23+s29+$0x0] =	vst.idx.msk vm15, v8  }
0xa3: {  	[tilespmem:v23+s13+$0x0] =	vst.idx.msk vm15, v22  }
0xa4: {  	v22 =	vld [tilespmem:$0x80];
	_ =	sdelay $0x4  }
0xa5: {  	vm4 =	vgt.s32 v22, $0x1869F  }
0xa6: {  	v23 =	vsel vm4, $0x1, v21  }
0xa7: {  	(xrf0) =	vadd.scan.msk.s32 $0xffff, v23  }
0xa8: {  	s11 =	spop (v2sf)  }
0xa9: {  	s0 =	sadd.s32 s0, s11  }
0xaa: {  	v23 =	vmov s0  }
0xab: {  	v23 =	vadd.s32 $0xFFFFFFFF, v23  }
0xac: {  	v23 =	vbroadcast v23, $0x0  }
0xad: {  	v40, _, _ =	vpop (xrf0)  }
0xae: {  	v23 =	vadd.s32 v40, v23;
	(v2sf) =	vpush v40, $0xF;
	_ =	sdelay $0x1  }
0xaf: {  	v41 =	vsel vm4, $0xFFFE7960, v21  }
0xb0: {  	v24 =	vadd.s32 v22, v41  }
0xb1: {  	[tilespmem:$0x6480] =	vst v24  }
0xb2: {  	v22 =	vadd.s32 $0xFFFE7960, v22;
	[tilespmem:v23+s29+$0x0] =	vst.idx.msk vm4, v9  }
0xb3: {  	[tilespmem:v23+s13+$0x0] =	vst.idx.msk vm4, v22  }
0xb4: {  	v22 =	vld [tilespmem:$0x90];
	_ =	sdelay $0x4  }
0xb5: {  	vm5 =	vgt.s32 v22, $0x1869F  }
0xb6: {  	v23 =	vsel vm5, $0x1, v21  }
0xb7: {  	(xrf0) =	vadd.scan.msk.s32 $0xffff, v23  }
0xb8: {  	s12 =	spop (v2sf)  }
0xb9: {  	s0 =	sadd.s32 s0, s12  }
0xba: {  	v23 =	vmov s0  }
0xbb: {  	v23 =	vadd.s32 $0xFFFFFFFF, v23  }
0xbc: {  	v23 =	vbroadcast v23, $0x0  }
0xbd: {  	v42, _, _ =	vpop (xrf0)  }
0xbe: {  	v23 =	vadd.s32 v42, v23  }
0xbf: {  	(v2sf) =	vpush v42, $0xF  }
0xc0: {  	v43 =	vsel vm5, $0xFFFE7960, v21  }
0xc1: {  	v24 =	vadd.s32 v22, v43  }
0xc2: {  	[tilespmem:$0x6490] =	vst v24  }
0xc3: {  	v22 =	vadd.s32 $0xFFFE7960, v22;
	[tilespmem:v23+s29+$0x0] =	vst.idx.msk vm5, v10  }
0xc4: {  	[tilespmem:v23+s13+$0x0] =	vst.idx.msk vm5, v22  }
0xc5: {  	[tilespmem:s6], [sflag:$0x1] =	stream.indirect.gather [hbm4b:s4+s28], $0x80, s5, s28, $0xb8;
	[tilespmem:$0x1D600] =	vst v63  }
0xc6: {  	v22 =	vld [tilespmem:$0xA0];
	_ =	sdelay $0x4  }
0xc7: {  	vm6 =	vgt.s32 v22, $0x1869F  }
0xc8: {  	v23 =	vsel vm6, $0x1, v21  }
0xc9: {  	(xrf0) =	vadd.scan.msk.s32 $0xffff, v23  }
0xca: {  	s14 =	spop (v2sf)  }
0xcb: {  	s0 =	sadd.s32 s0, s14  }
0xcc: {  	v23 =	vmov s0  }
0xcd: {  	v23 =	vadd.s32 $0xFFFFFFFF, v23  }
0xce: {  	v23 =	vbroadcast v23, $0x0  }
0xcf: {  	v44, _, _ =	vpop (xrf0)  }
0xd0: {  	v23 =	vadd.s32 v23, v44;
	(v2sf) =	vpush v44, $0xF;
	_ =	sdelay $0x1  }
0xd1: {  	v45 =	vsel vm6, $0xFFFE7960, v21  }
0xd2: {  	v24 =	vadd.s32 v22, v45  }
0xd3: {  	[tilespmem:$0x6500] =	vst v24  }
0xd4: {  	v22 =	vadd.s32 $0xFFFE7960, v22;
	[tilespmem:v23+s29+$0x0] =	vst.idx.msk vm6, v11  }
0xd5: {  	[tilespmem:v23+s13+$0x0] =	vst.idx.msk vm6, v22  }
0xd6: {  	v22 =	vld [tilespmem:$0xB0];
	_ =	sdelay $0x4  }
0xd7: {  	vm7 =	vgt.s32 v22, $0x1869F  }
0xd8: {  	v23 =	vsel vm7, $0x1, v21  }
0xd9: {  	(xrf0) =	vadd.scan.msk.s32 $0xffff, v23  }
0xda: {  	s15 =	spop (v2sf)  }
0xdb: {  	s1 =	sadd.s32 s0, s15  }
0xdc: {  	v23 =	vmov s1  }
0xdd: {  	v23 =	vadd.s32 $0xFFFFFFFF, v23  }
0xde: {  	v23 =	vbroadcast v23, $0x0  }
0xdf: {  	v46, _, _ =	vpop (xrf0)  }
0xe0: {  	v23 =	vadd.s32 v46, v23;
	(v2sf) =	vpush v46, $0xF;
	_ =	sdelay $0x1  }
0xe1: {  	v47 =	vsel vm7, $0xFFFE7960, v21  }
0xe2: {  	v24 =	vadd.s32 v22, v47  }
0xe3: {  	[tilespmem:$0x6510] =	vst v24  }
0xe4: {  	v22 =	vadd.s32 $0xFFFE7960, v22;
	[tilespmem:v23+s29+$0x0] =	vst.idx.msk vm7, v12  }
0xe5: {  	[tilespmem:v23+s13+$0x0] =	vst.idx.msk vm7, v22  }
0xe6: {  	v22 =	vld [tilespmem:$0xC0];
	_ =	sdelay $0x4  }
0xe7: {  	vm8 =	vgt.s32 v22, $0x1869F  }
0xe8: {  	v23 =	vsel vm8, $0x1, v21  }
0xe9: {  	(xrf0) =	vadd.scan.msk.s32 $0xffff, v23  }
0xea: {  	s3 =	spop (v2sf)  }
0xeb: {  	s1 =	sadd.s32 s1, s3  }
0xec: {  	v23 =	vmov s1  }
0xed: {  	v23 =	vadd.s32 $0xFFFFFFFF, v23  }
0xee: {  	v23 =	vbroadcast v23, $0x0  }
0xef: {  	v48, _, _ =	vpop (xrf0)  }
0xf0: {  	v23 =	vadd.s32 v48, v23;
	(v2sf) =	vpush v48, $0xF;
	_ =	sdelay $0x1  }
0xf1: {  	v49 =	vsel vm8, $0xFFFE7960, v21  }
0xf2: {  	v24 =	vadd.s32 v22, v49  }
0xf3: {  	[tilespmem:$0x6520] =	vst v24  }
0xf4: {  	v22 =	vadd.s32 $0xFFFE7960, v22;
	[tilespmem:v23+s29+$0x0] =	vst.idx.msk vm8, v13  }
0xf5: {  	[tilespmem:v23+s13+$0x0] =	vst.idx.msk vm8, v22  }
0xf6: {  	v22 =	vld [tilespmem:$0xD0];
	_ =	sdelay $0x4  }
0xf7: {  	vm9 =	vgt.s32 v22, $0x1869F  }
0xf8: {  	v23 =	vsel vm9, $0x1, v21  }
0xf9: {  	(xrf0) =	vadd.scan.msk.s32 $0xffff, v23  }
0xfa: {  	s16 =	spop (v2sf)  }
0xfb: {  	s1 =	sadd.s32 s1, s16  }
0xfc: {  	v23 =	vmov s1  }
0xfd: {  	v23 =	vadd.s32 $0xFFFFFFFF, v23  }
0xfe: {  	v23 =	vbroadcast v23, $0x0  }
0xff: {  	v50, _, _ =	vpop (xrf0)  }
0x100: {  	v23 =	vadd.s32 v50, v23;
	(v2sf) =	vpush v50, $0xF;
	_ =	sdelay $0x1  }
0x101: {  	v51 =	vsel vm9, $0xFFFE7960, v21  }
0x102: {  	v24 =	vadd.s32 v22, v51  }
0x103: {  	[tilespmem:$0x6530] =	vst v24  }
0x104: {  	v22 =	vadd.s32 $0xFFFE7960, v22;
	[tilespmem:v23+s29+$0x0] =	vst.idx.msk vm9, v14  }
0x105: {  	[tilespmem:v23+s13+$0x0] =	vst.idx.msk vm9, v22  }
0x106: {  	v22 =	vld [tilespmem:$0xE0];
	_ =	sdelay $0x4  }
0x107: {  	vm10 =	vgt.s32 v22, $0x1869F  }
0x108: {  	v23 =	vsel vm10, $0x1, v21  }
0x109: {  	(xrf0) =	vadd.scan.msk.s32 $0xffff, v23  }
0x10a: {  	s17 =	spop (v2sf)  }
0x10b: {  	s1 =	sadd.s32 s1, s17  }
0x10c: {  	v23 =	vmov s1  }
0x10d: {  	v23 =	vadd.s32 $0xFFFFFFFF, v23  }
0x10e: {  	v23 =	vbroadcast v23, $0x0  }
0x10f: {  	v52, _, _ =	vpop (xrf0)  }
0x110: {  	v23 =	vadd.s32 v52, v23;
	(v2sf) =	vpush v52, $0xF;
	_ =	sdelay $0x1  }
0x111: {  	v53 =	vsel vm10, $0xFFFE7960, v21  }
0x112: {  	v24 =	vadd.s32 v22, v53  }
0x113: {  	[tilespmem:$0x6540] =	vst v24  }
0x114: {  	v22 =	vadd.s32 $0xFFFE7960, v22;
	[tilespmem:v23+s29+$0x0] =	vst.idx.msk vm10, v15  }
0x115: {  	[tilespmem:v23+s13+$0x0] =	vst.idx.msk vm10, v22  }
0x116: {  	v22 =	vld [tilespmem:$0xF0];
	_ =	sdelay $0x4  }
0x117: {  	vm11 =	vgt.s32 v22, $0x1869F  }
0x118: {  	v23 =	vsel vm11, $0x1, v21  }
0x119: {  	(xrf0) =	vadd.scan.msk.s32 $0xffff, v23  }
0x11a: {  	s18 =	spop (v2sf)  }
0x11b: {  	s1 =	sadd.s32 s1, s18  }
0x11c: {  	v23 =	vmov s1  }
0x11d: {  	v23 =	vadd.s32 $0xFFFFFFFF, v23  }
0x11e: {  	v23 =	vbroadcast v23, $0x0  }
0x11f: {  	v54, _, _ =	vpop (xrf0)  }
0x120: {  	v23 =	vadd.s32 v54, v23;
	(v2sf) =	vpush v54, $0xF;
	_ =	sdelay $0x1  }
0x121: {  	v55 =	vsel vm11, $0xFFFE7960, v21  }
0x122: {  	v24 =	vadd.s32 v22, v55  }
0x123: {  	[tilespmem:$0x6550] =	vst v24  }
0x124: {  	v22 =	vadd.s32 $0xFFFE7960, v22;
	[tilespmem:v23+s29+$0x0] =	vst.idx.msk vm11, v16  }
0x125: {  	[tilespmem:v23+s13+$0x0] =	vst.idx.msk vm11, v22  }
0x126: {  	v22 =	vld [tilespmem:$0x100];
	_ =	sdelay $0x4  }
0x127: {  	vm12 =	vgt.s32 v22, $0x1869F  }
0x128: {  	v23 =	vsel vm12, $0x1, v21  }
0x129: {  	(xrf0) =	vadd.scan.msk.s32 $0xffff, v23  }
0x12a: {  	s20 =	spop (v2sf)  }
0x12b: {  	s1 =	sadd.s32 s1, s20  }
0x12c: {  	v23 =	vmov s1  }
0x12d: {  	v23 =	vadd.s32 $0xFFFFFFFF, v23  }
0x12e: {  	v23 =	vbroadcast v23, $0x0  }
0x12f: {  	v56, _, _ =	vpop (xrf0)  }
0x130: {  	v23 =	vadd.s32 v56, v23;
	(v2sf) =	vpush v56, $0xF;
	_ =	sdelay $0x1  }
0x131: {  	v57 =	vsel vm12, $0xFFFE7960, v21  }
0x132: {  	v24 =	vadd.s32 v22, v57  }
0x133: {  	[tilespmem:$0x6560] =	vst v24  }
0x134: {  	v22 =	vadd.s32 $0xFFFE7960, v22;
	[tilespmem:v23+s29+$0x0] =	vst.idx.msk vm12, v17  }
0x135: {  	[tilespmem:v23+s13+$0x0] =	vst.idx.msk vm12, v22  }
0x136: {  	v22 =	vld [tilespmem:$0x110];
	_ =	sdelay $0x4  }
0x137: {  	vm13 =	vgt.s32 v22, $0x1869F  }
0x138: {  	v23 =	vsel vm13, $0x1, v21  }
0x139: {  	(xrf0) =	vadd.scan.msk.s32 $0xffff, v23  }
0x13a: {  	s21 =	spop (v2sf)  }
0x13b: {  	s1 =	sadd.s32 s1, s21  }
0x13c: {  	v23 =	vmov s1  }
0x13d: {  	v23 =	vadd.s32 $0xFFFFFFFF, v23  }
0x13e: {  	v23 =	vbroadcast v23, $0x0  }
0x13f: {  	v58, _, _ =	vpop (xrf0)  }
0x140: {  	v23 =	vadd.s32 v58, v23;
	(v2sf) =	vpush v58, $0xF;
	_ =	sdelay $0x1  }
0x141: {  	v59 =	vsel vm13, $0xFFFE7960, v21  }
0x142: {  	v24 =	vadd.s32 v22, v59  }
0x143: {  	[tilespmem:$0x6570] =	vst v24  }
0x144: {  	v22 =	vadd.s32 $0xFFFE7960, v22;
	[tilespmem:v23+s29+$0x0] =	vst.idx.msk vm13, v18  }
0x145: {  	[tilespmem:v23+s13+$0x0] =	vst.idx.msk vm13, v22  }
0x146: {  	v22 =	vld [tilespmem:$0x120];
	_ =	sdelay $0x4  }
0x147: {  	vm14 =	vgt.s32 v22, $0x1869F  }
0x148: {  	v23 =	vsel vm14, $0x1, v21  }
0x149: {  	(xrf0) =	vadd.scan.msk.s32 $0xffff, v23  }
0x14a: {  	s23 =	spop (v2sf)  }
0x14b: {  	s1 =	sadd.s32 s1, s23  }
0x14c: {  	v23 =	vmov s1  }
0x14d: {  	v23 =	vadd.s32 $0xFFFFFFFF, v23  }
0x14e: {  	v23 =	vbroadcast v23, $0x0  }
0x14f: {  	v60, _, _ =	vpop (xrf0)  }
0x150: {  	v23 =	vadd.s32 v60, v23;
	_ =	sdelay $0x1  }
0x151: {  	v61 =	vsel vm14, $0xFFFE7960, v21  }
0x152: {  	v25 =	vadd.s32 v22, v61  }
0x153: {  	[tilespmem:$0x6580] =	vst v25  }
0x154: {  	v22 =	vadd.s32 $0xFFFE7960, v22;
	[tilespmem:v23+s29+$0x0] =	vst.idx.msk vm14, v19  }
0x155: {  	[tilespmem:v23+s13+$0x0] =	vst.idx.msk vm14, v22  }
0x156: {  	(v2sf) =	vpush v60, $0xF;
	v22 =	vld [tilespmem:$0x130];
	_ =	sdelay $0x4  }
0x157: {  	vm15 =	vgt.s32 v22, $0x1869F  }
0x158: {  	v23 =	vsel vm15, $0x1, v21  }
0x159: {  	(xrf0) =	vadd.scan.msk.s32 $0xffff, v23;
	_ =	sdelay $0x5  }
0x15a: {  	v23, _, _ =	vpop (xrf0)  }
0x15b: {  	(v2sf) =	vpush v23, $0xF  }
0x15c: {  	s24 =	spop (v2sf)  }
0x15d: {  	s1 =	sadd.s32 s1, s24  }
0x15e: {  	v62 =	vmov s1  }
0x15f: {  	v24 =	vadd.s32 $0xFFFFFFFF, v62  }
0x160: {  	v24 =	vbroadcast v24, $0x0;
	_ =	sdelay $0x1  }
0x161: {  	v23 =	vadd.s32 v23, v24;
	_ =	sdelay $0x1  }
0x162: {  	v63 =	vsel vm15, $0xFFFE7960, v21  }
0x163: {  	v24 =	vadd.s32 v22, v63  }
0x164: {  	[tilespmem:$0x6590] =	vst v24  }
0x165: {  	v22 =	vadd.s32 $0xFFFE7960, v22;
	[tilespmem:v23+s29+$0x0] =	vst.idx.msk vm15, v20  }
0x166: {  	[tilespmem:v23+s13+$0x0] =	vst.idx.msk vm15, v22  }
0x167: {  	[tilespmem:s10], [sflag:$0x2] =	stream.indirect.gather [hbm4b:s4+s28], $0x80, s7, s28, $0xb8;
	[tilespmem:$0x1D600] =	vst v63  }
0x168: {  	[smem:$0x0] =	sst s0;
	s25 =	spop (v2sf)  }
0x169: {  	_ =	swait.ge [sflag:s19], $0x5000  }
0x16a: {  	[sflag:s19] =	ssyncset.done $0x0  }
0x16b: {  	s31 =	simm.s32 $0x270;
	s30 =	rddreg [dreg:$0x7];
	[sflag:s19] =	ssyncadd.s32 $0xFFFFB000  }
0x16c: {  	[hbm4b:s30+s26] =	stream.linear.scatter [tilespmem:s6], [sflag:$0x3], $0x5000, $0x38;
	[tilespmem:$0x1D600] =	vst v63  }
0x16d: {  	s25 =	sadd.s32 s1, s25;
	s10 =	rddreg [dreg:$0xa];
	s6 =	simm.s32 $0x0  }
.LBB2_2:
0x16e: {  	s0 =	simm.s32 $0x3  }
0x16f: {  	_ =	swait.ge [sflag:s0], $0x5000  }
0x170: {  	[sflag:s0] =	ssyncset.done $0x0  }
0x171: {  	[sflag:s0] =	ssyncadd.s32 $0xFFFFB000  }
0x172: {  	v22 =	vld [tilespmem:s31+$0xFFFFFED0];
	_ =	sdelay $0x4  }
0x173: {  	vm0 =	vgt.s32 v22, $0x1869F  }
0x174: {  	v23 =	vsel vm0, $0x1, v21  }
0x175: {  	(xrf0) =	vadd.scan.msk.s32 $0xffff, v23;
	_ =	sdelay $0x2  }
0x176: {  	v23 =	vmov s25  }
0x177: {  	v23 =	vadd.s32 $0xFFFFFFFF, v23  }
0x178: {  	v23 =	vbroadcast v23, $0x0  }
0x179: {  	v24, _, _ =	vpop (xrf0)  }
0x17a: {  	v23 =	vadd.s32 v23, v24;
	(v2sf) =	vpush v24, $0xF  }
0x17b: {  	s20 =	rddreg [dreg:$0x5]  }
0x17c: {  	s9 =	sadd.s32 s6, s20;
	v42 =	vsel vm0, $0xFFFE7960, v21  }
0x17d: {  	s0 =	sadd.s32 $0x140, s9;
	v24 =	vadd.s32 v22, v42  }
0x17e: {  	v43 =	vor.u32 s0, v0;
	[tilespmem:$0x6400] =	vst v24  }
0x17f: {  	v22 =	vadd.s32 $0xFFFE7960, v22;
	[tilespmem:v23+s29+$0x0] =	vst.idx.msk vm0, v43  }
0x180: {  	[tilespmem:v23+s13+$0x0] =	vst.idx.msk vm0, v22  }
0x181: {  	v22 =	vld [tilespmem:s31+$0xFFFFFEE0];
	_ =	sdelay $0x4  }
0x182: {  	vm9 =	vgt.s32 v22, $0x1869F  }
0x183: {  	v23 =	vsel vm9, $0x1, v21  }
0x184: {  	(xrf0) =	vadd.scan.msk.s32 $0xffff, v23  }
0x185: {  	s21 =	spop (v2sf)  }
0x186: {  	s0 =	sadd.s32 s25, s21  }
0x187: {  	v23 =	vmov s0  }
0x188: {  	v23 =	vadd.s32 $0xFFFFFFFF, v23  }
0x189: {  	v23 =	vbroadcast v23, $0x0  }
0x18a: {  	v44, _, _ =	vpop (xrf0)  }
0x18b: {  	v23 =	vadd.s32 v44, v23;
	(v2sf) =	vpush v44, $0xF;
	_ =	sdelay $0x1  }
0x18c: {  	v45 =	vsel vm9, $0xFFFE7960, v21  }
0x18d: {  	s1 =	sadd.s32 $0x150, s9;
	v24 =	vadd.s32 v22, v45  }
0x18e: {  	v46 =	vor.u32 s1, v0;
	[tilespmem:$0x6410] =	vst v24  }
0x18f: {  	v22 =	vadd.s32 $0xFFFE7960, v22;
	[tilespmem:v23+s29+$0x0] =	vst.idx.msk vm9, v46  }
0x190: {  	[tilespmem:v23+s13+$0x0] =	vst.idx.msk vm9, v22  }
0x191: {  	v22 =	vld [tilespmem:s31+$0xFFFFFEF0];
	_ =	sdelay $0x4  }
0x192: {  	vm10 =	vgt.s32 v22, $0x1869F  }
0x193: {  	v23 =	vsel vm10, $0x1, v21  }
0x194: {  	(xrf0) =	vadd.scan.msk.s32 $0xffff, v23  }
0x195: {  	s30 =	spop (v2sf)  }
0x196: {  	s0 =	sadd.s32 s0, s30  }
0x197: {  	v23 =	vmov s0  }
0x198: {  	v23 =	vadd.s32 $0xFFFFFFFF, v23  }
0x199: {  	v23 =	vbroadcast v23, $0x0  }
0x19a: {  	v47, _, _ =	vpop (xrf0)  }
0x19b: {  	v23 =	vadd.s32 v47, v23;
	(v2sf) =	vpush v47, $0xF;
	_ =	sdelay $0x1  }
0x19c: {  	v48 =	vsel vm10, $0xFFFE7960, v21  }
0x19d: {  	s23 =	sadd.s32 $0x160, s9;
	v24 =	vadd.s32 v22, v48  }
0x19e: {  	v49 =	vor.u32 s23, v0;
	[tilespmem:$0x6420] =	vst v24  }
0x19f: {  	v22 =	vadd.s32 $0xFFFE7960, v22;
	[tilespmem:v23+s29+$0x0] =	vst.idx.msk vm10, v49  }
0x1a0: {  	[tilespmem:v23+s13+$0x0] =	vst.idx.msk vm10, v22  }
0x1a1: {  	v22 =	vld [tilespmem:s31+$0xFFFFFF00];
	_ =	sdelay $0x4  }
0x1a2: {  	vm11 =	vgt.s32 v22, $0x1869F  }
0x1a3: {  	v23 =	vsel vm11, $0x1, v21  }
0x1a4: {  	(xrf0) =	vadd.scan.msk.s32 $0xffff, v23  }
0x1a5: {  	s2 =	spop (v2sf)  }
0x1a6: {  	s0 =	sadd.s32 s0, s2  }
0x1a7: {  	v23 =	vmov s0  }
0x1a8: {  	v23 =	vadd.s32 $0xFFFFFFFF, v23  }
0x1a9: {  	v23 =	vbroadcast v23, $0x0  }
0x1aa: {  	v50, _, _ =	vpop (xrf0)  }
0x1ab: {  	v23 =	vadd.s32 v50, v23;
	(v2sf) =	vpush v50, $0xF;
	_ =	sdelay $0x1  }
0x1ac: {  	v51 =	vsel vm11, $0xFFFE7960, v21  }
0x1ad: {  	s24 =	sadd.s32 $0x170, s9;
	v24 =	vadd.s32 v22, v51  }
0x1ae: {  	v52 =	vor.u32 s24, v0;
	[tilespmem:$0x6430] =	vst v24  }
0x1af: {  	v22 =	vadd.s32 $0xFFFE7960, v22;
	[tilespmem:v23+s29+$0x0] =	vst.idx.msk vm11, v52  }
0x1b0: {  	s7 =	smov.u32 s25;
	s25 =	sand.u32 $0xFFC0, s6;
	[tilespmem:v23+s13+$0x0] =	vst.idx.msk vm11, v22  }
0x1b1: {  	v22 =	vld [tilespmem:s25+$0x180];
	_ =	sdelay $0x4  }
0x1b2: {  	vm12 =	vgt.s32 v22, $0x1869F  }
0x1b3: {  	v23 =	vsel vm12, $0x1, v21  }
0x1b4: {  	(xrf0) =	vadd.scan.msk.s32 $0xffff, v23  }
0x1b5: {  	s4 =	spop (v2sf)  }
0x1b6: {  	s0 =	sadd.s32 s0, s4  }
0x1b7: {  	v23 =	vmov s0  }
0x1b8: {  	v23 =	vadd.s32 $0xFFFFFFFF, v23  }
0x1b9: {  	v23 =	vbroadcast v23, $0x0  }
0x1ba: {  	v53, _, _ =	vpop (xrf0)  }
0x1bb: {  	v23 =	vadd.s32 v53, v23;
	(v2sf) =	vpush v53, $0xF;
	_ =	sdelay $0x1  }
0x1bc: {  	v54 =	vsel vm12, $0xFFFE7960, v21  }
0x1bd: {  	s3 =	sadd.s32 $0x180, s9;
	v24 =	vadd.s32 v22, v54  }
0x1be: {  	v55 =	vor.u32 s3, v0;
	[tilespmem:$0x6440] =	vst v24  }
0x1bf: {  	v22 =	vadd.s32 $0xFFFE7960, v22;
	[tilespmem:v23+s29+$0x0] =	vst.idx.msk vm12, v55  }
0x1c0: {  	[tilespmem:v23+s13+$0x0] =	vst.idx.msk vm12, v22  }
0x1c1: {  	v22 =	vld [tilespmem:s31+$0xFFFFFF20];
	_ =	sdelay $0x4  }
0x1c2: {  	vm13 =	vgt.s32 v22, $0x1869F  }
0x1c3: {  	v23 =	vsel vm13, $0x1, v21  }
0x1c4: {  	(xrf0) =	vadd.scan.msk.s32 $0xffff, v23  }
0x1c5: {  	s16 =	spop (v2sf)  }
0x1c6: {  	s0 =	sadd.s32 s0, s16  }
0x1c7: {  	v23 =	vmov s0  }
0x1c8: {  	v23 =	vadd.s32 $0xFFFFFFFF, v23  }
0x1c9: {  	v23 =	vbroadcast v23, $0x0  }
0x1ca: {  	v56, _, _ =	vpop (xrf0)  }
0x1cb: {  	v23 =	vadd.s32 v56, v23;
	(v2sf) =	vpush v56, $0xF;
	_ =	sdelay $0x1  }
0x1cc: {  	v57 =	vsel vm13, $0xFFFE7960, v21  }
0x1cd: {  	s5 =	sadd.s32 $0x190, s9;
	v24 =	vadd.s32 v22, v57  }
0x1ce: {  	v58 =	vor.u32 s5, v0;
	[tilespmem:$0x6450] =	vst v24  }
0x1cf: {  	v22 =	vadd.s32 $0xFFFE7960, v22;
	[tilespmem:v23+s29+$0x0] =	vst.idx.msk vm13, v58  }
0x1d0: {  	[tilespmem:v23+s13+$0x0] =	vst.idx.msk vm13, v22  }
0x1d1: {  	v22 =	vld [tilespmem:s31+$0xFFFFFF30];
	_ =	sdelay $0x4  }
0x1d2: {  	vm14 =	vgt.s32 v22, $0x1869F  }
0x1d3: {  	v23 =	vsel vm14, $0x1, v21  }
0x1d4: {  	(xrf0) =	vadd.scan.msk.s32 $0xffff, v23  }
0x1d5: {  	s8 =	spop (v2sf)  }
0x1d6: {  	s0 =	sadd.s32 s0, s8  }
0x1d7: {  	v23 =	vmov s0  }
0x1d8: {  	v23 =	vadd.s32 $0xFFFFFFFF, v23  }
0x1d9: {  	v23 =	vbroadcast v23, $0x0  }
0x1da: {  	v59, _, _ =	vpop (xrf0)  }
0x1db: {  	v23 =	vadd.s32 v59, v23;
	(v2sf) =	vpush v59, $0xF;
	_ =	sdelay $0x1  }
0x1dc: {  	v60 =	vsel vm14, $0xFFFE7960, v21  }
0x1dd: {  	s26 =	sadd.s32 $0x1A0, s9;
	v24 =	vadd.s32 v22, v60  }
0x1de: {  	v61 =	vor.u32 s26, v0;
	[tilespmem:$0x6460] =	vst v24  }
0x1df: {  	v22 =	vadd.s32 $0xFFFE7960, v22;
	[tilespmem:v23+s29+$0x0] =	vst.idx.msk vm14, v61  }
0x1e0: {  	[tilespmem:v23+s13+$0x0] =	vst.idx.msk vm14, v22  }
0x1e1: {  	v22 =	vld [tilespmem:s31+$0xFFFFFF40];
	_ =	sdelay $0x4  }
0x1e2: {  	vm15 =	vgt.s32 v22, $0x1869F  }
0x1e3: {  	v23 =	vsel vm15, $0x1, v21  }
0x1e4: {  	(xrf0) =	vadd.scan.msk.s32 $0xffff, v23  }
0x1e5: {  	s12 =	spop (v2sf)  }
0x1e6: {  	s3 =	sadd.s32 s0, s12  }
0x1e7: {  	v23 =	vmov s3  }
0x1e8: {  	v23 =	vadd.s32 $0xFFFFFFFF, v23  }
0x1e9: {  	v23 =	vbroadcast v23, $0x0  }
0x1ea: {  	v62, _, _ =	vpop (xrf0)  }
0x1eb: {  	v23 =	vadd.s32 v62, v23;
	(v2sf) =	vpush v62, $0xF;
	_ =	sdelay $0x1  }
0x1ec: {  	v63 =	vsel vm15, $0xFFFE7960, v21  }
0x1ed: {  	s11 =	sadd.s32 $0x1B0, s9;
	v24 =	vadd.s32 v22, v63  }
0x1ee: {  	v28 =	vor.u32 s11, v0;
	[tilespmem:$0x6470] =	vst v24  }
0x1ef: {  	v22 =	vadd.s32 $0xFFFE7960, v22;
	[tilespmem:v23+s29+$0x0] =	vst.idx.msk vm15, v28  }
0x1f0: {  	[tilespmem:v23+s13+$0x0] =	vst.idx.msk vm15, v22  }
0x1f1: {  	v22 =	vld [tilespmem:s31+$0xFFFFFF50];
	_ =	sdelay $0x4  }
0x1f2: {  	vm4 =	vgt.s32 v22, $0x1869F  }
0x1f3: {  	v23 =	vsel vm4, $0x1, v21  }
0x1f4: {  	(xrf0) =	vadd.scan.msk.s32 $0xffff, v23  }
0x1f5: {  	s0 =	spop (v2sf)  }
0x1f6: {  	s5 =	sadd.s32 s3, s0  }
0x1f7: {  	v23 =	vmov s5  }
0x1f8: {  	v23 =	vadd.s32 $0xFFFFFFFF, v23  }
0x1f9: {  	v23 =	vbroadcast v23, $0x0  }
0x1fa: {  	v29, _, _ =	vpop (xrf0)  }
0x1fb: {  	v23 =	vadd.s32 v29, v23;
	_ =	sdelay $0x1  }
0x1fc: {  	v25 =	vsel vm4, $0xFFFE7960, v21  }
0x1fd: {  	s11 =	sadd.s32 $0x1C0, s9;
	v25 =	vadd.s32 v22, v25  }
0x1fe: {  	v30 =	vor.u32 s11, v0;
	[tilespmem:$0x6480] =	vst v25  }
0x1ff: {  	v22 =	vadd.s32 $0xFFFE7960, v22;
	[tilespmem:v23+s29+$0x0] =	vst.idx.msk vm4, v30  }
0x200: {  	[tilespmem:v23+s13+$0x0] =	vst.idx.msk vm4, v22  }
0x201: {  	(v2sf) =	vpush v29, $0xF;
	v22 =	vld [tilespmem:s31+$0xFFFFFF60];
	_ =	sdelay $0x4  }
0x202: {  	vm5 =	vgt.s32 v22, $0x1869F  }
0x203: {  	v23 =	vsel vm5, $0x1, v21  }
0x204: {  	(xrf0) =	vadd.scan.msk.s32 $0xffff, v23;
	_ =	sdelay $0x5  }
0x205: {  	v23, _, _ =	vpop (xrf0)  }
0x206: {  	(v2sf) =	vpush v23, $0xF  }
0x207: {  	s11 =	spop (v2sf)  }
0x208: {  	s5 =	sadd.s32 s5, s11  }
0x209: {  	v31 =	vmov s5  }
0x20a: {  	v24 =	vadd.s32 $0xFFFFFFFF, v31  }
0x20b: {  	v24 =	vbroadcast v24, $0x0;
	_ =	sdelay $0x1  }
0x20c: {  	v23 =	vadd.s32 v23, v24;
	_ =	sdelay $0x1  }
0x20d: {  	v32 =	vsel vm5, $0xFFFE7960, v21  }
0x20e: {  	s14 =	sadd.s32 $0x1D0, s9;
	v24 =	vadd.s32 v22, v32  }
0x20f: {  	v33 =	vor.u32 s14, v0;
	[tilespmem:$0x6490] =	vst v24  }
0x210: {  	v22 =	vadd.s32 $0xFFFE7960, v22;
	[tilespmem:v23+s29+$0x0] =	vst.idx.msk vm5, v33  }
0x211: {  	s15 =	simm.s32 $0x6600;
	s14 =	simm.s32 $0x6400;
	s26 =	rddreg [dreg:$0x0];
	[tilespmem:v23+s13+$0x0] =	vst.idx.msk vm5, v22  }
0x212: {  	[tilespmem:s15], [sflag:$0x1] =	stream.indirect.gather [hbm4b:s26+s28], $0x80, s14, s28, $0xb8;
	[tilespmem:$0x1D600] =	vst v63  }
0x213: {  	s18 =	simm.s32 $0x2;
	[dreg:$0xf] =	wrdreg s21;
	s24 =	spop (v2sf)  }
0x214: {  	_ =	swait.ge [sflag:s18], $0x5000  }
0x215: {  	[sflag:s18] =	ssyncset.done $0x0  }
0x216: {  	s17 =	simm.s32 $0x0;
	s20 =	simm.s32 $0xB600;
	[sflag:s18] =	ssyncadd.s32 $0xFFFFB000  }
0x217: {  	[hbm4b:s10+s17] =	stream.linear.scatter [tilespmem:s20], [sflag:$0x4], $0x5000, $0x38;
	[tilespmem:$0x1D600] =	vst v63  }
0x218: {  	_ =	swait.ge [sflag:s22], $0x5000  }
0x219: {  	[sflag:s22] =	ssyncset.done $0x0  }
0x21a: {  	[sflag:s22] =	ssyncadd.s32 $0xFFFFB000  }
0x21b: {  	v22 =	vld [tilespmem:s31+$0xFFFFFF70];
	_ =	sdelay $0x4  }
0x21c: {  	vm6 =	vgt.s32 v22, $0x1869F  }
0x21d: {  	v23 =	vsel vm6, $0x1, v21  }
0x21e: {  	(xrf0) =	vadd.scan.msk.s32 $0xffff, v23;
	_ =	sdelay $0x1  }
0x21f: {  	s5 =	sadd.s32 s5, s24  }
0x220: {  	v23 =	vmov s5  }
0x221: {  	v23 =	vadd.s32 $0xFFFFFFFF, v23  }
0x222: {  	v23 =	vbroadcast v23, $0x0  }
0x223: {  	v34, _, _ =	vpop (xrf0)  }
0x224: {  	v23 =	vadd.s32 v23, v34;
	(v2sf) =	vpush v34, $0xF;
	_ =	sdelay $0x1  }
0x225: {  	v35 =	vsel vm6, $0xFFFE7960, v21  }
0x226: {  	s21 =	sadd.s32 $0x1E0, s9;
	v24 =	vadd.s32 v22, v35  }
0x227: {  	v36 =	vor.u32 s21, v0;
	[tilespmem:$0x6500] =	vst v24  }
0x228: {  	v22 =	vadd.s32 $0xFFFE7960, v22;
	[tilespmem:v23+s29+$0x0] =	vst.idx.msk vm6, v36  }
0x229: {  	[tilespmem:v23+s13+$0x0] =	vst.idx.msk vm6, v22  }
0x22a: {  	v22 =	vld [tilespmem:s31+$0xFFFFFF80];
	_ =	sdelay $0x4  }
0x22b: {  	vm7 =	vgt.s32 v22, $0x1869F  }
0x22c: {  	v23 =	vsel vm7, $0x1, v21  }
0x22d: {  	(xrf0) =	vadd.scan.msk.s32 $0xffff, v23  }
0x22e: {  	s15 =	spop (v2sf)  }
0x22f: {  	s5 =	sadd.s32 s5, s15  }
0x230: {  	v23 =	vmov s5  }
0x231: {  	v23 =	vadd.s32 $0xFFFFFFFF, v23  }
0x232: {  	v23 =	vbroadcast v23, $0x0  }
0x233: {  	v37, _, _ =	vpop (xrf0)  }
0x234: {  	v23 =	vadd.s32 v37, v23;
	(v2sf) =	vpush v37, $0xF;
	_ =	sdelay $0x1  }
0x235: {  	v38 =	vsel vm7, $0xFFFE7960, v21  }
0x236: {  	s23 =	sadd.s32 $0x1F0, s9;
	v24 =	vadd.s32 v22, v38  }
0x237: {  	v39 =	vor.u32 s23, v0;
	[tilespmem:$0x6510] =	vst v24  }
0x238: {  	v22 =	vadd.s32 $0xFFFE7960, v22;
	[tilespmem:v23+s29+$0x0] =	vst.idx.msk vm7, v39  }
0x239: {  	[tilespmem:v23+s13+$0x0] =	vst.idx.msk vm7, v22  }
0x23a: {  	v22 =	vld [tilespmem:s25+$0x200];
	_ =	sdelay $0x4  }
0x23b: {  	vm8 =	vgt.s32 v22, $0x1869F  }
0x23c: {  	v23 =	vsel vm8, $0x1, v21  }
0x23d: {  	(xrf0) =	vadd.scan.msk.s32 $0xffff, v23  }
0x23e: {  	s17 =	spop (v2sf)  }
0x23f: {  	s5 =	sadd.s32 s5, s17  }
0x240: {  	v23 =	vmov s5  }
0x241: {  	v23 =	vadd.s32 $0xFFFFFFFF, v23  }
0x242: {  	v23 =	vbroadcast v23, $0x0  }
0x243: {  	v40, _, _ =	vpop (xrf0)  }
0x244: {  	v23 =	vadd.s32 v40, v23;
	(v2sf) =	vpush v40, $0xF;
	_ =	sdelay $0x1  }
0x245: {  	v41 =	vsel vm8, $0xFFFE7960, v21  }
0x246: {  	s25 =	sadd.s32 $0x200, s9;
	v24 =	vadd.s32 v22, v41  }
0x247: {  	v42 =	vor.u32 s25, v0;
	[tilespmem:$0x6520] =	vst v24  }
0x248: {  	v22 =	vadd.s32 $0xFFFE7960, v22;
	[tilespmem:v23+s29+$0x0] =	vst.idx.msk vm8, v42  }
0x249: {  	[tilespmem:v23+s13+$0x0] =	vst.idx.msk vm8, v22  }
0x24a: {  	v22 =	vld [tilespmem:s31+$0xFFFFFFA0];
	_ =	sdelay $0x4  }
0x24b: {  	vm9 =	vgt.s32 v22, $0x1869F  }
0x24c: {  	v23 =	vsel vm9, $0x1, v21  }
0x24d: {  	(xrf0) =	vadd.scan.msk.s32 $0xffff, v23  }
0x24e: {  	s1 =	spop (v2sf)  }
0x24f: {  	s3 =	sadd.s32 s5, s1  }
0x250: {  	v23 =	vmov s3  }
0x251: {  	v23 =	vadd.s32 $0xFFFFFFFF, v23  }
0x252: {  	v23 =	vbroadcast v23, $0x0  }
0x253: {  	v43, _, _ =	vpop (xrf0)  }
0x254: {  	v23 =	vadd.s32 v43, v23;
	(v2sf) =	vpush v43, $0xF;
	_ =	sdelay $0x1  }
0x255: {  	v44 =	vsel vm9, $0xFFFE7960, v21  }
0x256: {  	s18 =	sadd.s32 $0x210, s9;
	v24 =	vadd.s32 v22, v44  }
0x257: {  	v45 =	vor.u32 s18, v0;
	[tilespmem:$0x6530] =	vst v24  }
0x258: {  	v22 =	vadd.s32 $0xFFFE7960, v22;
	[tilespmem:v23+s29+$0x0] =	vst.idx.msk vm9, v45  }
0x259: {  	[tilespmem:v23+s13+$0x0] =	vst.idx.msk vm9, v22  }
0x25a: {  	v22 =	vld [tilespmem:s31+$0xFFFFFFB0];
	_ =	sdelay $0x4  }
0x25b: {  	vm10 =	vgt.s32 v22, $0x1869F  }
0x25c: {  	v23 =	vsel vm10, $0x1, v21  }
0x25d: {  	(xrf0) =	vadd.scan.msk.s32 $0xffff, v23  }
0x25e: {  	s5 =	spop (v2sf)  }
0x25f: {  	s18 =	sadd.s32 s3, s5  }
0x260: {  	v23 =	vmov s18  }
0x261: {  	v23 =	vadd.s32 $0xFFFFFFFF, v23  }
0x262: {  	v23 =	vbroadcast v23, $0x0  }
0x263: {  	v46, _, _ =	vpop (xrf0)  }
0x264: {  	v23 =	vadd.s32 v46, v23;
	(v2sf) =	vpush v46, $0xF;
	_ =	sdelay $0x1  }
0x265: {  	v47 =	vsel vm10, $0xFFFE7960, v21  }
0x266: {  	s20 =	sadd.s32 $0x220, s9;
	v24 =	vadd.s32 v22, v47  }
0x267: {  	v48 =	vor.u32 s20, v0;
	[tilespmem:$0x6540] =	vst v24  }
0x268: {  	v22 =	vadd.s32 $0xFFFE7960, v22;
	[tilespmem:v23+s29+$0x0] =	vst.idx.msk vm10, v48  }
0x269: {  	[tilespmem:v23+s13+$0x0] =	vst.idx.msk vm10, v22  }
0x26a: {  	v22 =	vld [tilespmem:s31+$0xFFFFFFC0];
	_ =	sdelay $0x4  }
0x26b: {  	vm11 =	vgt.s32 v22, $0x1869F  }
0x26c: {  	v23 =	vsel vm11, $0x1, v21  }
0x26d: {  	(xrf0) =	vadd.scan.msk.s32 $0xffff, v23  }
0x26e: {  	s14 =	spop (v2sf)  }
0x26f: {  	s20 =	sadd.s32 s18, s14  }
0x270: {  	v23 =	vmov s20  }
0x271: {  	v23 =	vadd.s32 $0xFFFFFFFF, v23  }
0x272: {  	v23 =	vbroadcast v23, $0x0  }
0x273: {  	v49, _, _ =	vpop (xrf0)  }
0x274: {  	v23 =	vadd.s32 v49, v23;
	(v2sf) =	vpush v49, $0xF;
	_ =	sdelay $0x1  }
0x275: {  	v50 =	vsel vm11, $0xFFFE7960, v21  }
0x276: {  	s21 =	sadd.s32 $0x230, s9;
	v24 =	vadd.s32 v22, v50  }
0x277: {  	v51 =	vor.u32 s21, v0;
	[tilespmem:$0x6550] =	vst v24  }
0x278: {  	v22 =	vadd.s32 $0xFFFE7960, v22;
	[tilespmem:v23+s29+$0x0] =	vst.idx.msk vm11, v51  }
0x279: {  	[tilespmem:v23+s13+$0x0] =	vst.idx.msk vm11, v22  }
0x27a: {  	v22 =	vld [tilespmem:s31+$0xFFFFFFD0];
	_ =	sdelay $0x4  }
0x27b: {  	vm12 =	vgt.s32 v22, $0x1869F  }
0x27c: {  	v23 =	vsel vm12, $0x1, v21  }
0x27d: {  	(xrf0) =	vadd.scan.msk.s32 $0xffff, v23  }
0x27e: {  	s18 =	spop (v2sf)  }
0x27f: {  	s21 =	sadd.s32 s20, s18  }
0x280: {  	v23 =	vmov s21  }
0x281: {  	v23 =	vadd.s32 $0xFFFFFFFF, v23  }
0x282: {  	v23 =	vbroadcast v23, $0x0  }
0x283: {  	v52, _, _ =	vpop (xrf0)  }
0x284: {  	v23 =	vadd.s32 v52, v23;
	(v2sf) =	vpush v52, $0xF;
	_ =	sdelay $0x1  }
0x285: {  	v53 =	vsel vm12, $0xFFFE7960, v21  }
0x286: {  	s23 =	sadd.s32 $0x240, s9;
	v24 =	vadd.s32 v22, v53  }
0x287: {  	v54 =	vor.u32 s23, v0;
	[tilespmem:$0x6560] =	vst v24  }
0x288: {  	v22 =	vadd.s32 $0xFFFE7960, v22;
	[tilespmem:v23+s29+$0x0] =	vst.idx.msk vm12, v54  }
0x289: {  	[tilespmem:v23+s13+$0x0] =	vst.idx.msk vm12, v22  }
0x28a: {  	v22 =	vld [tilespmem:s31+$0xFFFFFFE0];
	_ =	sdelay $0x4  }
0x28b: {  	vm13 =	vgt.s32 v22, $0x1869F  }
0x28c: {  	v23 =	vsel vm13, $0x1, v21  }
0x28d: {  	(xrf0) =	vadd.scan.msk.s32 $0xffff, v23  }
0x28e: {  	s20 =	spop (v2sf)  }
0x28f: {  	s23 =	sadd.s32 s21, s20  }
0x290: {  	v23 =	vmov s23  }
0x291: {  	v23 =	vadd.s32 $0xFFFFFFFF, v23  }
0x292: {  	v23 =	vbroadcast v23, $0x0  }
0x293: {  	v55, _, _ =	vpop (xrf0)  }
0x294: {  	v23 =	vadd.s32 v55, v23;
	(v2sf) =	vpush v55, $0xF;
	_ =	sdelay $0x1  }
0x295: {  	v56 =	vsel vm13, $0xFFFE7960, v21  }
0x296: {  	s25 =	sadd.s32 $0x250, s9;
	v24 =	vadd.s32 v22, v56  }
0x297: {  	v57 =	vor.u32 s25, v0;
	[tilespmem:$0x6570] =	vst v24  }
0x298: {  	v22 =	vadd.s32 $0xFFFE7960, v22;
	[tilespmem:v23+s29+$0x0] =	vst.idx.msk vm13, v57  }
0x299: {  	[tilespmem:v23+s13+$0x0] =	vst.idx.msk vm13, v22  }
0x29a: {  	v22 =	vld [tilespmem:s31+$0xFFFFFFF0];
	_ =	sdelay $0x4  }
0x29b: {  	vm14 =	vgt.s32 v22, $0x1869F  }
0x29c: {  	v23 =	vsel vm14, $0x1, v21  }
0x29d: {  	(xrf0) =	vadd.scan.msk.s32 $0xffff, v23  }
0x29e: {  	s21 =	spop (v2sf)  }
0x29f: {  	s25 =	sadd.s32 s23, s21  }
0x2a0: {  	v23 =	vmov s25  }
0x2a1: {  	v23 =	vadd.s32 $0xFFFFFFFF, v23  }
0x2a2: {  	v23 =	vbroadcast v23, $0x0  }
0x2a3: {  	v58, _, _ =	vpop (xrf0)  }
0x2a4: {  	v23 =	vadd.s32 v58, v23;
	_ =	sdelay $0x1  }
0x2a5: {  	v59 =	vsel vm14, $0xFFFE7960, v21  }
0x2a6: {  	s3 =	sadd.s32 $0x260, s9;
	v25 =	vadd.s32 v22, v59  }
0x2a7: {  	v60 =	vor.u32 s3, v0;
	[tilespmem:$0x6580] =	vst v25  }
0x2a8: {  	v22 =	vadd.s32 $0xFFFE7960, v22;
	[tilespmem:v23+s29+$0x0] =	vst.idx.msk vm14, v60  }
0x2a9: {  	[tilespmem:v23+s13+$0x0] =	vst.idx.msk vm14, v22  }
0x2aa: {  	(v2sf) =	vpush v58, $0xF;
	v22 =	vld [tilespmem:s31+$0x0];
	_ =	sdelay $0x4  }
0x2ab: {  	vm15 =	vgt.s32 v22, $0x1869F  }
0x2ac: {  	v23 =	vsel vm15, $0x1, v21  }
0x2ad: {  	(xrf0) =	vadd.scan.msk.s32 $0xffff, v23;
	_ =	sdelay $0x5  }
0x2ae: {  	v23, _, _ =	vpop (xrf0)  }
0x2af: {  	(v2sf) =	vpush v23, $0xF  }
0x2b0: {  	s23 =	spop (v2sf)  }
0x2b1: {  	s25 =	sadd.s32 s25, s23  }
0x2b2: {  	v61 =	vmov s25  }
0x2b3: {  	v24 =	vadd.s32 $0xFFFFFFFF, v61  }
0x2b4: {  	v24 =	vbroadcast v24, $0x0;
	_ =	sdelay $0x1  }
0x2b5: {  	v23 =	vadd.s32 v23, v24;
	_ =	sdelay $0x1  }
0x2b6: {  	v62 =	vsel vm15, $0xFFFE7960, v21  }
0x2b7: {  	s9 =	sadd.s32 $0x270, s9;
	v24 =	vadd.s32 v22, v62  }
0x2b8: {  	v63 =	vor.u32 s9, v0;
	[tilespmem:$0x6590] =	vst v24  }
0x2b9: {  	v22 =	vadd.s32 $0xFFFE7960, v22;
	[tilespmem:v23+s29+$0x0] =	vst.idx.msk vm15, v63  }
0x2ba: {  	s28 =	simm.s32 $0x6500;
	s29 =	simm.s32 $0xA0;
	[tilespmem:v23+s13+$0x0] =	vst.idx.msk vm15, v22;
	s13 =	simm.s32 $0xB600  }
0x2bb: {  	[tilespmem:s13], [sflag:$0x2] =	stream.indirect.gather [hbm4b:s26+s29], $0x80, s28, s29, $0xb8;
	[tilespmem:$0x1D600] =	vst v63  }
0x2bc: {  	s9 =	spop (v2sf)  }
0x2bd: {  	p0 =	sne.s32 s6, $0x6180;
	s6 =	sadd.s32 $0x140, s6;
	s25 =	sadd.s32 s25, s9  }
0x2be: {  	s3 =	simm.s32 $0xB600;
	s31 =	sadd.s32 $0x140, s31;
	[smem:$0x0] =	sst s25  }
.Ltmp2:
0x2bf: {  	s13 =	simm.s32 $0x16E00;
	_ =	swait.ge [sflag:s19], $0x5000;
	(pc) =	sbr.rel @p0 .LBB2_2-.Ltmp2, $4  }
0x2c0: {  	s28 =	simm.s32 $0x0;
	s26 =	sadd.s32 $0xA00, s10;
	[sflag:s19] =	ssyncset.done $0x0  }
0x2c1: {  	s29 =	simm.s32 $0x6600;
	s10 =	sadd.s32 $0x1400, s10;
	[sflag:s19] =	ssyncadd.s32 $0xFFFFB000  }
0x2c2: {  	[hbm4b:s26+s28] =	stream.linear.scatter [tilespmem:s29], [sflag:$0x3], $0x5000, $0x38;
	[tilespmem:$0x1D600] =	vst v63  }
0x2c3: {  	s29 =	simm.s32 $0x10600;
	s28 =	simm.s32 $0xA0;
	s26 =	simm.s32 $0x0  }
0x2c4: {  	[dreg:$0xe] =	wrdreg s7  }
0x2c5: {  	[dreg:$0xc] =	wrdreg s2  }
0x2c6: {  	[dreg:$0xd] =	wrdreg s30;
	s10 =	simm.s32 $0x2  }
0x2c7: {  	s7 =	rddreg [dreg:$0xf];
	_ =	swait.ge [sflag:s10], $0x5000  }
0x2c8: {  	[sflag:s10] =	ssyncset.done $0x0  }
0x2c9: {  	s30 =	simm.s32 $0x3;
	s6 =	rddreg [dreg:$0x8];
	[sflag:s10] =	ssyncadd.s32 $0xFFFFB000  }
0x2ca: {  	[hbm4b:s6+s26] =	stream.linear.scatter [tilespmem:s3], [sflag:$0x4], $0x5000, $0x38;
	[tilespmem:$0x1D600] =	vst v63  }
0x2cb: {  	p0 =	slt.s32 s25, $0x1;
	_ =	swait.ge [sflag:s30], $0x5000  }
.Ltmp3:
0x2cc: {  	[sflag:s30] =	ssyncset.done $0x0;
	(pc) =	sbr.rel @p0 .LBB2_9-.Ltmp3, $4  }
0x2cd: {  	[sflag:s30] =	ssyncadd.s32 $0xFFFFB000  }
0x2ce: {  	_ =	swait.ge [sflag:s22], $0x5000  }
0x2cf: {  	[sflag:s22] =	ssyncset.done $0x0  }
0x2d0: {  	s10 =	simm.s32 $0xB600;
	s31 =	rddreg [dreg:$0xb];
	[sflag:s22] =	ssyncadd.s32 $0xFFFFB000  }
0x2d1: {  	v22 =	vld.msk [tilespmem:s29+$0x0], $0xffff;
	v23 =	vadd.s32 s25, v0  }
0x2d2: {  	v24 =	vld.msk [tilespmem:s13+$0x0], $0xffff;
	s6 =	sadd.s32 $0x10, s25  }
0x2d3: {  	v25 =	vadd.s32 s6, v0  }
0x2d4: {  	s3 =	sadd.s32 $0x20, s25  }
0x2d5: {  	v26 =	vadd.s32 s3, v0  }
0x2d6: {  	s10 =	sadd.s32 $0x30, s25;
	[tilespmem:v23+s29+$0x0] =	vst.idx.msk $0xffff, v22  }
0x2d7: {  	[tilespmem:v23+s13+$0x0] =	vst.idx.msk $0xffff, v24;
	v23 =	vadd.s32 s10, v0  }
0x2d8: {  	s26 =	sadd.s32 $0x40, s25;
	[tilespmem:v25+s29+$0x0] =	vst.idx.msk $0xffff, v22  }
0x2d9: {  	v61 =	vadd.s32 s26, v0;
	[tilespmem:v25+s13+$0x0] =	vst.idx.msk $0xffff, v24  }
0x2da: {  	s30 =	sadd.s32 $0x50, s25;
	[tilespmem:v26+s29+$0x0] =	vst.idx.msk $0xffff, v22  }
0x2db: {  	v62 =	vadd.s32 s30, v0;
	[tilespmem:v26+s13+$0x0] =	vst.idx.msk $0xffff, v24  }
0x2dc: {  	s31 =	sadd.s32 $0x60, s25;
	[tilespmem:v23+s29+$0x0] =	vst.idx.msk $0xffff, v22  }
0x2dd: {  	[tilespmem:v23+s13+$0x0] =	vst.idx.msk $0xffff, v24;
	v23 =	vadd.s32 s31, v0  }
0x2de: {  	s2 =	sadd.s32 $0x70, s25;
	[tilespmem:v61+s29+$0x0] =	vst.idx.msk $0xffff, v22  }
0x2df: {  	v63 =	vadd.s32 s2, v0;
	[tilespmem:v61+s13+$0x0] =	vst.idx.msk $0xffff, v24  }
0x2e0: {  	[tilespmem:v62+s29+$0x0] =	vst.idx.msk $0xffff, v22  }
0x2e1: {  	[tilespmem:v62+s13+$0x0] =	vst.idx.msk $0xffff, v24  }
0x2e2: {  	[tilespmem:v23+s29+$0x0] =	vst.idx.msk $0xffff, v22  }
0x2e3: {  	[tilespmem:v23+s13+$0x0] =	vst.idx.msk $0xffff, v24  }
0x2e4: {  	[tilespmem:v63+s29+$0x0] =	vst.idx.msk $0xffff, v22  }
0x2e5: {  	s3 =	simm.s32 $0x6600;
	s2 =	rddreg [dreg:$0x1];
	s10 =	simm.s32 $0x80;
	[tilespmem:v63+s13+$0x0] =	vst.idx.msk $0xffff, v24  }
0x2e6: {  	[tilespmem:s3], [sflag:$0x1] =	stream.indirect.gather [hbm4b:s2+s10], $0x80, s13, s10, $0xb8;
	[tilespmem:$0x1D600] =	vst v63  }
0x2e7: {  	_ =	swait.ge [sflag:s19], $0x4000  }
0x2e8: {  	[sflag:s19] =	ssyncset.done $0x0  }
0x2e9: {  	[sflag:s19] =	ssyncadd.s32 $0xFFFFC000  }
0x2ea: {  	p0 =	slt.u32 s25, $0x81;
	s30 =	rddreg [dreg:$0x3]  }
0x2eb: {  	[hbm4b:s30+s10] =	stream.indirect.scatter [tilespmem:s3], [sflag:$0x3], $0x80, s29, s10, $0xb8;
	[tilespmem:$0x1D600] =	vst v63  }
0x2ec: {  	s6 =	simm.s32 @!p0 $0x16E80;
	s3 =	simm.s32 @!p0 $0x80;
	s29 =	simm.s32 @!p0 $0xB600  }
0x2ed: {  	[tilespmem:s29], [sflag:$0x2] =	stream.indirect.gather @!p0 [hbm4b:s2+s3], $0x80, s6, s3, $0xb8;
	[tilespmem:$0x1D600] =	vst v63  }
0x2ee: {  	s6 =	simm.s32 @!p0 $0x2  }
0x2ef: {  	_ =	swait.ge @!p0 [sflag:s6], $0x4000  }
0x2f0: {  	p1 =	slt.u32 @!p0 s25, $0x101;
	[sflag:s6] =	ssyncset.done @!p0 $0x0  }
0x2f1: {  	p1 =	por p1, p0;
	s31 =	simm.s32 @!p0 $0x3;
	[sflag:s6] =	ssyncadd.s32 @!p0 $0xFFFFC000  }
0x2f2: {  	s26 =	sadd.s32 $0x7F, s25;
	s10 =	simm.s32 @!p1 $0x16F00;
	_ =	swait.ge @!p0 [sflag:s31], $0x4000  }
0x2f3: {  	s6 =	sshrl.u32 s26, $0x7;
	s26 =	simm.s32 @!p1 $0x6600;
	[sflag:s31] =	ssyncset.done @!p0 $0x0  }
0x2f4: {  	s25 =	sadd.s32 $0x1, s6;
	[sflag:s31] =	ssyncadd.s32 @!p0 $0xFFFFC000;
	s31 =	simm.s32 @!p1 $0x80  }
0x2f5: {  	[tilespmem:s26], [sflag:$0x1] =	stream.indirect.gather @!p1 [hbm4b:s2+s31], $0x80, s10, s31, $0xb8;
	[tilespmem:$0x1D600] =	vst v63  }
0x2f6: {  	s31 =	sshrl.u32 s25, $0x1;
	s25 =	simm.s32 @!p0 $0x10680  }
0x2f7: {  	[hbm4b:s30+s3] =	stream.indirect.scatter @!p0 [tilespmem:s29], [sflag:$0x4], $0x80, s25, s3, $0xb8;
	[tilespmem:$0x1D600] =	vst v63  }
0x2f8: {  	p0 =	seq.s32 s31, $0x1  }
.Ltmp4:
0x2f9: {  	_ = 	snop;
	(pc) =	sbr.rel @p0 .LBB2_8-.Ltmp4, $1  }
0x2fa: {  	_ =	sdelay $0x3  }
0x2fb: {  	_ =	swait.ge [sflag:s19], $0x4000  }
0x2fc: {  	[sflag:s19] =	ssyncset.done $0x0  }
0x2fd: {  	s10 =	simm.s32 $0x10700;
	[sflag:s19] =	ssyncadd.s32 $0xFFFFC000  }
0x2fe: {  	s25 =	simm.s32 $0x6600;
	s26 =	simm.s32 $0x80;
	s3 =	rddreg [dreg:$0x3]  }
0x2ff: {  	[hbm4b:s3+s26] =	stream.indirect.scatter [tilespmem:s25], [sflag:$0x3], $0x80, s10, s26, $0xb8;
	[tilespmem:$0x1D600] =	vst v63  }
0x300: {  	_ =	swait.ge [sflag:s22], $0x4000  }
0x301: {  	p0 =	sle.u32 s6, $0x3;
	[sflag:s22] =	ssyncset.done $0x0  }
0x302: {  	s31 =	simm.s32 $0x16F80;
	s2 =	simm.s32 @!p0 $0x2;
	[sflag:s22] =	ssyncadd.s32 $0xFFFFC000  }
0x303: {  	s25 =	simm.s32 @!p0 $0x80;
	s26 =	simm.s32 @!p0 $0xB600;
	s30 =	rddreg [dreg:$0x1]  }
0x304: {  	[tilespmem:s26], [sflag:$0x2] =	stream.indirect.gather @!p0 [hbm4b:s30+s25], $0x80, s31, s25, $0xb8;
	[tilespmem:$0x1D600] =	vst v63  }
0x305: {  	_ =	swait.ge @!p0 [sflag:s2], $0x4000  }
0x306: {  	[sflag:s2] =	ssyncset.done @!p0 $0x0  }
0x307: {  	p1 =	sle.u32 @!p0 s6, $0x4;
	[sflag:s2] =	ssyncadd.s32 @!p0 $0xFFFFC000;
	s2 =	simm.s32 @!p0 $0x3  }
0x308: {  	p1 =	por p1, p0;
	_ =	swait.ge @!p0 [sflag:s2], $0x4000  }
0x309: {  	s29 =	simm.s32 @!p1 $0x17000;
	[sflag:s2] =	ssyncset.done @!p0 $0x0  }
0x30a: {  	s28 =	simm.s32 @!p1 $0x80;
	[sflag:s2] =	ssyncadd.s32 @!p0 $0xFFFFC000;
	s2 =	simm.s32 @!p1 $0x6600  }
0x30b: {  	[tilespmem:s2], [sflag:$0x1] =	stream.indirect.gather @!p1 [hbm4b:s30+s28], $0x80, s29, s28, $0xb8;
	[tilespmem:$0x1D600] =	vst v63  }
0x30c: {  	s29 =	rddreg [dreg:$0xd]  }
0x30d: {  	s2 =	sadd.s32 s29, s7;
	s7 =	rddreg [dreg:$0xc]  }
0x30e: {  	s28 =	sadd.s32 s7, s2  }
0x30f: {  	s28 =	sadd.s32 s4, s28  }
0x310: {  	s28 =	sadd.s32 s16, s28  }
0x311: {  	s4 =	smov.u32 s3;
	s3 =	sadd.s32 s8, s28  }
0x312: {  	s3 =	sadd.s32 s12, s3  }
0x313: {  	s0 =	sadd.s32 s0, s3  }
0x314: {  	s0 =	sadd.s32 s11, s0  }
0x315: {  	s0 =	sadd.s32 s24, s0  }
0x316: {  	s0 =	sadd.s32 s15, s0  }
0x317: {  	s0 =	sadd.s32 s17, s0  }
0x318: {  	s0 =	sadd.s32 s1, s0  }
0x319: {  	s0 =	sadd.s32 s5, s0  }
0x31a: {  	s0 =	sadd.s32 s14, s0  }
0x31b: {  	s0 =	sadd.s32 s18, s0  }
0x31c: {  	s0 =	sadd.s32 s20, s0  }
0x31d: {  	s0 =	sadd.s32 s21, s0  }
0x31e: {  	s0 =	sadd.s32 s23, s0  }
0x31f: {  	s29 =	rddreg [dreg:$0xe];
	s0 =	sadd.s32 s9, s0  }
0x320: {  	s0 =	sadd.s32 s29, s0  }
0x321: {  	s0 =	sadd.s32 $0x7F, s0  }
0x322: {  	s0 =	sshrl.u32 s0, $0x7  }
0x323: {  	s0 =	sadd.s32 $0x1, s0  }
0x324: {  	s0 =	sshrl.u32 s0, $0x1  }
0x325: {  	s0 =	sadd.s32 $0xFFFFFFFF, s0  }
0x326: {  	s0 =	sadd.s32 $0xFFFFFFFF, s0  }
0x327: {  	p1 =	sne.s32 s0, $0x0  }
.Ltmp5:
0x328: {  	_ = 	snop;
	(pc) =	sbr.rel @!p1 .LBB2_7-.Ltmp5, $3  }
0x329: {  	_ =	sdelay $0x1  }
0x32a: {  	s3 =	simm.s32 @!p0 $0x10780  }
0x32b: {  	s11 =	simm.s32 $0x6600;
	s1 =	simm.s32 $0x5;
	s14 =	simm.s32 $0x80  }
.LBB2_6:
0x32c: {  	s0 =	sadd.s32 $0xFFFFFFFF, s0;
	s10 =	sadd.s32 $0x100, s10;
	s31 =	sadd.s32 $0x100, s31  }
0x32d: {  	[hbm4b:s4+s25] =	stream.indirect.scatter @!p0 [tilespmem:s26], [sflag:$0x4], $0x80, s3, s25, $0xb8;
	[tilespmem:$0x1D600] =	vst v63  }
0x32e: {  	p1 =	sne.s32 s0, $0x0;
	_ =	swait.ge [sflag:s19], $0x4000  }
0x32f: {  	[sflag:s19] =	ssyncset.done $0x0  }
0x330: {  	[sflag:s19] =	ssyncadd.s32 $0xFFFFC000  }
0x331: {  	[hbm4b:s4+s14] =	stream.indirect.scatter [tilespmem:s11], [sflag:$0x3], $0x80, s10, s14, $0xb8;
	[tilespmem:$0x1D600] =	vst v63  }
0x332: {  	p0 =	sge.u32 s1, s6;
	_ =	swait.ge [sflag:s22], $0x4000  }
0x333: {  	s25 =	simm.s32 @!p0 $0x80;
	s26 =	simm.s32 @!p0 $0xB600;
	[sflag:s22] =	ssyncset.done $0x0  }
0x334: {  	s3 =	simm.s32 @!p0 $0x2;
	s5 =	sadd.s32 @!p0 $0x1, s1;
	[sflag:s22] =	ssyncadd.s32 $0xFFFFC000  }
0x335: {  	[tilespmem:s26], [sflag:$0x2] =	stream.indirect.gather @!p0 [hbm4b:s30+s25], $0x80, s31, s25, $0xb8;
	[tilespmem:$0x1D600] =	vst v63  }
0x336: {  	p2 =	sge.u32 @!p0 s5, s6;
	_ =	swait.ge @!p0 [sflag:s3], $0x4000  }
0x337: {  	s5 =	simm.s32 @!p0 $0x3;
	p2 =	por p2, p0;
	[sflag:s3] =	ssyncset.done @!p0 $0x0  }
.Ltmp6:
0x338: {  	[sflag:s3] =	ssyncadd.s32 @!p0 $0xFFFFC000;
	(pc) =	sbr.rel @p1 .LBB2_6-.Ltmp6, $4  }
0x339: {  	s7 =	simm.s32 @!p2 $0x6600;
	_ =	swait.ge @!p0 [sflag:s5], $0x4000  }
0x33a: {  	s8 =	sadd.s32 @!p2 $0x80, s31;
	s9 =	simm.s32 @!p2 $0x80;
	[sflag:s5] =	ssyncset.done @!p0 $0x0  }
0x33b: {  	s1 =	sadd.s32 $0x2, s1;
	s3 =	sadd.s32 @!p0 $0x80, s10;
	[sflag:s5] =	ssyncadd.s32 @!p0 $0xFFFFC000  }
0x33c: {  	[tilespmem:s7], [sflag:$0x1] =	stream.indirect.gather @!p2 [hbm4b:s30+s9], $0x80, s8, s9, $0xb8;
	[tilespmem:$0x1D600] =	vst v63  }
.Ltmp7:
0x33d: {  	_ = 	snop;
	(pc) =	sbr.rel .LBB2_7-.Ltmp7, $1  }
0x33e: {  	_ =	sdelay $0x3  }
.LBB2_10:
0x33f: {  	_ =	sfence.sel $0x180000  }
0x340: {  	[bflag:$0x0] =	sbarrier.arrive $0xFFFF  }
0x341: {  	_ =	strace $0x90000047  }
0x342: {  	s0 =	stileid.u32;
	[bflag:$0x2] =	sbarrier.arrive $0xFFFF  }
0x343: {  	p0 =	sne.s32 s0, $0x0;
	s0 =	rddreg [dreg:$0x4]  }
0x344: {  	s0 =	sadd.s32 @!p0 $0x100000, s0  }
0x345: {  	[sflag:s0] =	ssyncadd.tile.s32 @!p0 $0x1;
	_ =	shalt  }
.Lfunc_end2:
_tile_overlayer_lowered:
.L_overlay_start_2:
0x346: {  	(tag) =	ssettag $0x2  }
0x347: {  	s0 =	rddreg [dreg:$0x0];
	s2 =	stileid.u32  }
0x348: {  	s1 =	rddreg [dreg:$0x1];
	p0 =	sne.s32 s2, $0x0  }
0x349: {  	s3 =	rddreg [dreg:$0x2];
	[bflag:$0x3] =	sbarrier.arrive $0xFFFF;
	s2 =	simm.s32 @!p0 $0x1C05  }
0x34a: {  	[timem:s3], [sflag:s2] =	dma.local @!p0 [hbm:s0], s1  }
0x34b: {  	s0 =	simm.s32 @!p0 $0x5  }
0x34c: {  	_ =	swait.ge @!p0 [sflag:s0], s1  }
0x34d: {  	s1 =	ssub.s32 @!p0 $0x0, s1;
	[sflag:s0] =	ssyncset.done @!p0 $0x0  }
0x34e: {  	[sflag:s0] =	ssyncadd.s32 @!p0 s1  }
0x34f: {  	[bflag:$0x3] =	sbarrier.arrive $0xFFFF  }
0x350: {  	_ =	shalt  }

</sc_bundles>
